<compile_context>
chip_gen: v7x
topology: tpu7x:2x2x1
jax: 0.10.2.dev20260603
libtpu: 0.0.44.dev20260713+nightly
codegen_flags: <defaults>
</compile_context>

<pallas_src>
import functools
import math

import jax
import jax.numpy as jnp
from jax import lax
from jax.experimental import pallas as pl
from jax.experimental.pallas import tpu as pltpu
from jax.experimental.pallas import tpu_sc as plsc

VOCAB = 1000000
D = 64
B = 16384
L = 50
NC, NS = 2, 16
NW = NC * NS
QW = B // (128 * NW)
NBLK = L * QW
NB = 4
SCALE = math.sqrt(D)


def _body(x_hbm, table_hbm, out_hbm, idx_v, rows_v, tiles_v, gsem, osem):
  c = lax.axis_index("c")
  s = lax.axis_index("s")
  wid = s * NC + c
  q0 = wid * QW

  pltpu.sync_copy(x_hbm.at[:, pl.ds(q0, QW)], idx_v)

  iot = lax.iota(jnp.int32, 16)
  pvec = [(iot + 16 * c) >> 3 for c in range(4)]
  dmvec = [(iot + 16 * c) & 7 for c in range(4)]
  bvec = [jnp.full((16,), b, jnp.int32) for b in range(NB)]

  def startg(i, b):
    l = i // QW
    qi = lax.rem(i, QW)
    pltpu.async_copy(
        table_hbm.at[idx_v.at[l, qi]], rows_v.at[b], gsem.at[b])

  def wait_g(b):
    pltpu.make_async_copy(
        table_hbm.at[pl.ds(0, 128)], rows_v.at[b], gsem.at[b]).wait()

  def start_o(i, b):
    l = i // QW
    qi = lax.rem(i, QW)
    pltpu.async_copy(
        tiles_v.at[b, :, :, pl.ds(0, 128)],
        out_hbm.at[l, :, q0 + qi], osem.at[b])

  def wait_o(b):
    pltpu.make_async_copy(
        tiles_v.at[b, :, :, pl.ds(0, 128)],
        out_hbm.at[0, :, 0], osem.at[b]).wait()

  def transpose_scale(b):
    @plsc.parallel_loop(0, 128, unroll=8)
    def _(r):
      rsplat = jnp.full((16,), r, jnp.int32)
      for c in range(4):
        v = rows_v[b, r, pl.ds(c * 16, 16)] * SCALE
        plsc.store_scatter(tiles_v, [bvec[b], pvec[c], dmvec[c], rsplat], v)

  startg(0, 0)
  startg(1, 1)

  @pl.loop(0, NBLK, step=NB)
  def _(i0):
    for bi in range(NB):
      i = i0 + bi
      b = bi
      b2 = (bi + 2) % NB
      wait_g(b)
      transpose_scale(b)

      @pl.when(i >= 2)
      def _():
        wait_o(b2)

      @pl.when(i + 2 < NBLK)
      def _():
        startg(i + 2, b2)

      start_o(i, b)

  wait_o((NBLK - 2) % NB)
  wait_o((NBLK - 1) % NB)


_emb = functools.partial(
    pl.kernel,
    out_type=jax.ShapeDtypeStruct((L, 8, B // 128, 8, 128), jnp.float32),
    mesh=plsc.VectorSubcoreMesh(core_axis_name="c", subcore_axis_name="s"),
    compiler_params=pltpu.CompilerParams(
        use_tc_tiling_on_sc=False, needs_layout_passes=False),
    scratch_types=[
        pltpu.VMEM((L, QW, 128), jnp.int32),
        pltpu.VMEM((NB, 128, D), jnp.float32),
        pltpu.VMEM((NB, 8, 8, 129), jnp.float32),
        pltpu.SemaphoreType.DMA((NB,)),
        pltpu.SemaphoreType.DMA((NB,)),
    ],
)(_body)


def kernel(x, table):
  xi = x.T.astype(jnp.int32).reshape(L, B // 128, 128)
  o5 = _emb(xi, table)
  return jnp.transpose(o5, (2, 4, 0, 1, 3)).reshape(B, L, D)

# --- scband reference (transcript-rebuilt; emitter-appended) ---
"""Pipeline reference for scband-embeddings-1675037245571 (READ-ONLY COPY).

The authoritative reference and input builder live on the scoring server;
editing this copy changes nothing except your own understanding.
"""

import jax, jax.numpy as jnp
import numpy as np
import math

VOCAB = 1000000
D_MODEL = 64
B = 16384
L = 50

def setup_inputs(seed: int = 0) -> dict:
    key = jax.random.key(seed)
    k1, k2 = jax.random.split(key)
    x = jax.random.randint(k1, (B, L), 0, VOCAB, dtype=jnp.int64 if jax.config.jax_enable_x64 else jnp.int32)
    table = jax.random.normal(k2, (VOCAB, D_MODEL), dtype=jnp.float32)
    return {"x": x, "table": table}

def reference(x, table):
    # Embeddings.forward: self.emb(x) * sqrt(d_model)
    out = jnp.take(table, x, axis=0) * math.sqrt(D_MODEL)
    return out

if __name__ == "__main__":
    import jax
    _d = setup_inputs()
    print(jax.jit(kernel)(*tuple(_d.values())))

</pallas_src>

<mosaic_0001>
#map = affine_map<(d0, d1) -> (0, 0, 0)>
#map1 = affine_map<(d0, d1) -> (0, 0)>
#map2 = affine_map<(d0, d1) -> (0, 0, 0, 0, 0)>
module attributes {stable_mosaic.version = 14 : i64} {
  func.func @_body(%arg0: i32, %arg1: i32, %arg2: memref<50x128x128xi32, #tpu.memory_space<hbm>>, %arg3: memref<1000000x64xf32, #tpu.memory_space<hbm>>, %arg4: memref<50x8x128x8x128xf32, #tpu.memory_space<hbm>>, %arg5: memref<50x4x128xi32, #tpu.memory_space<vmem>>, %arg6: memref<4x128x64xf32, #tpu.memory_space<vmem>>, %arg7: memref<4x8x8x129xf32, #tpu.memory_space<vmem>>, %arg8: memref<4x!tpu.dma_semaphore, #tpu.memory_space<semaphore_mem>>, %arg9: memref<4x!tpu.dma_semaphore, #tpu.memory_space<semaphore_mem>>) attributes {dimension_semantics = [#tpu.dimension_semantics<core_parallel>, #tpu.dimension_semantics<subcore_parallel>], iteration_bounds = array<i64: 2, 16>, scalar_prefetch = 0 : i64, scratch_operands = 5 : i64, tpu.core_type = #tpu.core_type<sc_vector_subcore>, window_params = [{transform_indices = #map}, {transform_indices = #map1}, {transform_indices = #map2}]} {
    %mul3A = arith.constant 2 : i32
    %mul3A_0 = arith.muli %arg1, %mul3A : i32
    %add3A = arith.addi %mul3A_0, %arg0 : i32
    %mul3A_1 = arith.constant 4 : i32
    %mul3A_2 = arith.muli %add3A, %mul3A_1 : i32
    "tpu.region"() ({
      %run_scoped3A = tpu.sem_alloc : memref<!tpu.dma_semaphore, #tpu.memory_space<semaphore_mem>>
      %dma_start3A_145 = arith.constant 0 : i32
      %dma_start3A_146 = arith.constant 0 : i32
      %dma_start3A_147 = tpu.memref_slice %arg2[%dma_start3A_145, %mul3A_2, %dma_start3A_146] : memref<50x128x128xi32, #tpu.memory_space<hbm>> -> memref<50x4x128xi32, #tpu.memory_space<hbm>>
      %dma_start3A_148 = arith.constant 0 : i32
      %dma_start3A_149 = arith.constant 0 : i32
      %dma_start3A_150 = tpu.memref_slice %arg2[%dma_start3A_148, %mul3A_2, %dma_start3A_149] : memref<50x128x128xi32, #tpu.memory_space<hbm>> -> memref<50x4x128xi32, #tpu.memory_space<hbm>>
      tpu.enqueue_dma source(%dma_start3A_150 : memref<50x4x128xi32, #tpu.memory_space<hbm>>) target(%arg5 : memref<50x4x128xi32, #tpu.memory_space<vmem>>) target_semaphore(%run_scoped3A : memref<!tpu.dma_semaphore, #tpu.memory_space<semaphore_mem>>)
      %dma_wait3A_151 = arith.constant 0 : i32
      %dma_wait3A_152 = arith.constant 0 : i32
      %dma_wait3A_153 = tpu.memref_slice %arg2[%dma_wait3A_151, %mul3A_2, %dma_wait3A_152] : memref<50x128x128xi32, #tpu.memory_space<hbm>> -> memref<50x4x128xi32, #tpu.memory_space<hbm>>
      %dma_wait3A_154 = arith.constant 0 : i32
      %dma_wait3A_155 = arith.constant 0 : i32
      %dma_wait3A_156 = tpu.memref_slice %arg2[%dma_wait3A_154, %mul3A_2, %dma_wait3A_155] : memref<50x128x128xi32, #tpu.memory_space<hbm>> -> memref<50x4x128xi32, #tpu.memory_space<hbm>>
      tpu.wait_dma2 semaphore(%run_scoped3A : memref<!tpu.dma_semaphore, #tpu.memory_space<semaphore_mem>>) src(%dma_wait3A_156 : memref<50x4x128xi32, #tpu.memory_space<hbm>>) dst(%arg5 : memref<50x4x128xi32, #tpu.memory_space<vmem>>)
      tpu.yield
    }) : () -> ()
    %iota3A = tpu.iota {dimensions = array<i32: 0>} : vector<16xi32>
    %add3A_3 = arith.constant 0 : i32
    %add3A_4 = vector.broadcast %add3A_3 : i32 to vector<16xi32>
    %add3A_5 = arith.addi %iota3A, %add3A_4 : vector<16xi32>
    %shift_right_arithmetic3A = arith.constant 3 : i32
    %shift_right_arithmetic3A_6 = vector.broadcast %shift_right_arithmetic3A : i32 to vector<16xi32>
    %shift_right_arithmetic3A_7 = arith.shrsi %add3A_5, %shift_right_arithmetic3A_6 : vector<16xi32>
    %add3A_8 = arith.constant 16 : i32
    %add3A_9 = vector.broadcast %add3A_8 : i32 to vector<16xi32>
    %add3A_10 = arith.addi %iota3A, %add3A_9 : vector<16xi32>
    %shift_right_arithmetic3A_11 = arith.constant 3 : i32
    %shift_right_arithmetic3A_12 = vector.broadcast %shift_right_arithmetic3A_11 : i32 to vector<16xi32>
    %shift_right_arithmetic3A_13 = arith.shrsi %add3A_10, %shift_right_arithmetic3A_12 : vector<16xi32>
    %add3A_14 = arith.constant 32 : i32
    %add3A_15 = vector.broadcast %add3A_14 : i32 to vector<16xi32>
    %add3A_16 = arith.addi %iota3A, %add3A_15 : vector<16xi32>
    %shift_right_arithmetic3A_17 = arith.constant 3 : i32
    %shift_right_arithmetic3A_18 = vector.broadcast %shift_right_arithmetic3A_17 : i32 to vector<16xi32>
    %shift_right_arithmetic3A_19 = arith.shrsi %add3A_16, %shift_right_arithmetic3A_18 : vector<16xi32>
    %add3A_20 = arith.constant 48 : i32
    %add3A_21 = vector.broadcast %add3A_20 : i32 to vector<16xi32>
    %add3A_22 = arith.addi %iota3A, %add3A_21 : vector<16xi32>
    %shift_right_arithmetic3A_23 = arith.constant 3 : i32
    %shift_right_arithmetic3A_24 = vector.broadcast %shift_right_arithmetic3A_23 : i32 to vector<16xi32>
    %shift_right_arithmetic3A_25 = arith.shrsi %add3A_22, %shift_right_arithmetic3A_24 : vector<16xi32>
    %add3A_26 = arith.constant 0 : i32
    %add3A_27 = vector.broadcast %add3A_26 : i32 to vector<16xi32>
    %add3A_28 = arith.addi %iota3A, %add3A_27 : vector<16xi32>
    %and3A = arith.constant 7 : i32
    %and3A_29 = vector.broadcast %and3A : i32 to vector<16xi32>
    %and3A_30 = arith.andi %add3A_28, %and3A_29 : vector<16xi32>
    %add3A_31 = arith.constant 16 : i32
    %add3A_32 = vector.broadcast %add3A_31 : i32 to vector<16xi32>
    %add3A_33 = arith.addi %iota3A, %add3A_32 : vector<16xi32>
    %and3A_34 = arith.constant 7 : i32
    %and3A_35 = vector.broadcast %and3A_34 : i32 to vector<16xi32>
    %and3A_36 = arith.andi %add3A_33, %and3A_35 : vector<16xi32>
    %add3A_37 = arith.constant 32 : i32
    %add3A_38 = vector.broadcast %add3A_37 : i32 to vector<16xi32>
    %add3A_39 = arith.addi %iota3A, %add3A_38 : vector<16xi32>
    %and3A_40 = arith.constant 7 : i32
    %and3A_41 = vector.broadcast %and3A_40 : i32 to vector<16xi32>
    %and3A_42 = arith.andi %add3A_39, %and3A_41 : vector<16xi32>
    %add3A_43 = arith.constant 48 : i32
    %add3A_44 = vector.broadcast %add3A_43 : i32 to vector<16xi32>
    %add3A_45 = arith.addi %iota3A, %add3A_44 : vector<16xi32>
    %and3A_46 = arith.constant 7 : i32
    %and3A_47 = vector.broadcast %and3A_46 : i32 to vector<16xi32>
    %and3A_48 = arith.andi %add3A_45, %and3A_47 : vector<16xi32>
    %broadcast_in_dim3A = arith.constant 0 : i32
    %broadcast_in_dim3A_49 = vector.broadcast %broadcast_in_dim3A : i32 to vector<16xi32>
    %broadcast_in_dim3A_50 = arith.constant 1 : i32
    %broadcast_in_dim3A_51 = vector.broadcast %broadcast_in_dim3A_50 : i32 to vector<16xi32>
    %broadcast_in_dim3A_52 = arith.constant 2 : i32
    %broadcast_in_dim3A_53 = vector.broadcast %broadcast_in_dim3A_52 : i32 to vector<16xi32>
    %broadcast_in_dim3A_54 = arith.constant 3 : i32
    %broadcast_in_dim3A_55 = vector.broadcast %broadcast_in_dim3A_54 : i32 to vector<16xi32>
    %rem3A = arith.constant 0 : i32
    %rem3A_56 = arith.constant 4 : i32
    %rem3A_57 = arith.remsi %rem3A, %rem3A_56 : i32
    %dma_start3A = arith.constant 0 : i32
    %dma_start3A_58 = arith.constant 0 : i32
    %dma_start3A_59 = arith.constant 0 : i32
    %dma_start3A_60 = arith.constant 0 : i32
    %dma_start3A_61 = arith.constant 0 : i32
    %dma_start3A_62 = tpu.memref_slice %arg6[%dma_start3A_58, %dma_start3A_60, %dma_start3A_61] : memref<4x128x64xf32, #tpu.memory_space<vmem>> -> memref<1x128x64xf32, #tpu.memory_space<vmem>>
    %dma_start3A_63 = tpu.memref_squeeze %dma_start3A_62 : memref<1x128x64xf32, #tpu.memory_space<vmem>> -> memref<128x64xf32, #tpu.memory_space<vmem>>
    %dma_start3A_64 = arith.constant 0 : i32
    %dma_start3A_65 = tpu.memref_slice %arg5[%dma_start3A, %rem3A_57, %dma_start3A_64] : memref<50x4x128xi32, #tpu.memory_space<vmem>> -> memref<1x1x128xi32, #tpu.memory_space<vmem>>
    %dma_start3A_66 = tpu.memref_squeeze %dma_start3A_65 : memref<1x1x128xi32, #tpu.memory_space<vmem>> -> memref<128xi32, #tpu.memory_space<vmem>>
    %dma_start3A_67 = arith.constant 0 : i32
    %dma_start3A_68 = arith.constant 0 : i32
    %dma_start3A_69 = tpu.memref_slice %arg3[%dma_start3A_67, %dma_start3A_68] : memref<1000000x64xf32, #tpu.memory_space<hbm>> -> memref<1000000x64xf32, #tpu.memory_space<hbm>>
    %dma_start3A_70 = tpu.memref_slice %arg8[%dma_start3A_59] : memref<4x!tpu.dma_semaphore, #tpu.memory_space<semaphore_mem>> -> memref<1x!tpu.dma_semaphore, #tpu.memory_space<semaphore_mem>>
    %dma_start3A_71 = tpu.memref_squeeze %dma_start3A_70 : memref<1x!tpu.dma_semaphore, #tpu.memory_space<semaphore_mem>> -> memref<!tpu.dma_semaphore, #tpu.memory_space<semaphore_mem>>
    tpu.enqueue_indirect_dma source(%dma_start3A_69 : memref<1000000x64xf32, #tpu.memory_space<hbm>>) target(%dma_start3A_63 : memref<128x64xf32, #tpu.memory_space<vmem>>) offsets(%dma_start3A_66 : memref<128xi32, #tpu.memory_space<vmem>>) semaphore(%dma_start3A_71 : memref<!tpu.dma_semaphore, #tpu.memory_space<semaphore_mem>>)
    %rem3A_72 = arith.constant 1 : i32
    %rem3A_73 = arith.constant 4 : i32
    %rem3A_74 = arith.remsi %rem3A_72, %rem3A_73 : i32
    %dma_start3A_75 = arith.constant 0 : i32
    %dma_start3A_76 = arith.constant 1 : i32
    %dma_start3A_77 = arith.constant 1 : i32
    %dma_start3A_78 = arith.constant 0 : i32
    %dma_start3A_79 = arith.constant 0 : i32
    %dma_start3A_80 = tpu.memref_slice %arg6[%dma_start3A_76, %dma_start3A_78, %dma_start3A_79] : memref<4x128x64xf32, #tpu.memory_space<vmem>> -> memref<1x128x64xf32, #tpu.memory_space<vmem>>
    %dma_start3A_81 = tpu.memref_squeeze %dma_start3A_80 : memref<1x128x64xf32, #tpu.memory_space<vmem>> -> memref<128x64xf32, #tpu.memory_space<vmem>>
    %dma_start3A_82 = arith.constant 0 : i32
    %dma_start3A_83 = tpu.memref_slice %arg5[%dma_start3A_75, %rem3A_74, %dma_start3A_82] : memref<50x4x128xi32, #tpu.memory_space<vmem>> -> memref<1x1x128xi32, #tpu.memory_space<vmem>>
    %dma_start3A_84 = tpu.memref_squeeze %dma_start3A_83 : memref<1x1x128xi32, #tpu.memory_space<vmem>> -> memref<128xi32, #tpu.memory_space<vmem>>
    %dma_start3A_85 = arith.constant 0 : i32
    %dma_start3A_86 = arith.constant 0 : i32
    %dma_start3A_87 = tpu.memref_slice %arg3[%dma_start3A_85, %dma_start3A_86] : memref<1000000x64xf32, #tpu.memory_space<hbm>> -> memref<1000000x64xf32, #tpu.memory_space<hbm>>
    %dma_start3A_88 = tpu.memref_slice %arg8[%dma_start3A_77] : memref<4x!tpu.dma_semaphore, #tpu.memory_space<semaphore_mem>> -> memref<1x!tpu.dma_semaphore, #tpu.memory_space<semaphore_mem>>
    %dma_start3A_89 = tpu.memref_squeeze %dma_start3A_88 : memref<1x!tpu.dma_semaphore, #tpu.memory_space<semaphore_mem>> -> memref<!tpu.dma_semaphore, #tpu.memory_space<semaphore_mem>>
    tpu.enqueue_indirect_dma source(%dma_start3A_87 : memref<1000000x64xf32, #tpu.memory_space<hbm>>) target(%dma_start3A_81 : memref<128x64xf32, #tpu.memory_space<vmem>>) offsets(%dma_start3A_84 : memref<128xi32, #tpu.memory_space<vmem>>) semaphore(%dma_start3A_89 : memref<!tpu.dma_semaphore, #tpu.memory_space<semaphore_mem>>)
    %scan3A = arith.constant 0 : i32
    %scan3A_90 = arith.constant 50 : i32
    %scan3A_91 = arith.addi %scan3A, %scan3A_90 : i32
    %scan3A_92 = arith.constant 1 : i32
    scf.for %scan3A_145 = %scan3A to %scan3A_91 step %scan3A_92  : i32 {
      %mul3A_146 = arith.constant 4 : i32
      %mul3A_147 = arith.muli %scan3A_145, %mul3A_146 : i32
      %add3A_148 = arith.constant 0 : i32
      %add3A_149 = arith.addi %add3A_148, %mul3A_147 : i32
      %add3A_150 = arith.constant 0 : i32
      %add3A_151 = arith.addi %add3A_149, %add3A_150 : i32
      %dma_wait3A_152 = arith.constant 0 : i32
      %dma_wait3A_153 = arith.constant 0 : i32
      %dma_wait3A_154 = arith.constant 0 : i32
      %dma_wait3A_155 = arith.constant 0 : i32
      %dma_wait3A_156 = tpu.memref_slice %arg6[%dma_wait3A_152, %dma_wait3A_154, %dma_wait3A_155] : memref<4x128x64xf32, #tpu.memory_space<vmem>> -> memref<1x128x64xf32, #tpu.memory_space<vmem>>
      %dma_wait3A_157 = tpu.memref_squeeze %dma_wait3A_156 : memref<1x128x64xf32, #tpu.memory_space<vmem>> -> memref<128x64xf32, #tpu.memory_space<vmem>>
      %dma_wait3A_158 = arith.constant 0 : i32
      %dma_wait3A_159 = arith.constant 0 : i32
      %dma_wait3A_160 = tpu.memref_slice %arg3[%dma_wait3A_158, %dma_wait3A_159] : memref<1000000x64xf32, #tpu.memory_space<hbm>> -> memref<128x64xf32, #tpu.memory_space<hbm>>
      %dma_wait3A_161 = tpu.memref_slice %arg8[%dma_wait3A_153] : memref<4x!tpu.dma_semaphore, #tpu.memory_space<semaphore_mem>> -> memref<1x!tpu.dma_semaphore, #tpu.memory_space<semaphore_mem>>
      %dma_wait3A_162 = tpu.memref_squeeze %dma_wait3A_161 : memref<1x!tpu.dma_semaphore, #tpu.memory_space<semaphore_mem>> -> memref<!tpu.dma_semaphore, #tpu.memory_space<semaphore_mem>>
      %dma_wait3A_163 = arith.constant 0 : i32
      %dma_wait3A_164 = arith.constant 0 : i32
      %dma_wait3A_165 = tpu.memref_slice %arg6[%dma_wait3A_152, %dma_wait3A_163, %dma_wait3A_164] : memref<4x128x64xf32, #tpu.memory_space<vmem>> -> memref<1x128x64xf32, #tpu.memory_space<vmem>>
      %dma_wait3A_166 = tpu.memref_squeeze %dma_wait3A_165 : memref<1x128x64xf32, #tpu.memory_space<vmem>> -> memref<128x64xf32, #tpu.memory_space<vmem>>
      %dma_wait3A_167 = arith.constant 0 : i32
      %dma_wait3A_168 = arith.constant 0 : i32
      %dma_wait3A_169 = tpu.memref_slice %arg3[%dma_wait3A_167, %dma_wait3A_168] : memref<1000000x64xf32, #tpu.memory_space<hbm>> -> memref<128x64xf32, #tpu.memory_space<hbm>>
      tpu.wait_dma2 semaphore(%dma_wait3A_162 : memref<!tpu.dma_semaphore, #tpu.memory_space<semaphore_mem>>) src(%dma_wait3A_169 : memref<128x64xf32, #tpu.memory_space<hbm>>) dst(%dma_wait3A_166 : memref<128x64xf32, #tpu.memory_space<vmem>>)
      %parallel_loop3A = arith.constant 0 : i32
      %parallel_loop3A_170 = arith.constant 128 : i32
      %parallel_loop3A_171 = arith.constant 1 : i32
      scf.for %parallel_loop3A_483 = %parallel_loop3A to %parallel_loop3A_170 step %parallel_loop3A_171  : i32 {
        %parallel_loop3A_484 = vector.broadcast %parallel_loop3A_483 : i32 to vector<16xi32>
        %parallel_loop3A_485 = arith.constant 0 : i32
        %parallel_loop3A_486 = arith.index_cast %parallel_loop3A_485 : i32 to index
        %parallel_loop3A_487 = arith.index_cast %parallel_loop3A_483 : i32 to index
        %parallel_loop3A_488 = arith.constant 0 : index
        %parallel_loop3A_489 = tpu.vector_load %arg6[%parallel_loop3A_486, %parallel_loop3A_487, %parallel_loop3A_488] {strides = array<i32>} : memref<4x128x64xf32, #tpu.memory_space<vmem>>, vector<16xf32>,
        %parallel_loop3A_490 = arith.constant 8.000000e+00 : f32
        %parallel_loop3A_491 = vector.broadcast %parallel_loop3A_490 : f32 to vector<16xf32>
        %parallel_loop3A_492 = arith.mulf %parallel_loop3A_489, %parallel_loop3A_491 : vector<16xf32>
        tpu.vector_store_idx %arg7[%broadcast_in_dim3A_49, %shift_right_arithmetic3A_7, %and3A_30, %parallel_loop3A_484], %parallel_loop3A_492 : memref<4x8x8x129xf32, #tpu.memory_space<vmem>>[vector<16xi32>, vector<16xi32>, vector<16xi32>, vector<16xi32>], vector<16xf32>,
        %parallel_loop3A_493 = arith.constant 0 : i32
        %parallel_loop3A_494 = arith.index_cast %parallel_loop3A_493 : i32 to index
        %parallel_loop3A_495 = arith.index_cast %parallel_loop3A_483 : i32 to index
        %parallel_loop3A_496 = arith.constant 16 : index
        %parallel_loop3A_497 = tpu.vector_load %arg6[%parallel_loop3A_494, %parallel_loop3A_495, %parallel_loop3A_496] {strides = array<i32>} : memref<4x128x64xf32, #tpu.memory_space<vmem>>, vector<16xf32>,
        %parallel_loop3A_498 = arith.constant 8.000000e+00 : f32
        %parallel_loop3A_499 = vector.broadcast %parallel_loop3A_498 : f32 to vector<16xf32>
        %parallel_loop3A_500 = arith.mulf %parallel_loop3A_497, %parallel_loop3A_499 : vector<16xf32>
        tpu.vector_store_idx %arg7[%broadcast_in_dim3A_49, %shift_right_arithmetic3A_13, %and3A_36, %parallel_loop3A_484], %parallel_loop3A_500 : memref<4x8x8x129xf32, #tpu.memory_space<vmem>>[vector<16xi32>, vector<16xi32>, vector<16xi32>, vector<16xi32>], vector<16xf32>,
        %parallel_loop3A_501 = arith.constant 0 : i32
        %parallel_loop3A_502 = arith.index_cast %parallel_loop3A_501 : i32 to index
        %parallel_loop3A_503 = arith.index_cast %parallel_loop3A_483 : i32 to index
        %parallel_loop3A_504 = arith.constant 32 : index
        %parallel_loop3A_505 = tpu.vector_load %arg6[%parallel_loop3A_502, %parallel_loop3A_503, %parallel_loop3A_504] {strides = array<i32>} : memref<4x128x64xf32, #tpu.memory_space<vmem>>, vector<16xf32>,
        %parallel_loop3A_506 = arith.constant 8.000000e+00 : f32
        %parallel_loop3A_507 = vector.broadcast %parallel_loop3A_506 : f32 to vector<16xf32>
        %parallel_loop3A_508 = arith.mulf %parallel_loop3A_505, %parallel_loop3A_507 : vector<16xf32>
        tpu.vector_store_idx %arg7[%broadcast_in_dim3A_49, %shift_right_arithmetic3A_19, %and3A_42, %parallel_loop3A_484], %parallel_loop3A_508 : memref<4x8x8x129xf32, #tpu.memory_space<vmem>>[vector<16xi32>, vector<16xi32>, vector<16xi32>, vector<16xi32>], vector<16xf32>,
        %parallel_loop3A_509 = arith.constant 0 : i32
        %parallel_loop3A_510 = arith.index_cast %parallel_loop3A_509 : i32 to index
        %parallel_loop3A_511 = arith.index_cast %parallel_loop3A_483 : i32 to index
        %parallel_loop3A_512 = arith.constant 48 : index
        %parallel_loop3A_513 = tpu.vector_load %arg6[%parallel_loop3A_510, %parallel_loop3A_511, %parallel_loop3A_512] {strides = array<i32>} : memref<4x128x64xf32, #tpu.memory_space<vmem>>, vector<16xf32>,
        %parallel_loop3A_514 = arith.constant 8.000000e+00 : f32
        %parallel_loop3A_515 = vector.broadcast %parallel_loop3A_514 : f32 to vector<16xf32>
        %parallel_loop3A_516 = arith.mulf %parallel_loop3A_513, %parallel_loop3A_515 : vector<16xf32>
        tpu.vector_store_idx %arg7[%broadcast_in_dim3A_49, %shift_right_arithmetic3A_25, %and3A_48, %parallel_loop3A_484], %parallel_loop3A_516 : memref<4x8x8x129xf32, #tpu.memory_space<vmem>>[vector<16xi32>, vector<16xi32>, vector<16xi32>, vector<16xi32>], vector<16xf32>,
      } {sc.loop_unroll_factor = 8 : i64, sc.parallel_access}
      %ge3A = arith.constant 2 : i32
      %ge3A_172 = arith.cmpi sge, %add3A_151, %ge3A : i32
      %convert_element_type3A = arith.extui %ge3A_172 : i1 to i32
      %cond3A = arith.constant 0 : i32
      %cond3A_173 = arith.cmpi ne, %convert_element_type3A, %cond3A : i32
      scf.if %cond3A_173 {
        %dma_wait3A_483 = arith.constant 2 : i32
        %dma_wait3A_484 = arith.constant 0 : i32
        %dma_wait3A_485 = arith.constant 0 : i32
        %dma_wait3A_486 = arith.constant 2 : i32
        %dma_wait3A_487 = arith.constant 0 : i32
        %dma_wait3A_488 = arith.constant 0 : i32
        %dma_wait3A_489 = arith.constant 0 : i32
        %dma_wait3A_490 = tpu.memref_slice %arg7[%dma_wait3A_483, %dma_wait3A_487, %dma_wait3A_488, %dma_wait3A_489] : memref<4x8x8x129xf32, #tpu.memory_space<vmem>> -> memref<1x8x8x128xf32, #tpu.memory_space<vmem>>
        %dma_wait3A_491 = tpu.memref_squeeze %dma_wait3A_490 : memref<1x8x8x128xf32, #tpu.memory_space<vmem>> -> memref<8x8x128xf32, #tpu.memory_space<vmem>>
        %dma_wait3A_492 = arith.constant 0 : i32
        %dma_wait3A_493 = arith.constant 0 : i32
        %dma_wait3A_494 = arith.constant 0 : i32
        %dma_wait3A_495 = tpu.memref_slice %arg4[%dma_wait3A_484, %dma_wait3A_492, %dma_wait3A_485, %dma_wait3A_493, %dma_wait3A_494] : memref<50x8x128x8x128xf32, #tpu.memory_space<hbm>> -> memref<1x8x1x8x128xf32, #tpu.memory_space<hbm>>
        %dma_wait3A_496 = tpu.memref_squeeze %dma_wait3A_495 : memref<1x8x1x8x128xf32, #tpu.memory_space<hbm>> -> memref<8x8x128xf32, #tpu.memory_space<hbm>>
        %dma_wait3A_497 = tpu.memref_slice %arg9[%dma_wait3A_486] : memref<4x!tpu.dma_semaphore, #tpu.memory_space<semaphore_mem>> -> memref<1x!tpu.dma_semaphore, #tpu.memory_space<semaphore_mem>>
        %dma_wait3A_498 = tpu.memref_squeeze %dma_wait3A_497 : memref<1x!tpu.dma_semaphore, #tpu.memory_space<semaphore_mem>> -> memref<!tpu.dma_semaphore, #tpu.memory_space<semaphore_mem>>
        %dma_wait3A_499 = arith.constant 0 : i32
        %dma_wait3A_500 = arith.constant 0 : i32
        %dma_wait3A_501 = arith.constant 0 : i32
        %dma_wait3A_502 = tpu.memref_slice %arg4[%dma_wait3A_484, %dma_wait3A_499, %dma_wait3A_485, %dma_wait3A_500, %dma_wait3A_501] : memref<50x8x128x8x128xf32, #tpu.memory_space<hbm>> -> memref<1x8x1x8x128xf32, #tpu.memory_space<hbm>>
        %dma_wait3A_503 = tpu.memref_squeeze %dma_wait3A_502 : memref<1x8x1x8x128xf32, #tpu.memory_space<hbm>> -> memref<8x8x128xf32, #tpu.memory_space<hbm>>
        %dma_wait3A_504 = arith.constant 0 : i32
        %dma_wait3A_505 = arith.constant 0 : i32
        %dma_wait3A_506 = arith.constant 0 : i32
        %dma_wait3A_507 = tpu.memref_slice %arg7[%dma_wait3A_483, %dma_wait3A_504, %dma_wait3A_505, %dma_wait3A_506] : memref<4x8x8x129xf32, #tpu.memory_space<vmem>> -> memref<1x8x8x128xf32, #tpu.memory_space<vmem>>
        %dma_wait3A_508 = tpu.memref_squeeze %dma_wait3A_507 : memref<1x8x8x128xf32, #tpu.memory_space<vmem>> -> memref<8x8x128xf32, #tpu.memory_space<vmem>>
        tpu.wait_dma2 semaphore(%dma_wait3A_498 : memref<!tpu.dma_semaphore, #tpu.memory_space<semaphore_mem>>) src(%dma_wait3A_508 : memref<8x8x128xf32, #tpu.memory_space<vmem>>) dst(%dma_wait3A_503 : memref<8x8x128xf32, #tpu.memory_space<hbm>>)
      } else {
      }
      %add3A_174 = arith.constant 2 : i32
      %add3A_175 = arith.addi %add3A_151, %add3A_174 : i32
      %lt3A = arith.constant 200 : i32
      %lt3A_176 = arith.cmpi slt, %add3A_175, %lt3A : i32
      %convert_element_type3A_177 = arith.extui %lt3A_176 : i1 to i32
      %cond3A_178 = arith.constant 0 : i32
      %cond3A_179 = arith.cmpi ne, %convert_element_type3A_177, %cond3A_178 : i32
      scf.if %cond3A_179 {
        %add3A_483 = arith.constant 2 : i32
        %add3A_484 = arith.addi %add3A_151, %add3A_483 : i32
        %jit3A_485 = arith.constant 4 : i32
        %div3A_486 = arith.divsi %add3A_484, %jit3A_485 : i32
        %sign3A_487 = arith.constant 0 : i32
        %sign3A_488 = arith.cmpi sgt, %add3A_484, %sign3A_487 : i32
        %sign3A_489 = arith.extui %sign3A_488 : i1 to i32
        %sign3A_490 = arith.constant 0 : i32
        %sign3A_491 = arith.cmpi slt, %add3A_484, %sign3A_490 : i32
        %sign3A_492 = arith.extui %sign3A_491 : i1 to i32
        %sign3A_493 = arith.subi %sign3A_489, %sign3A_492 : i32
        %sign3A_494 = arith.constant 0 : i32
        %sign3A_495 = arith.cmpi sgt, %jit3A_485, %sign3A_494 : i32
        %sign3A_496 = arith.extui %sign3A_495 : i1 to i32
        %sign3A_497 = arith.constant 0 : i32
        %sign3A_498 = arith.cmpi slt, %jit3A_485, %sign3A_497 : i32
        %sign3A_499 = arith.extui %sign3A_498 : i1 to i32
        %sign3A_500 = arith.subi %sign3A_496, %sign3A_499 : i32
        %ne3A_501 = arith.cmpi ne, %sign3A_493, %sign3A_500 : i32
        %rem3A_502 = arith.remsi %add3A_484, %jit3A_485 : i32
        %ne3A_503 = arith.constant 0 : i32
        %ne3A_504 = arith.cmpi ne, %rem3A_502, %ne3A_503 : i32
        %and3A_505 = arith.andi %ne3A_501, %ne3A_504 : i1
        %sub3A_506 = arith.constant 1 : i32
        %sub3A_507 = arith.subi %div3A_486, %sub3A_506 : i32
        %select_n3A_508 = arith.select %and3A_505, %sub3A_507, %div3A_486 : i32
        %rem3A_509 = arith.constant 4 : i32
        %rem3A_510 = arith.remsi %add3A_484, %rem3A_509 : i32
        %dma_start3A_511 = arith.constant 2 : i32
        %dma_start3A_512 = arith.constant 2 : i32
        %dma_start3A_513 = arith.constant 0 : i32
        %dma_start3A_514 = arith.constant 0 : i32
        %dma_start3A_515 = tpu.memref_slice %arg6[%dma_start3A_511, %dma_start3A_513, %dma_start3A_514] : memref<4x128x64xf32, #tpu.memory_space<vmem>> -> memref<1x128x64xf32, #tpu.memory_space<vmem>>
        %dma_start3A_516 = tpu.memref_squeeze %dma_start3A_515 : memref<1x128x64xf32, #tpu.memory_space<vmem>> -> memref<128x64xf32, #tpu.memory_space<vmem>>
        %dma_start3A_517 = arith.constant 0 : i32
        %dma_start3A_518 = tpu.memref_slice %arg5[%select_n3A_508, %rem3A_510, %dma_start3A_517] : memref<50x4x128xi32, #tpu.memory_space<vmem>> -> memref<1x1x128xi32, #tpu.memory_space<vmem>>
        %dma_start3A_519 = tpu.memref_squeeze %dma_start3A_518 : memref<1x1x128xi32, #tpu.memory_space<vmem>> -> memref<128xi32, #tpu.memory_space<vmem>>
        %dma_start3A_520 = arith.constant 0 : i32
        %dma_start3A_521 = arith.constant 0 : i32
        %dma_start3A_522 = tpu.memref_slice %arg3[%dma_start3A_520, %dma_start3A_521] : memref<1000000x64xf32, #tpu.memory_space<hbm>> -> memref<1000000x64xf32, #tpu.memory_space<hbm>>
        %dma_start3A_523 = tpu.memref_slice %arg8[%dma_start3A_512] : memref<4x!tpu.dma_semaphore, #tpu.memory_space<semaphore_mem>> -> memref<1x!tpu.dma_semaphore, #tpu.memory_space<semaphore_mem>>
        %dma_start3A_524 = tpu.memref_squeeze %dma_start3A_523 : memref<1x!tpu.dma_semaphore, #tpu.memory_space<semaphore_mem>> -> memref<!tpu.dma_semaphore, #tpu.memory_space<semaphore_mem>>
        tpu.enqueue_indirect_dma source(%dma_start3A_522 : memref<1000000x64xf32, #tpu.memory_space<hbm>>) target(%dma_start3A_516 : memref<128x64xf32, #tpu.memory_space<vmem>>) offsets(%dma_start3A_519 : memref<128xi32, #tpu.memory_space<vmem>>) semaphore(%dma_start3A_524 : memref<!tpu.dma_semaphore, #tpu.memory_space<semaphore_mem>>)
      } else {
      }
      %jit3A = arith.constant 4 : i32
      %div3A = arith.divsi %add3A_151, %jit3A : i32
      %sign3A = arith.constant 0 : i32
      %sign3A_180 = arith.cmpi sgt, %add3A_151, %sign3A : i32
      %sign3A_181 = arith.extui %sign3A_180 : i1 to i32
      %sign3A_182 = arith.constant 0 : i32
      %sign3A_183 = arith.cmpi slt, %add3A_151, %sign3A_182 : i32
      %sign3A_184 = arith.extui %sign3A_183 : i1 to i32
      %sign3A_185 = arith.subi %sign3A_181, %sign3A_184 : i32
      %sign3A_186 = arith.constant 0 : i32
      %sign3A_187 = arith.cmpi sgt, %jit3A, %sign3A_186 : i32
      %sign3A_188 = arith.extui %sign3A_187 : i1 to i32
      %sign3A_189 = arith.constant 0 : i32
      %sign3A_190 = arith.cmpi slt, %jit3A, %sign3A_189 : i32
      %sign3A_191 = arith.extui %sign3A_190 : i1 to i32
      %sign3A_192 = arith.subi %sign3A_188, %sign3A_191 : i32
      %ne3A = arith.cmpi ne, %sign3A_185, %sign3A_192 : i32
      %rem3A_193 = arith.remsi %add3A_151, %jit3A : i32
      %ne3A_194 = arith.constant 0 : i32
      %ne3A_195 = arith.cmpi ne, %rem3A_193, %ne3A_194 : i32
      %and3A_196 = arith.andi %ne3A, %ne3A_195 : i1
      %sub3A = arith.constant 1 : i32
      %sub3A_197 = arith.subi %div3A, %sub3A : i32
      %select_n3A = arith.select %and3A_196, %sub3A_197, %div3A : i32
      %rem3A_198 = arith.constant 4 : i32
      %rem3A_199 = arith.remsi %add3A_151, %rem3A_198 : i32
      %add3A_200 = arith.addi %mul3A_2, %rem3A_199 : i32
      %dma_start3A_201 = arith.constant 0 : i32
      %dma_start3A_202 = arith.constant 0 : i32
      %dma_start3A_203 = arith.constant 0 : i32
      %dma_start3A_204 = arith.constant 0 : i32
      %dma_start3A_205 = arith.constant 0 : i32
      %dma_start3A_206 = tpu.memref_slice %arg7[%dma_start3A_201, %dma_start3A_203, %dma_start3A_204, %dma_start3A_205] : memref<4x8x8x129xf32, #tpu.memory_space<vmem>> -> memref<1x8x8x128xf32, #tpu.memory_space<vmem>>
      %dma_start3A_207 = tpu.memref_squeeze %dma_start3A_206 : memref<1x8x8x128xf32, #tpu.memory_space<vmem>> -> memref<8x8x128xf32, #tpu.memory_space<vmem>>
      %dma_start3A_208 = arith.constant 0 : i32
      %dma_start3A_209 = arith.constant 0 : i32
      %dma_start3A_210 = arith.constant 0 : i32
      %dma_start3A_211 = tpu.memref_slice %arg4[%select_n3A, %dma_start3A_208, %add3A_200, %dma_start3A_209, %dma_start3A_210] : memref<50x8x128x8x128xf32, #tpu.memory_space<hbm>> -> memref<1x8x1x8x128xf32, #tpu.memory_space<hbm>>
      %dma_start3A_212 = tpu.memref_squeeze %dma_start3A_211 : memref<1x8x1x8x128xf32, #tpu.memory_space<hbm>> -> memref<8x8x128xf32, #tpu.memory_space<hbm>>
      %dma_start3A_213 = tpu.memref_slice %arg9[%dma_start3A_202] : memref<4x!tpu.dma_semaphore, #tpu.memory_space<semaphore_mem>> -> memref<1x!tpu.dma_semaphore, #tpu.memory_space<semaphore_mem>>
      %dma_start3A_214 = tpu.memref_squeeze %dma_start3A_213 : memref<1x!tpu.dma_semaphore, #tpu.memory_space<semaphore_mem>> -> memref<!tpu.dma_semaphore, #tpu.memory_space<semaphore_mem>>
      %dma_start3A_215 = arith.constant 0 : i32
      %dma_start3A_216 = arith.constant 0 : i32
      %dma_start3A_217 = arith.constant 0 : i32
      %dma_start3A_218 = tpu.memref_slice %arg4[%select_n3A, %dma_start3A_215, %add3A_200, %dma_start3A_216, %dma_start3A_217] : memref<50x8x128x8x128xf32, #tpu.memory_space<hbm>> -> memref<1x8x1x8x128xf32, #tpu.memory_space<hbm>>
      %dma_start3A_219 = tpu.memref_squeeze %dma_start3A_218 : memref<1x8x1x8x128xf32, #tpu.memory_space<hbm>> -> memref<8x8x128xf32, #tpu.memory_space<hbm>>
      %dma_start3A_220 = arith.constant 0 : i32
      %dma_start3A_221 = arith.constant 0 : i32
      %dma_start3A_222 = arith.constant 0 : i32
      %dma_start3A_223 = tpu.memref_slice %arg7[%dma_start3A_201, %dma_start3A_220, %dma_start3A_221, %dma_start3A_222] : memref<4x8x8x129xf32, #tpu.memory_space<vmem>> -> memref<1x8x8x128xf32, #tpu.memory_space<vmem>>
      %dma_start3A_224 = tpu.memref_squeeze %dma_start3A_223 : memref<1x8x8x128xf32, #tpu.memory_space<vmem>> -> memref<8x8x128xf32, #tpu.memory_space<vmem>>
      tpu.enqueue_dma source(%dma_start3A_224 : memref<8x8x128xf32, #tpu.memory_space<vmem>>) target(%dma_start3A_219 : memref<8x8x128xf32, #tpu.memory_space<hbm>>) target_semaphore(%dma_start3A_214 : memref<!tpu.dma_semaphore, #tpu.memory_space<semaphore_mem>>)
      %add3A_225 = arith.constant 1 : i32
      %add3A_226 = arith.addi %add3A_149, %add3A_225 : i32
      %dma_wait3A_227 = arith.constant 1 : i32
      %dma_wait3A_228 = arith.constant 1 : i32
      %dma_wait3A_229 = arith.constant 0 : i32
      %dma_wait3A_230 = arith.constant 0 : i32
      %dma_wait3A_231 = tpu.memref_slice %arg6[%dma_wait3A_227, %dma_wait3A_229, %dma_wait3A_230] : memref<4x128x64xf32, #tpu.memory_space<vmem>> -> memref<1x128x64xf32, #tpu.memory_space<vmem>>
      %dma_wait3A_232 = tpu.memref_squeeze %dma_wait3A_231 : memref<1x128x64xf32, #tpu.memory_space<vmem>> -> memref<128x64xf32, #tpu.memory_space<vmem>>
      %dma_wait3A_233 = arith.constant 0 : i32
      %dma_wait3A_234 = arith.constant 0 : i32
      %dma_wait3A_235 = tpu.memref_slice %arg3[%dma_wait3A_233, %dma_wait3A_234] : memref<1000000x64xf32, #tpu.memory_space<hbm>> -> memref<128x64xf32, #tpu.memory_space<hbm>>
      %dma_wait3A_236 = tpu.memref_slice %arg8[%dma_wait3A_228] : memref<4x!tpu.dma_semaphore, #tpu.memory_space<semaphore_mem>> -> memref<1x!tpu.dma_semaphore, #tpu.memory_space<semaphore_mem>>
      %dma_wait3A_237 = tpu.memref_squeeze %dma_wait3A_236 : memref<1x!tpu.dma_semaphore, #tpu.memory_space<semaphore_mem>> -> memref<!tpu.dma_semaphore, #tpu.memory_space<semaphore_mem>>
      %dma_wait3A_238 = arith.constant 0 : i32
      %dma_wait3A_239 = arith.constant 0 : i32
      %dma_wait3A_240 = tpu.memref_slice %arg6[%dma_wait3A_227, %dma_wait3A_238, %dma_wait3A_239] : memref<4x128x64xf32, #tpu.memory_space<vmem>> -> memref<1x128x64xf32, #tpu.memory_space<vmem>>
      %dma_wait3A_241 = tpu.memref_squeeze %dma_wait3A_240 : memref<1x128x64xf32, #tpu.memory_space<vmem>> -> memref<128x64xf32, #tpu.memory_space<vmem>>
      %dma_wait3A_242 = arith.constant 0 : i32
      %dma_wait3A_243 = arith.constant 0 : i32
      %dma_wait3A_244 = tpu.memref_slice %arg3[%dma_wait3A_242, %dma_wait3A_243] : memref<1000000x64xf32, #tpu.memory_space<hbm>> -> memref<128x64xf32, #tpu.memory_space<hbm>>
      tpu.wait_dma2 semaphore(%dma_wait3A_237 : memref<!tpu.dma_semaphore, #tpu.memory_space<semaphore_mem>>) src(%dma_wait3A_244 : memref<128x64xf32, #tpu.memory_space<hbm>>) dst(%dma_wait3A_241 : memref<128x64xf32, #tpu.memory_space<vmem>>)
      %parallel_loop3A_245 = arith.constant 0 : i32
      %parallel_loop3A_246 = arith.constant 128 : i32
      %parallel_loop3A_247 = arith.constant 1 : i32
      scf.for %parallel_loop3A_483 = %parallel_loop3A_245 to %parallel_loop3A_246 step %parallel_loop3A_247  : i32 {
        %parallel_loop3A_484 = vector.broadcast %parallel_loop3A_483 : i32 to vector<16xi32>
        %parallel_loop3A_485 = arith.constant 1 : i32
        %parallel_loop3A_486 = arith.index_cast %parallel_loop3A_485 : i32 to index
        %parallel_loop3A_487 = arith.index_cast %parallel_loop3A_483 : i32 to index
        %parallel_loop3A_488 = arith.constant 0 : index
        %parallel_loop3A_489 = tpu.vector_load %arg6[%parallel_loop3A_486, %parallel_loop3A_487, %parallel_loop3A_488] {strides = array<i32>} : memref<4x128x64xf32, #tpu.memory_space<vmem>>, vector<16xf32>,
        %parallel_loop3A_490 = arith.constant 8.000000e+00 : f32
        %parallel_loop3A_491 = vector.broadcast %parallel_loop3A_490 : f32 to vector<16xf32>
        %parallel_loop3A_492 = arith.mulf %parallel_loop3A_489, %parallel_loop3A_491 : vector<16xf32>
        tpu.vector_store_idx %arg7[%broadcast_in_dim3A_51, %shift_right_arithmetic3A_7, %and3A_30, %parallel_loop3A_484], %parallel_loop3A_492 : memref<4x8x8x129xf32, #tpu.memory_space<vmem>>[vector<16xi32>, vector<16xi32>, vector<16xi32>, vector<16xi32>], vector<16xf32>,
        %parallel_loop3A_493 = arith.constant 1 : i32
        %parallel_loop3A_494 = arith.index_cast %parallel_loop3A_493 : i32 to index
        %parallel_loop3A_495 = arith.index_cast %parallel_loop3A_483 : i32 to index
        %parallel_loop3A_496 = arith.constant 16 : index
        %parallel_loop3A_497 = tpu.vector_load %arg6[%parallel_loop3A_494, %parallel_loop3A_495, %parallel_loop3A_496] {strides = array<i32>} : memref<4x128x64xf32, #tpu.memory_space<vmem>>, vector<16xf32>,
        %parallel_loop3A_498 = arith.constant 8.000000e+00 : f32
        %parallel_loop3A_499 = vector.broadcast %parallel_loop3A_498 : f32 to vector<16xf32>
        %parallel_loop3A_500 = arith.mulf %parallel_loop3A_497, %parallel_loop3A_499 : vector<16xf32>
        tpu.vector_store_idx %arg7[%broadcast_in_dim3A_51, %shift_right_arithmetic3A_13, %and3A_36, %parallel_loop3A_484], %parallel_loop3A_500 : memref<4x8x8x129xf32, #tpu.memory_space<vmem>>[vector<16xi32>, vector<16xi32>, vector<16xi32>, vector<16xi32>], vector<16xf32>,
        %parallel_loop3A_501 = arith.constant 1 : i32
        %parallel_loop3A_502 = arith.index_cast %parallel_loop3A_501 : i32 to index
        %parallel_loop3A_503 = arith.index_cast %parallel_loop3A_483 : i32 to index
        %parallel_loop3A_504 = arith.constant 32 : index
        %parallel_loop3A_505 = tpu.vector_load %arg6[%parallel_loop3A_502, %parallel_loop3A_503, %parallel_loop3A_504] {strides = array<i32>} : memref<4x128x64xf32, #tpu.memory_space<vmem>>, vector<16xf32>,
        %parallel_loop3A_506 = arith.constant 8.000000e+00 : f32
        %parallel_loop3A_507 = vector.broadcast %parallel_loop3A_506 : f32 to vector<16xf32>
        %parallel_loop3A_508 = arith.mulf %parallel_loop3A_505, %parallel_loop3A_507 : vector<16xf32>
        tpu.vector_store_idx %arg7[%broadcast_in_dim3A_51, %shift_right_arithmetic3A_19, %and3A_42, %parallel_loop3A_484], %parallel_loop3A_508 : memref<4x8x8x129xf32, #tpu.memory_space<vmem>>[vector<16xi32>, vector<16xi32>, vector<16xi32>, vector<16xi32>], vector<16xf32>,
        %parallel_loop3A_509 = arith.constant 1 : i32
        %parallel_loop3A_510 = arith.index_cast %parallel_loop3A_509 : i32 to index
        %parallel_loop3A_511 = arith.index_cast %parallel_loop3A_483 : i32 to index
        %parallel_loop3A_512 = arith.constant 48 : index
        %parallel_loop3A_513 = tpu.vector_load %arg6[%parallel_loop3A_510, %parallel_loop3A_511, %parallel_loop3A_512] {strides = array<i32>} : memref<4x128x64xf32, #tpu.memory_space<vmem>>, vector<16xf32>,
        %parallel_loop3A_514 = arith.constant 8.000000e+00 : f32
        %parallel_loop3A_515 = vector.broadcast %parallel_loop3A_514 : f32 to vector<16xf32>
        %parallel_loop3A_516 = arith.mulf %parallel_loop3A_513, %parallel_loop3A_515 : vector<16xf32>
        tpu.vector_store_idx %arg7[%broadcast_in_dim3A_51, %shift_right_arithmetic3A_25, %and3A_48, %parallel_loop3A_484], %parallel_loop3A_516 : memref<4x8x8x129xf32, #tpu.memory_space<vmem>>[vector<16xi32>, vector<16xi32>, vector<16xi32>, vector<16xi32>], vector<16xf32>,
      } {sc.loop_unroll_factor = 8 : i64, sc.parallel_access}
      %ge3A_248 = arith.constant 2 : i32
      %ge3A_249 = arith.cmpi sge, %add3A_226, %ge3A_248 : i32
      %convert_element_type3A_250 = arith.extui %ge3A_249 : i1 to i32
      %cond3A_251 = arith.constant 0 : i32
      %cond3A_252 = arith.cmpi ne, %convert_element_type3A_250, %cond3A_251 : i32
      scf.if %cond3A_252 {
        %dma_wait3A_483 = arith.constant 3 : i32
        %dma_wait3A_484 = arith.constant 0 : i32
        %dma_wait3A_485 = arith.constant 0 : i32
        %dma_wait3A_486 = arith.constant 3 : i32
        %dma_wait3A_487 = arith.constant 0 : i32
        %dma_wait3A_488 = arith.constant 0 : i32
        %dma_wait3A_489 = arith.constant 0 : i32
        %dma_wait3A_490 = tpu.memref_slice %arg7[%dma_wait3A_483, %dma_wait3A_487, %dma_wait3A_488, %dma_wait3A_489] : memref<4x8x8x129xf32, #tpu.memory_space<vmem>> -> memref<1x8x8x128xf32, #tpu.memory_space<vmem>>
        %dma_wait3A_491 = tpu.memref_squeeze %dma_wait3A_490 : memref<1x8x8x128xf32, #tpu.memory_space<vmem>> -> memref<8x8x128xf32, #tpu.memory_space<vmem>>
        %dma_wait3A_492 = arith.constant 0 : i32
        %dma_wait3A_493 = arith.constant 0 : i32
        %dma_wait3A_494 = arith.constant 0 : i32
        %dma_wait3A_495 = tpu.memref_slice %arg4[%dma_wait3A_484, %dma_wait3A_492, %dma_wait3A_485, %dma_wait3A_493, %dma_wait3A_494] : memref<50x8x128x8x128xf32, #tpu.memory_space<hbm>> -> memref<1x8x1x8x128xf32, #tpu.memory_space<hbm>>
        %dma_wait3A_496 = tpu.memref_squeeze %dma_wait3A_495 : memref<1x8x1x8x128xf32, #tpu.memory_space<hbm>> -> memref<8x8x128xf32, #tpu.memory_space<hbm>>
        %dma_wait3A_497 = tpu.memref_slice %arg9[%dma_wait3A_486] : memref<4x!tpu.dma_semaphore, #tpu.memory_space<semaphore_mem>> -> memref<1x!tpu.dma_semaphore, #tpu.memory_space<semaphore_mem>>
        %dma_wait3A_498 = tpu.memref_squeeze %dma_wait3A_497 : memref<1x!tpu.dma_semaphore, #tpu.memory_space<semaphore_mem>> -> memref<!tpu.dma_semaphore, #tpu.memory_space<semaphore_mem>>
        %dma_wait3A_499 = arith.constant 0 : i32
        %dma_wait3A_500 = arith.constant 0 : i32
        %dma_wait3A_501 = arith.constant 0 : i32
        %dma_wait3A_502 = tpu.memref_slice %arg4[%dma_wait3A_484, %dma_wait3A_499, %dma_wait3A_485, %dma_wait3A_500, %dma_wait3A_501] : memref<50x8x128x8x128xf32, #tpu.memory_space<hbm>> -> memref<1x8x1x8x128xf32, #tpu.memory_space<hbm>>
        %dma_wait3A_503 = tpu.memref_squeeze %dma_wait3A_502 : memref<1x8x1x8x128xf32, #tpu.memory_space<hbm>> -> memref<8x8x128xf32, #tpu.memory_space<hbm>>
        %dma_wait3A_504 = arith.constant 0 : i32
        %dma_wait3A_505 = arith.constant 0 : i32
        %dma_wait3A_506 = arith.constant 0 : i32
        %dma_wait3A_507 = tpu.memref_slice %arg7[%dma_wait3A_483, %dma_wait3A_504, %dma_wait3A_505, %dma_wait3A_506] : memref<4x8x8x129xf32, #tpu.memory_space<vmem>> -> memref<1x8x8x128xf32, #tpu.memory_space<vmem>>
        %dma_wait3A_508 = tpu.memref_squeeze %dma_wait3A_507 : memref<1x8x8x128xf32, #tpu.memory_space<vmem>> -> memref<8x8x128xf32, #tpu.memory_space<vmem>>
        tpu.wait_dma2 semaphore(%dma_wait3A_498 : memref<!tpu.dma_semaphore, #tpu.memory_space<semaphore_mem>>) src(%dma_wait3A_508 : memref<8x8x128xf32, #tpu.memory_space<vmem>>) dst(%dma_wait3A_503 : memref<8x8x128xf32, #tpu.memory_space<hbm>>)
      } else {
      }
      %add3A_253 = arith.constant 2 : i32
      %add3A_254 = arith.addi %add3A_226, %add3A_253 : i32
      %lt3A_255 = arith.constant 200 : i32
      %lt3A_256 = arith.cmpi slt, %add3A_254, %lt3A_255 : i32
      %convert_element_type3A_257 = arith.extui %lt3A_256 : i1 to i32
      %cond3A_258 = arith.constant 0 : i32
      %cond3A_259 = arith.cmpi ne, %convert_element_type3A_257, %cond3A_258 : i32
      scf.if %cond3A_259 {
        %add3A_483 = arith.constant 2 : i32
        %add3A_484 = arith.addi %add3A_226, %add3A_483 : i32
        %jit3A_485 = arith.constant 4 : i32
        %div3A_486 = arith.divsi %add3A_484, %jit3A_485 : i32
        %sign3A_487 = arith.constant 0 : i32
        %sign3A_488 = arith.cmpi sgt, %add3A_484, %sign3A_487 : i32
        %sign3A_489 = arith.extui %sign3A_488 : i1 to i32
        %sign3A_490 = arith.constant 0 : i32
        %sign3A_491 = arith.cmpi slt, %add3A_484, %sign3A_490 : i32
        %sign3A_492 = arith.extui %sign3A_491 : i1 to i32
        %sign3A_493 = arith.subi %sign3A_489, %sign3A_492 : i32
        %sign3A_494 = arith.constant 0 : i32
        %sign3A_495 = arith.cmpi sgt, %jit3A_485, %sign3A_494 : i32
        %sign3A_496 = arith.extui %sign3A_495 : i1 to i32
        %sign3A_497 = arith.constant 0 : i32
        %sign3A_498 = arith.cmpi slt, %jit3A_485, %sign3A_497 : i32
        %sign3A_499 = arith.extui %sign3A_498 : i1 to i32
        %sign3A_500 = arith.subi %sign3A_496, %sign3A_499 : i32
        %ne3A_501 = arith.cmpi ne, %sign3A_493, %sign3A_500 : i32
        %rem3A_502 = arith.remsi %add3A_484, %jit3A_485 : i32
        %ne3A_503 = arith.constant 0 : i32
        %ne3A_504 = arith.cmpi ne, %rem3A_502, %ne3A_503 : i32
        %and3A_505 = arith.andi %ne3A_501, %ne3A_504 : i1
        %sub3A_506 = arith.constant 1 : i32
        %sub3A_507 = arith.subi %div3A_486, %sub3A_506 : i32
        %select_n3A_508 = arith.select %and3A_505, %sub3A_507, %div3A_486 : i32
        %rem3A_509 = arith.constant 4 : i32
        %rem3A_510 = arith.remsi %add3A_484, %rem3A_509 : i32
        %dma_start3A_511 = arith.constant 3 : i32
        %dma_start3A_512 = arith.constant 3 : i32
        %dma_start3A_513 = arith.constant 0 : i32
        %dma_start3A_514 = arith.constant 0 : i32
        %dma_start3A_515 = tpu.memref_slice %arg6[%dma_start3A_511, %dma_start3A_513, %dma_start3A_514] : memref<4x128x64xf32, #tpu.memory_space<vmem>> -> memref<1x128x64xf32, #tpu.memory_space<vmem>>
        %dma_start3A_516 = tpu.memref_squeeze %dma_start3A_515 : memref<1x128x64xf32, #tpu.memory_space<vmem>> -> memref<128x64xf32, #tpu.memory_space<vmem>>
        %dma_start3A_517 = arith.constant 0 : i32
        %dma_start3A_518 = tpu.memref_slice %arg5[%select_n3A_508, %rem3A_510, %dma_start3A_517] : memref<50x4x128xi32, #tpu.memory_space<vmem>> -> memref<1x1x128xi32, #tpu.memory_space<vmem>>
        %dma_start3A_519 = tpu.memref_squeeze %dma_start3A_518 : memref<1x1x128xi32, #tpu.memory_space<vmem>> -> memref<128xi32, #tpu.memory_space<vmem>>
        %dma_start3A_520 = arith.constant 0 : i32
        %dma_start3A_521 = arith.constant 0 : i32
        %dma_start3A_522 = tpu.memref_slice %arg3[%dma_start3A_520, %dma_start3A_521] : memref<1000000x64xf32, #tpu.memory_space<hbm>> -> memref<1000000x64xf32, #tpu.memory_space<hbm>>
        %dma_start3A_523 = tpu.memref_slice %arg8[%dma_start3A_512] : memref<4x!tpu.dma_semaphore, #tpu.memory_space<semaphore_mem>> -> memref<1x!tpu.dma_semaphore, #tpu.memory_space<semaphore_mem>>
        %dma_start3A_524 = tpu.memref_squeeze %dma_start3A_523 : memref<1x!tpu.dma_semaphore, #tpu.memory_space<semaphore_mem>> -> memref<!tpu.dma_semaphore, #tpu.memory_space<semaphore_mem>>
        tpu.enqueue_indirect_dma source(%dma_start3A_522 : memref<1000000x64xf32, #tpu.memory_space<hbm>>) target(%dma_start3A_516 : memref<128x64xf32, #tpu.memory_space<vmem>>) offsets(%dma_start3A_519 : memref<128xi32, #tpu.memory_space<vmem>>) semaphore(%dma_start3A_524 : memref<!tpu.dma_semaphore, #tpu.memory_space<semaphore_mem>>)
      } else {
      }
      %jit3A_260 = arith.constant 4 : i32
      %div3A_261 = arith.divsi %add3A_226, %jit3A_260 : i32
      %sign3A_262 = arith.constant 0 : i32
      %sign3A_263 = arith.cmpi sgt, %add3A_226, %sign3A_262 : i32
      %sign3A_264 = arith.extui %sign3A_263 : i1 to i32
      %sign3A_265 = arith.constant 0 : i32
      %sign3A_266 = arith.cmpi slt, %add3A_226, %sign3A_265 : i32
      %sign3A_267 = arith.extui %sign3A_266 : i1 to i32
      %sign3A_268 = arith.subi %sign3A_264, %sign3A_267 : i32
      %sign3A_269 = arith.constant 0 : i32
      %sign3A_270 = arith.cmpi sgt, %jit3A_260, %sign3A_269 : i32
      %sign3A_271 = arith.extui %sign3A_270 : i1 to i32
      %sign3A_272 = arith.constant 0 : i32
      %sign3A_273 = arith.cmpi slt, %jit3A_260, %sign3A_272 : i32
      %sign3A_274 = arith.extui %sign3A_273 : i1 to i32
      %sign3A_275 = arith.subi %sign3A_271, %sign3A_274 : i32
      %ne3A_276 = arith.cmpi ne, %sign3A_268, %sign3A_275 : i32
      %rem3A_277 = arith.remsi %add3A_226, %jit3A_260 : i32
      %ne3A_278 = arith.constant 0 : i32
      %ne3A_279 = arith.cmpi ne, %rem3A_277, %ne3A_278 : i32
      %and3A_280 = arith.andi %ne3A_276, %ne3A_279 : i1
      %sub3A_281 = arith.constant 1 : i32
      %sub3A_282 = arith.subi %div3A_261, %sub3A_281 : i32
      %select_n3A_283 = arith.select %and3A_280, %sub3A_282, %div3A_261 : i32
      %rem3A_284 = arith.constant 4 : i32
      %rem3A_285 = arith.remsi %add3A_226, %rem3A_284 : i32
      %add3A_286 = arith.addi %mul3A_2, %rem3A_285 : i32
      %dma_start3A_287 = arith.constant 1 : i32
      %dma_start3A_288 = arith.constant 1 : i32
      %dma_start3A_289 = arith.constant 0 : i32
      %dma_start3A_290 = arith.constant 0 : i32
      %dma_start3A_291 = arith.constant 0 : i32
      %dma_start3A_292 = tpu.memref_slice %arg7[%dma_start3A_287, %dma_start3A_289, %dma_start3A_290, %dma_start3A_291] : memref<4x8x8x129xf32, #tpu.memory_space<vmem>> -> memref<1x8x8x128xf32, #tpu.memory_space<vmem>>
      %dma_start3A_293 = tpu.memref_squeeze %dma_start3A_292 : memref<1x8x8x128xf32, #tpu.memory_space<vmem>> -> memref<8x8x128xf32, #tpu.memory_space<vmem>>
      %dma_start3A_294 = arith.constant 0 : i32
      %dma_start3A_295 = arith.constant 0 : i32
      %dma_start3A_296 = arith.constant 0 : i32
      %dma_start3A_297 = tpu.memref_slice %arg4[%select_n3A_283, %dma_start3A_294, %add3A_286, %dma_start3A_295, %dma_start3A_296] : memref<50x8x128x8x128xf32, #tpu.memory_space<hbm>> -> memref<1x8x1x8x128xf32, #tpu.memory_space<hbm>>
      %dma_start3A_298 = tpu.memref_squeeze %dma_start3A_297 : memref<1x8x1x8x128xf32, #tpu.memory_space<hbm>> -> memref<8x8x128xf32, #tpu.memory_space<hbm>>
      %dma_start3A_299 = tpu.memref_slice %arg9[%dma_start3A_288] : memref<4x!tpu.dma_semaphore, #tpu.memory_space<semaphore_mem>> -> memref<1x!tpu.dma_semaphore, #tpu.memory_space<semaphore_mem>>
      %dma_start3A_300 = tpu.memref_squeeze %dma_start3A_299 : memref<1x!tpu.dma_semaphore, #tpu.memory_space<semaphore_mem>> -> memref<!tpu.dma_semaphore, #tpu.memory_space<semaphore_mem>>
      %dma_start3A_301 = arith.constant 0 : i32
      %dma_start3A_302 = arith.constant 0 : i32
      %dma_start3A_303 = arith.constant 0 : i32
      %dma_start3A_304 = tpu.memref_slice %arg4[%select_n3A_283, %dma_start3A_301, %add3A_286, %dma_start3A_302, %dma_start3A_303] : memref<50x8x128x8x128xf32, #tpu.memory_space<hbm>> -> memref<1x8x1x8x128xf32, #tpu.memory_space<hbm>>
      %dma_start3A_305 = tpu.memref_squeeze %dma_start3A_304 : memref<1x8x1x8x128xf32, #tpu.memory_space<hbm>> -> memref<8x8x128xf32, #tpu.memory_space<hbm>>
      %dma_start3A_306 = arith.constant 0 : i32
      %dma_start3A_307 = arith.constant 0 : i32
      %dma_start3A_308 = arith.constant 0 : i32
      %dma_start3A_309 = tpu.memref_slice %arg7[%dma_start3A_287, %dma_start3A_306, %dma_start3A_307, %dma_start3A_308] : memref<4x8x8x129xf32, #tpu.memory_space<vmem>> -> memref<1x8x8x128xf32, #tpu.memory_space<vmem>>
      %dma_start3A_310 = tpu.memref_squeeze %dma_start3A_309 : memref<1x8x8x128xf32, #tpu.memory_space<vmem>> -> memref<8x8x128xf32, #tpu.memory_space<vmem>>
      tpu.enqueue_dma source(%dma_start3A_310 : memref<8x8x128xf32, #tpu.memory_space<vmem>>) target(%dma_start3A_305 : memref<8x8x128xf32, #tpu.memory_space<hbm>>) target_semaphore(%dma_start3A_300 : memref<!tpu.dma_semaphore, #tpu.memory_space<semaphore_mem>>)
      %add3A_311 = arith.constant 2 : i32
      %add3A_312 = arith.addi %add3A_149, %add3A_311 : i32
      %dma_wait3A_313 = arith.constant 2 : i32
      %dma_wait3A_314 = arith.constant 2 : i32
      %dma_wait3A_315 = arith.constant 0 : i32
      %dma_wait3A_316 = arith.constant 0 : i32
      %dma_wait3A_317 = tpu.memref_slice %arg6[%dma_wait3A_313, %dma_wait3A_315, %dma_wait3A_316] : memref<4x128x64xf32, #tpu.memory_space<vmem>> -> memref<1x128x64xf32, #tpu.memory_space<vmem>>
      %dma_wait3A_318 = tpu.memref_squeeze %dma_wait3A_317 : memref<1x128x64xf32, #tpu.memory_space<vmem>> -> memref<128x64xf32, #tpu.memory_space<vmem>>
      %dma_wait3A_319 = arith.constant 0 : i32
      %dma_wait3A_320 = arith.constant 0 : i32
      %dma_wait3A_321 = tpu.memref_slice %arg3[%dma_wait3A_319, %dma_wait3A_320] : memref<1000000x64xf32, #tpu.memory_space<hbm>> -> memref<128x64xf32, #tpu.memory_space<hbm>>
      %dma_wait3A_322 = tpu.memref_slice %arg8[%dma_wait3A_314] : memref<4x!tpu.dma_semaphore, #tpu.memory_space<semaphore_mem>> -> memref<1x!tpu.dma_semaphore, #tpu.memory_space<semaphore_mem>>
      %dma_wait3A_323 = tpu.memref_squeeze %dma_wait3A_322 : memref<1x!tpu.dma_semaphore, #tpu.memory_space<semaphore_mem>> -> memref<!tpu.dma_semaphore, #tpu.memory_space<semaphore_mem>>
      %dma_wait3A_324 = arith.constant 0 : i32
      %dma_wait3A_325 = arith.constant 0 : i32
      %dma_wait3A_326 = tpu.memref_slice %arg6[%dma_wait3A_313, %dma_wait3A_324, %dma_wait3A_325] : memref<4x128x64xf32, #tpu.memory_space<vmem>> -> memref<1x128x64xf32, #tpu.memory_space<vmem>>
      %dma_wait3A_327 = tpu.memref_squeeze %dma_wait3A_326 : memref<1x128x64xf32, #tpu.memory_space<vmem>> -> memref<128x64xf32, #tpu.memory_space<vmem>>
      %dma_wait3A_328 = arith.constant 0 : i32
      %dma_wait3A_329 = arith.constant 0 : i32
      %dma_wait3A_330 = tpu.memref_slice %arg3[%dma_wait3A_328, %dma_wait3A_329] : memref<1000000x64xf32, #tpu.memory_space<hbm>> -> memref<128x64xf32, #tpu.memory_space<hbm>>
      tpu.wait_dma2 semaphore(%dma_wait3A_323 : memref<!tpu.dma_semaphore, #tpu.memory_space<semaphore_mem>>) src(%dma_wait3A_330 : memref<128x64xf32, #tpu.memory_space<hbm>>) dst(%dma_wait3A_327 : memref<128x64xf32, #tpu.memory_space<vmem>>)
      %parallel_loop3A_331 = arith.constant 0 : i32
      %parallel_loop3A_332 = arith.constant 128 : i32
      %parallel_loop3A_333 = arith.constant 1 : i32
      scf.for %parallel_loop3A_483 = %parallel_loop3A_331 to %parallel_loop3A_332 step %parallel_loop3A_333  : i32 {
        %parallel_loop3A_484 = vector.broadcast %parallel_loop3A_483 : i32 to vector<16xi32>
        %parallel_loop3A_485 = arith.constant 2 : i32
        %parallel_loop3A_486 = arith.index_cast %parallel_loop3A_485 : i32 to index
        %parallel_loop3A_487 = arith.index_cast %parallel_loop3A_483 : i32 to index
        %parallel_loop3A_488 = arith.constant 0 : index
        %parallel_loop3A_489 = tpu.vector_load %arg6[%parallel_loop3A_486, %parallel_loop3A_487, %parallel_loop3A_488] {strides = array<i32>} : memref<4x128x64xf32, #tpu.memory_space<vmem>>, vector<16xf32>,
        %parallel_loop3A_490 = arith.constant 8.000000e+00 : f32
        %parallel_loop3A_491 = vector.broadcast %parallel_loop3A_490 : f32 to vector<16xf32>
        %parallel_loop3A_492 = arith.mulf %parallel_loop3A_489, %parallel_loop3A_491 : vector<16xf32>
        tpu.vector_store_idx %arg7[%broadcast_in_dim3A_53, %shift_right_arithmetic3A_7, %and3A_30, %parallel_loop3A_484], %parallel_loop3A_492 : memref<4x8x8x129xf32, #tpu.memory_space<vmem>>[vector<16xi32>, vector<16xi32>, vector<16xi32>, vector<16xi32>], vector<16xf32>,
        %parallel_loop3A_493 = arith.constant 2 : i32
        %parallel_loop3A_494 = arith.index_cast %parallel_loop3A_493 : i32 to index
        %parallel_loop3A_495 = arith.index_cast %parallel_loop3A_483 : i32 to index
        %parallel_loop3A_496 = arith.constant 16 : index
        %parallel_loop3A_497 = tpu.vector_load %arg6[%parallel_loop3A_494, %parallel_loop3A_495, %parallel_loop3A_496] {strides = array<i32>} : memref<4x128x64xf32, #tpu.memory_space<vmem>>, vector<16xf32>,
        %parallel_loop3A_498 = arith.constant 8.000000e+00 : f32
        %parallel_loop3A_499 = vector.broadcast %parallel_loop3A_498 : f32 to vector<16xf32>
        %parallel_loop3A_500 = arith.mulf %parallel_loop3A_497, %parallel_loop3A_499 : vector<16xf32>
        tpu.vector_store_idx %arg7[%broadcast_in_dim3A_53, %shift_right_arithmetic3A_13, %and3A_36, %parallel_loop3A_484], %parallel_loop3A_500 : memref<4x8x8x129xf32, #tpu.memory_space<vmem>>[vector<16xi32>, vector<16xi32>, vector<16xi32>, vector<16xi32>], vector<16xf32>,
        %parallel_loop3A_501 = arith.constant 2 : i32
        %parallel_loop3A_502 = arith.index_cast %parallel_loop3A_501 : i32 to index
        %parallel_loop3A_503 = arith.index_cast %parallel_loop3A_483 : i32 to index
        %parallel_loop3A_504 = arith.constant 32 : index
        %parallel_loop3A_505 = tpu.vector_load %arg6[%parallel_loop3A_502, %parallel_loop3A_503, %parallel_loop3A_504] {strides = array<i32>} : memref<4x128x64xf32, #tpu.memory_space<vmem>>, vector<16xf32>,
        %parallel_loop3A_506 = arith.constant 8.000000e+00 : f32
        %parallel_loop3A_507 = vector.broadcast %parallel_loop3A_506 : f32 to vector<16xf32>
        %parallel_loop3A_508 = arith.mulf %parallel_loop3A_505, %parallel_loop3A_507 : vector<16xf32>
        tpu.vector_store_idx %arg7[%broadcast_in_dim3A_53, %shift_right_arithmetic3A_19, %and3A_42, %parallel_loop3A_484], %parallel_loop3A_508 : memref<4x8x8x129xf32, #tpu.memory_space<vmem>>[vector<16xi32>, vector<16xi32>, vector<16xi32>, vector<16xi32>], vector<16xf32>,
        %parallel_loop3A_509 = arith.constant 2 : i32
        %parallel_loop3A_510 = arith.index_cast %parallel_loop3A_509 : i32 to index
        %parallel_loop3A_511 = arith.index_cast %parallel_loop3A_483 : i32 to index
        %parallel_loop3A_512 = arith.constant 48 : index
        %parallel_loop3A_513 = tpu.vector_load %arg6[%parallel_loop3A_510, %parallel_loop3A_511, %parallel_loop3A_512] {strides = array<i32>} : memref<4x128x64xf32, #tpu.memory_space<vmem>>, vector<16xf32>,
        %parallel_loop3A_514 = arith.constant 8.000000e+00 : f32
        %parallel_loop3A_515 = vector.broadcast %parallel_loop3A_514 : f32 to vector<16xf32>
        %parallel_loop3A_516 = arith.mulf %parallel_loop3A_513, %parallel_loop3A_515 : vector<16xf32>
        tpu.vector_store_idx %arg7[%broadcast_in_dim3A_53, %shift_right_arithmetic3A_25, %and3A_48, %parallel_loop3A_484], %parallel_loop3A_516 : memref<4x8x8x129xf32, #tpu.memory_space<vmem>>[vector<16xi32>, vector<16xi32>, vector<16xi32>, vector<16xi32>], vector<16xf32>,
      } {sc.loop_unroll_factor = 8 : i64, sc.parallel_access}
      %ge3A_334 = arith.constant 2 : i32
      %ge3A_335 = arith.cmpi sge, %add3A_312, %ge3A_334 : i32
      %convert_element_type3A_336 = arith.extui %ge3A_335 : i1 to i32
      %cond3A_337 = arith.constant 0 : i32
      %cond3A_338 = arith.cmpi ne, %convert_element_type3A_336, %cond3A_337 : i32
      scf.if %cond3A_338 {
        %dma_wait3A_483 = arith.constant 0 : i32
        %dma_wait3A_484 = arith.constant 0 : i32
        %dma_wait3A_485 = arith.constant 0 : i32
        %dma_wait3A_486 = arith.constant 0 : i32
        %dma_wait3A_487 = arith.constant 0 : i32
        %dma_wait3A_488 = arith.constant 0 : i32
        %dma_wait3A_489 = arith.constant 0 : i32
        %dma_wait3A_490 = tpu.memref_slice %arg7[%dma_wait3A_483, %dma_wait3A_487, %dma_wait3A_488, %dma_wait3A_489] : memref<4x8x8x129xf32, #tpu.memory_space<vmem>> -> memref<1x8x8x128xf32, #tpu.memory_space<vmem>>
        %dma_wait3A_491 = tpu.memref_squeeze %dma_wait3A_490 : memref<1x8x8x128xf32, #tpu.memory_space<vmem>> -> memref<8x8x128xf32, #tpu.memory_space<vmem>>
        %dma_wait3A_492 = arith.constant 0 : i32
        %dma_wait3A_493 = arith.constant 0 : i32
        %dma_wait3A_494 = arith.constant 0 : i32
        %dma_wait3A_495 = tpu.memref_slice %arg4[%dma_wait3A_484, %dma_wait3A_492, %dma_wait3A_485, %dma_wait3A_493, %dma_wait3A_494] : memref<50x8x128x8x128xf32, #tpu.memory_space<hbm>> -> memref<1x8x1x8x128xf32, #tpu.memory_space<hbm>>
        %dma_wait3A_496 = tpu.memref_squeeze %dma_wait3A_495 : memref<1x8x1x8x128xf32, #tpu.memory_space<hbm>> -> memref<8x8x128xf32, #tpu.memory_space<hbm>>
        %dma_wait3A_497 = tpu.memref_slice %arg9[%dma_wait3A_486] : memref<4x!tpu.dma_semaphore, #tpu.memory_space<semaphore_mem>> -> memref<1x!tpu.dma_semaphore, #tpu.memory_space<semaphore_mem>>
        %dma_wait3A_498 = tpu.memref_squeeze %dma_wait3A_497 : memref<1x!tpu.dma_semaphore, #tpu.memory_space<semaphore_mem>> -> memref<!tpu.dma_semaphore, #tpu.memory_space<semaphore_mem>>
        %dma_wait3A_499 = arith.constant 0 : i32
        %dma_wait3A_500 = arith.constant 0 : i32
        %dma_wait3A_501 = arith.constant 0 : i32
        %dma_wait3A_502 = tpu.memref_slice %arg4[%dma_wait3A_484, %dma_wait3A_499, %dma_wait3A_485, %dma_wait3A_500, %dma_wait3A_501] : memref<50x8x128x8x128xf32, #tpu.memory_space<hbm>> -> memref<1x8x1x8x128xf32, #tpu.memory_space<hbm>>
        %dma_wait3A_503 = tpu.memref_squeeze %dma_wait3A_502 : memref<1x8x1x8x128xf32, #tpu.memory_space<hbm>> -> memref<8x8x128xf32, #tpu.memory_space<hbm>>
        %dma_wait3A_504 = arith.constant 0 : i32
        %dma_wait3A_505 = arith.constant 0 : i32
        %dma_wait3A_506 = arith.constant 0 : i32
        %dma_wait3A_507 = tpu.memref_slice %arg7[%dma_wait3A_483, %dma_wait3A_504, %dma_wait3A_505, %dma_wait3A_506] : memref<4x8x8x129xf32, #tpu.memory_space<vmem>> -> memref<1x8x8x128xf32, #tpu.memory_space<vmem>>
        %dma_wait3A_508 = tpu.memref_squeeze %dma_wait3A_507 : memref<1x8x8x128xf32, #tpu.memory_space<vmem>> -> memref<8x8x128xf32, #tpu.memory_space<vmem>>
        tpu.wait_dma2 semaphore(%dma_wait3A_498 : memref<!tpu.dma_semaphore, #tpu.memory_space<semaphore_mem>>) src(%dma_wait3A_508 : memref<8x8x128xf32, #tpu.memory_space<vmem>>) dst(%dma_wait3A_503 : memref<8x8x128xf32, #tpu.memory_space<hbm>>)
      } else {
      }
      %add3A_339 = arith.constant 2 : i32
      %add3A_340 = arith.addi %add3A_312, %add3A_339 : i32
      %lt3A_341 = arith.constant 200 : i32
      %lt3A_342 = arith.cmpi slt, %add3A_340, %lt3A_341 : i32
      %convert_element_type3A_343 = arith.extui %lt3A_342 : i1 to i32
      %cond3A_344 = arith.constant 0 : i32
      %cond3A_345 = arith.cmpi ne, %convert_element_type3A_343, %cond3A_344 : i32
      scf.if %cond3A_345 {
        %add3A_483 = arith.constant 2 : i32
        %add3A_484 = arith.addi %add3A_312, %add3A_483 : i32
        %jit3A_485 = arith.constant 4 : i32
        %div3A_486 = arith.divsi %add3A_484, %jit3A_485 : i32
        %sign3A_487 = arith.constant 0 : i32
        %sign3A_488 = arith.cmpi sgt, %add3A_484, %sign3A_487 : i32
        %sign3A_489 = arith.extui %sign3A_488 : i1 to i32
        %sign3A_490 = arith.constant 0 : i32
        %sign3A_491 = arith.cmpi slt, %add3A_484, %sign3A_490 : i32
        %sign3A_492 = arith.extui %sign3A_491 : i1 to i32
        %sign3A_493 = arith.subi %sign3A_489, %sign3A_492 : i32
        %sign3A_494 = arith.constant 0 : i32
        %sign3A_495 = arith.cmpi sgt, %jit3A_485, %sign3A_494 : i32
        %sign3A_496 = arith.extui %sign3A_495 : i1 to i32
        %sign3A_497 = arith.constant 0 : i32
        %sign3A_498 = arith.cmpi slt, %jit3A_485, %sign3A_497 : i32
        %sign3A_499 = arith.extui %sign3A_498 : i1 to i32
        %sign3A_500 = arith.subi %sign3A_496, %sign3A_499 : i32
        %ne3A_501 = arith.cmpi ne, %sign3A_493, %sign3A_500 : i32
        %rem3A_502 = arith.remsi %add3A_484, %jit3A_485 : i32
        %ne3A_503 = arith.constant 0 : i32
        %ne3A_504 = arith.cmpi ne, %rem3A_502, %ne3A_503 : i32
        %and3A_505 = arith.andi %ne3A_501, %ne3A_504 : i1
        %sub3A_506 = arith.constant 1 : i32
        %sub3A_507 = arith.subi %div3A_486, %sub3A_506 : i32
        %select_n3A_508 = arith.select %and3A_505, %sub3A_507, %div3A_486 : i32
        %rem3A_509 = arith.constant 4 : i32
        %rem3A_510 = arith.remsi %add3A_484, %rem3A_509 : i32
        %dma_start3A_511 = arith.constant 0 : i32
        %dma_start3A_512 = arith.constant 0 : i32
        %dma_start3A_513 = arith.constant 0 : i32
        %dma_start3A_514 = arith.constant 0 : i32
        %dma_start3A_515 = tpu.memref_slice %arg6[%dma_start3A_511, %dma_start3A_513, %dma_start3A_514] : memref<4x128x64xf32, #tpu.memory_space<vmem>> -> memref<1x128x64xf32, #tpu.memory_space<vmem>>
        %dma_start3A_516 = tpu.memref_squeeze %dma_start3A_515 : memref<1x128x64xf32, #tpu.memory_space<vmem>> -> memref<128x64xf32, #tpu.memory_space<vmem>>
        %dma_start3A_517 = arith.constant 0 : i32
        %dma_start3A_518 = tpu.memref_slice %arg5[%select_n3A_508, %rem3A_510, %dma_start3A_517] : memref<50x4x128xi32, #tpu.memory_space<vmem>> -> memref<1x1x128xi32, #tpu.memory_space<vmem>>
        %dma_start3A_519 = tpu.memref_squeeze %dma_start3A_518 : memref<1x1x128xi32, #tpu.memory_space<vmem>> -> memref<128xi32, #tpu.memory_space<vmem>>
        %dma_start3A_520 = arith.constant 0 : i32
        %dma_start3A_521 = arith.constant 0 : i32
        %dma_start3A_522 = tpu.memref_slice %arg3[%dma_start3A_520, %dma_start3A_521] : memref<1000000x64xf32, #tpu.memory_space<hbm>> -> memref<1000000x64xf32, #tpu.memory_space<hbm>>
        %dma_start3A_523 = tpu.memref_slice %arg8[%dma_start3A_512] : memref<4x!tpu.dma_semaphore, #tpu.memory_space<semaphore_mem>> -> memref<1x!tpu.dma_semaphore, #tpu.memory_space<semaphore_mem>>
        %dma_start3A_524 = tpu.memref_squeeze %dma_start3A_523 : memref<1x!tpu.dma_semaphore, #tpu.memory_space<semaphore_mem>> -> memref<!tpu.dma_semaphore, #tpu.memory_space<semaphore_mem>>
        tpu.enqueue_indirect_dma source(%dma_start3A_522 : memref<1000000x64xf32, #tpu.memory_space<hbm>>) target(%dma_start3A_516 : memref<128x64xf32, #tpu.memory_space<vmem>>) offsets(%dma_start3A_519 : memref<128xi32, #tpu.memory_space<vmem>>) semaphore(%dma_start3A_524 : memref<!tpu.dma_semaphore, #tpu.memory_space<semaphore_mem>>)
      } else {
      }
      %jit3A_346 = arith.constant 4 : i32
      %div3A_347 = arith.divsi %add3A_312, %jit3A_346 : i32
      %sign3A_348 = arith.constant 0 : i32
      %sign3A_349 = arith.cmpi sgt, %add3A_312, %sign3A_348 : i32
      %sign3A_350 = arith.extui %sign3A_349 : i1 to i32
      %sign3A_351 = arith.constant 0 : i32
      %sign3A_352 = arith.cmpi slt, %add3A_312, %sign3A_351 : i32
      %sign3A_353 = arith.extui %sign3A_352 : i1 to i32
      %sign3A_354 = arith.subi %sign3A_350, %sign3A_353 : i32
      %sign3A_355 = arith.constant 0 : i32
      %sign3A_356 = arith.cmpi sgt, %jit3A_346, %sign3A_355 : i32
      %sign3A_357 = arith.extui %sign3A_356 : i1 to i32
      %sign3A_358 = arith.constant 0 : i32
      %sign3A_359 = arith.cmpi slt, %jit3A_346, %sign3A_358 : i32
      %sign3A_360 = arith.extui %sign3A_359 : i1 to i32
      %sign3A_361 = arith.subi %sign3A_357, %sign3A_360 : i32
      %ne3A_362 = arith.cmpi ne, %sign3A_354, %sign3A_361 : i32
      %rem3A_363 = arith.remsi %add3A_312, %jit3A_346 : i32
      %ne3A_364 = arith.constant 0 : i32
      %ne3A_365 = arith.cmpi ne, %rem3A_363, %ne3A_364 : i32
      %and3A_366 = arith.andi %ne3A_362, %ne3A_365 : i1
      %sub3A_367 = arith.constant 1 : i32
      %sub3A_368 = arith.subi %div3A_347, %sub3A_367 : i32
      %select_n3A_369 = arith.select %and3A_366, %sub3A_368, %div3A_347 : i32
      %rem3A_370 = arith.constant 4 : i32
      %rem3A_371 = arith.remsi %add3A_312, %rem3A_370 : i32
      %add3A_372 = arith.addi %mul3A_2, %rem3A_371 : i32
      %dma_start3A_373 = arith.constant 2 : i32
      %dma_start3A_374 = arith.constant 2 : i32
      %dma_start3A_375 = arith.constant 0 : i32
      %dma_start3A_376 = arith.constant 0 : i32
      %dma_start3A_377 = arith.constant 0 : i32
      %dma_start3A_378 = tpu.memref_slice %arg7[%dma_start3A_373, %dma_start3A_375, %dma_start3A_376, %dma_start3A_377] : memref<4x8x8x129xf32, #tpu.memory_space<vmem>> -> memref<1x8x8x128xf32, #tpu.memory_space<vmem>>
      %dma_start3A_379 = tpu.memref_squeeze %dma_start3A_378 : memref<1x8x8x128xf32, #tpu.memory_space<vmem>> -> memref<8x8x128xf32, #tpu.memory_space<vmem>>
      %dma_start3A_380 = arith.constant 0 : i32
      %dma_start3A_381 = arith.constant 0 : i32
      %dma_start3A_382 = arith.constant 0 : i32
      %dma_start3A_383 = tpu.memref_slice %arg4[%select_n3A_369, %dma_start3A_380, %add3A_372, %dma_start3A_381, %dma_start3A_382] : memref<50x8x128x8x128xf32, #tpu.memory_space<hbm>> -> memref<1x8x1x8x128xf32, #tpu.memory_space<hbm>>
      %dma_start3A_384 = tpu.memref_squeeze %dma_start3A_383 : memref<1x8x1x8x128xf32, #tpu.memory_space<hbm>> -> memref<8x8x128xf32, #tpu.memory_space<hbm>>
      %dma_start3A_385 = tpu.memref_slice %arg9[%dma_start3A_374] : memref<4x!tpu.dma_semaphore, #tpu.memory_space<semaphore_mem>> -> memref<1x!tpu.dma_semaphore, #tpu.memory_space<semaphore_mem>>
      %dma_start3A_386 = tpu.memref_squeeze %dma_start3A_385 : memref<1x!tpu.dma_semaphore, #tpu.memory_space<semaphore_mem>> -> memref<!tpu.dma_semaphore, #tpu.memory_space<semaphore_mem>>
      %dma_start3A_387 = arith.constant 0 : i32
      %dma_start3A_388 = arith.constant 0 : i32
      %dma_start3A_389 = arith.constant 0 : i32
      %dma_start3A_390 = tpu.memref_slice %arg4[%select_n3A_369, %dma_start3A_387, %add3A_372, %dma_start3A_388, %dma_start3A_389] : memref<50x8x128x8x128xf32, #tpu.memory_space<hbm>> -> memref<1x8x1x8x128xf32, #tpu.memory_space<hbm>>
      %dma_start3A_391 = tpu.memref_squeeze %dma_start3A_390 : memref<1x8x1x8x128xf32, #tpu.memory_space<hbm>> -> memref<8x8x128xf32, #tpu.memory_space<hbm>>
      %dma_start3A_392 = arith.constant 0 : i32
      %dma_start3A_393 = arith.constant 0 : i32
      %dma_start3A_394 = arith.constant 0 : i32
      %dma_start3A_395 = tpu.memref_slice %arg7[%dma_start3A_373, %dma_start3A_392, %dma_start3A_393, %dma_start3A_394] : memref<4x8x8x129xf32, #tpu.memory_space<vmem>> -> memref<1x8x8x128xf32, #tpu.memory_space<vmem>>
      %dma_start3A_396 = tpu.memref_squeeze %dma_start3A_395 : memref<1x8x8x128xf32, #tpu.memory_space<vmem>> -> memref<8x8x128xf32, #tpu.memory_space<vmem>>
      tpu.enqueue_dma source(%dma_start3A_396 : memref<8x8x128xf32, #tpu.memory_space<vmem>>) target(%dma_start3A_391 : memref<8x8x128xf32, #tpu.memory_space<hbm>>) target_semaphore(%dma_start3A_386 : memref<!tpu.dma_semaphore, #tpu.memory_space<semaphore_mem>>)
      %add3A_397 = arith.constant 3 : i32
      %add3A_398 = arith.addi %add3A_149, %add3A_397 : i32
      %dma_wait3A_399 = arith.constant 3 : i32
      %dma_wait3A_400 = arith.constant 3 : i32
      %dma_wait3A_401 = arith.constant 0 : i32
      %dma_wait3A_402 = arith.constant 0 : i32
      %dma_wait3A_403 = tpu.memref_slice %arg6[%dma_wait3A_399, %dma_wait3A_401, %dma_wait3A_402] : memref<4x128x64xf32, #tpu.memory_space<vmem>> -> memref<1x128x64xf32, #tpu.memory_space<vmem>>
      %dma_wait3A_404 = tpu.memref_squeeze %dma_wait3A_403 : memref<1x128x64xf32, #tpu.memory_space<vmem>> -> memref<128x64xf32, #tpu.memory_space<vmem>>
      %dma_wait3A_405 = arith.constant 0 : i32
      %dma_wait3A_406 = arith.constant 0 : i32
      %dma_wait3A_407 = tpu.memref_slice %arg3[%dma_wait3A_405, %dma_wait3A_406] : memref<1000000x64xf32, #tpu.memory_space<hbm>> -> memref<128x64xf32, #tpu.memory_space<hbm>>
      %dma_wait3A_408 = tpu.memref_slice %arg8[%dma_wait3A_400] : memref<4x!tpu.dma_semaphore, #tpu.memory_space<semaphore_mem>> -> memref<1x!tpu.dma_semaphore, #tpu.memory_space<semaphore_mem>>
      %dma_wait3A_409 = tpu.memref_squeeze %dma_wait3A_408 : memref<1x!tpu.dma_semaphore, #tpu.memory_space<semaphore_mem>> -> memref<!tpu.dma_semaphore, #tpu.memory_space<semaphore_mem>>
      %dma_wait3A_410 = arith.constant 0 : i32
      %dma_wait3A_411 = arith.constant 0 : i32
      %dma_wait3A_412 = tpu.memref_slice %arg6[%dma_wait3A_399, %dma_wait3A_410, %dma_wait3A_411] : memref<4x128x64xf32, #tpu.memory_space<vmem>> -> memref<1x128x64xf32, #tpu.memory_space<vmem>>
      %dma_wait3A_413 = tpu.memref_squeeze %dma_wait3A_412 : memref<1x128x64xf32, #tpu.memory_space<vmem>> -> memref<128x64xf32, #tpu.memory_space<vmem>>
      %dma_wait3A_414 = arith.constant 0 : i32
      %dma_wait3A_415 = arith.constant 0 : i32
      %dma_wait3A_416 = tpu.memref_slice %arg3[%dma_wait3A_414, %dma_wait3A_415] : memref<1000000x64xf32, #tpu.memory_space<hbm>> -> memref<128x64xf32, #tpu.memory_space<hbm>>
      tpu.wait_dma2 semaphore(%dma_wait3A_409 : memref<!tpu.dma_semaphore, #tpu.memory_space<semaphore_mem>>) src(%dma_wait3A_416 : memref<128x64xf32, #tpu.memory_space<hbm>>) dst(%dma_wait3A_413 : memref<128x64xf32, #tpu.memory_space<vmem>>)
      %parallel_loop3A_417 = arith.constant 0 : i32
      %parallel_loop3A_418 = arith.constant 128 : i32
      %parallel_loop3A_419 = arith.constant 1 : i32
      scf.for %parallel_loop3A_483 = %parallel_loop3A_417 to %parallel_loop3A_418 step %parallel_loop3A_419  : i32 {
        %parallel_loop3A_484 = vector.broadcast %parallel_loop3A_483 : i32 to vector<16xi32>
        %parallel_loop3A_485 = arith.constant 3 : i32
        %parallel_loop3A_486 = arith.index_cast %parallel_loop3A_485 : i32 to index
        %parallel_loop3A_487 = arith.index_cast %parallel_loop3A_483 : i32 to index
        %parallel_loop3A_488 = arith.constant 0 : index
        %parallel_loop3A_489 = tpu.vector_load %arg6[%parallel_loop3A_486, %parallel_loop3A_487, %parallel_loop3A_488] {strides = array<i32>} : memref<4x128x64xf32, #tpu.memory_space<vmem>>, vector<16xf32>,
        %parallel_loop3A_490 = arith.constant 8.000000e+00 : f32
        %parallel_loop3A_491 = vector.broadcast %parallel_loop3A_490 : f32 to vector<16xf32>
        %parallel_loop3A_492 = arith.mulf %parallel_loop3A_489, %parallel_loop3A_491 : vector<16xf32>
        tpu.vector_store_idx %arg7[%broadcast_in_dim3A_55, %shift_right_arithmetic3A_7, %and3A_30, %parallel_loop3A_484], %parallel_loop3A_492 : memref<4x8x8x129xf32, #tpu.memory_space<vmem>>[vector<16xi32>, vector<16xi32>, vector<16xi32>, vector<16xi32>], vector<16xf32>,
        %parallel_loop3A_493 = arith.constant 3 : i32
        %parallel_loop3A_494 = arith.index_cast %parallel_loop3A_493 : i32 to index
        %parallel_loop3A_495 = arith.index_cast %parallel_loop3A_483 : i32 to index
        %parallel_loop3A_496 = arith.constant 16 : index
        %parallel_loop3A_497 = tpu.vector_load %arg6[%parallel_loop3A_494, %parallel_loop3A_495, %parallel_loop3A_496] {strides = array<i32>} : memref<4x128x64xf32, #tpu.memory_space<vmem>>, vector<16xf32>,
        %parallel_loop3A_498 = arith.constant 8.000000e+00 : f32
        %parallel_loop3A_499 = vector.broadcast %parallel_loop3A_498 : f32 to vector<16xf32>
        %parallel_loop3A_500 = arith.mulf %parallel_loop3A_497, %parallel_loop3A_499 : vector<16xf32>
        tpu.vector_store_idx %arg7[%broadcast_in_dim3A_55, %shift_right_arithmetic3A_13, %and3A_36, %parallel_loop3A_484], %parallel_loop3A_500 : memref<4x8x8x129xf32, #tpu.memory_space<vmem>>[vector<16xi32>, vector<16xi32>, vector<16xi32>, vector<16xi32>], vector<16xf32>,
        %parallel_loop3A_501 = arith.constant 3 : i32
        %parallel_loop3A_502 = arith.index_cast %parallel_loop3A_501 : i32 to index
        %parallel_loop3A_503 = arith.index_cast %parallel_loop3A_483 : i32 to index
        %parallel_loop3A_504 = arith.constant 32 : index
        %parallel_loop3A_505 = tpu.vector_load %arg6[%parallel_loop3A_502, %parallel_loop3A_503, %parallel_loop3A_504] {strides = array<i32>} : memref<4x128x64xf32, #tpu.memory_space<vmem>>, vector<16xf32>,
        %parallel_loop3A_506 = arith.constant 8.000000e+00 : f32
        %parallel_loop3A_507 = vector.broadcast %parallel_loop3A_506 : f32 to vector<16xf32>
        %parallel_loop3A_508 = arith.mulf %parallel_loop3A_505, %parallel_loop3A_507 : vector<16xf32>
        tpu.vector_store_idx %arg7[%broadcast_in_dim3A_55, %shift_right_arithmetic3A_19, %and3A_42, %parallel_loop3A_484], %parallel_loop3A_508 : memref<4x8x8x129xf32, #tpu.memory_space<vmem>>[vector<16xi32>, vector<16xi32>, vector<16xi32>, vector<16xi32>], vector<16xf32>,
        %parallel_loop3A_509 = arith.constant 3 : i32
        %parallel_loop3A_510 = arith.index_cast %parallel_loop3A_509 : i32 to index
        %parallel_loop3A_511 = arith.index_cast %parallel_loop3A_483 : i32 to index
        %parallel_loop3A_512 = arith.constant 48 : index
        %parallel_loop3A_513 = tpu.vector_load %arg6[%parallel_loop3A_510, %parallel_loop3A_511, %parallel_loop3A_512] {strides = array<i32>} : memref<4x128x64xf32, #tpu.memory_space<vmem>>, vector<16xf32>,
        %parallel_loop3A_514 = arith.constant 8.000000e+00 : f32
        %parallel_loop3A_515 = vector.broadcast %parallel_loop3A_514 : f32 to vector<16xf32>
        %parallel_loop3A_516 = arith.mulf %parallel_loop3A_513, %parallel_loop3A_515 : vector<16xf32>
        tpu.vector_store_idx %arg7[%broadcast_in_dim3A_55, %shift_right_arithmetic3A_25, %and3A_48, %parallel_loop3A_484], %parallel_loop3A_516 : memref<4x8x8x129xf32, #tpu.memory_space<vmem>>[vector<16xi32>, vector<16xi32>, vector<16xi32>, vector<16xi32>], vector<16xf32>,
      } {sc.loop_unroll_factor = 8 : i64, sc.parallel_access}
      %ge3A_420 = arith.constant 2 : i32
      %ge3A_421 = arith.cmpi sge, %add3A_398, %ge3A_420 : i32
      %convert_element_type3A_422 = arith.extui %ge3A_421 : i1 to i32
      %cond3A_423 = arith.constant 0 : i32
      %cond3A_424 = arith.cmpi ne, %convert_element_type3A_422, %cond3A_423 : i32
      scf.if %cond3A_424 {
        %dma_wait3A_483 = arith.constant 1 : i32
        %dma_wait3A_484 = arith.constant 0 : i32
        %dma_wait3A_485 = arith.constant 0 : i32
        %dma_wait3A_486 = arith.constant 1 : i32
        %dma_wait3A_487 = arith.constant 0 : i32
        %dma_wait3A_488 = arith.constant 0 : i32
        %dma_wait3A_489 = arith.constant 0 : i32
        %dma_wait3A_490 = tpu.memref_slice %arg7[%dma_wait3A_483, %dma_wait3A_487, %dma_wait3A_488, %dma_wait3A_489] : memref<4x8x8x129xf32, #tpu.memory_space<vmem>> -> memref<1x8x8x128xf32, #tpu.memory_space<vmem>>
        %dma_wait3A_491 = tpu.memref_squeeze %dma_wait3A_490 : memref<1x8x8x128xf32, #tpu.memory_space<vmem>> -> memref<8x8x128xf32, #tpu.memory_space<vmem>>
        %dma_wait3A_492 = arith.constant 0 : i32
        %dma_wait3A_493 = arith.constant 0 : i32
        %dma_wait3A_494 = arith.constant 0 : i32
        %dma_wait3A_495 = tpu.memref_slice %arg4[%dma_wait3A_484, %dma_wait3A_492, %dma_wait3A_485, %dma_wait3A_493, %dma_wait3A_494] : memref<50x8x128x8x128xf32, #tpu.memory_space<hbm>> -> memref<1x8x1x8x128xf32, #tpu.memory_space<hbm>>
        %dma_wait3A_496 = tpu.memref_squeeze %dma_wait3A_495 : memref<1x8x1x8x128xf32, #tpu.memory_space<hbm>> -> memref<8x8x128xf32, #tpu.memory_space<hbm>>
        %dma_wait3A_497 = tpu.memref_slice %arg9[%dma_wait3A_486] : memref<4x!tpu.dma_semaphore, #tpu.memory_space<semaphore_mem>> -> memref<1x!tpu.dma_semaphore, #tpu.memory_space<semaphore_mem>>
        %dma_wait3A_498 = tpu.memref_squeeze %dma_wait3A_497 : memref<1x!tpu.dma_semaphore, #tpu.memory_space<semaphore_mem>> -> memref<!tpu.dma_semaphore, #tpu.memory_space<semaphore_mem>>
        %dma_wait3A_499 = arith.constant 0 : i32
        %dma_wait3A_500 = arith.constant 0 : i32
        %dma_wait3A_501 = arith.constant 0 : i32
        %dma_wait3A_502 = tpu.memref_slice %arg4[%dma_wait3A_484, %dma_wait3A_499, %dma_wait3A_485, %dma_wait3A_500, %dma_wait3A_501] : memref<50x8x128x8x128xf32, #tpu.memory_space<hbm>> -> memref<1x8x1x8x128xf32, #tpu.memory_space<hbm>>
        %dma_wait3A_503 = tpu.memref_squeeze %dma_wait3A_502 : memref<1x8x1x8x128xf32, #tpu.memory_space<hbm>> -> memref<8x8x128xf32, #tpu.memory_space<hbm>>
        %dma_wait3A_504 = arith.constant 0 : i32
        %dma_wait3A_505 = arith.constant 0 : i32
        %dma_wait3A_506 = arith.constant 0 : i32
        %dma_wait3A_507 = tpu.memref_slice %arg7[%dma_wait3A_483, %dma_wait3A_504, %dma_wait3A_505, %dma_wait3A_506] : memref<4x8x8x129xf32, #tpu.memory_space<vmem>> -> memref<1x8x8x128xf32, #tpu.memory_space<vmem>>
        %dma_wait3A_508 = tpu.memref_squeeze %dma_wait3A_507 : memref<1x8x8x128xf32, #tpu.memory_space<vmem>> -> memref<8x8x128xf32, #tpu.memory_space<vmem>>
        tpu.wait_dma2 semaphore(%dma_wait3A_498 : memref<!tpu.dma_semaphore, #tpu.memory_space<semaphore_mem>>) src(%dma_wait3A_508 : memref<8x8x128xf32, #tpu.memory_space<vmem>>) dst(%dma_wait3A_503 : memref<8x8x128xf32, #tpu.memory_space<hbm>>)
      } else {
      }
      %add3A_425 = arith.constant 2 : i32
      %add3A_426 = arith.addi %add3A_398, %add3A_425 : i32
      %lt3A_427 = arith.constant 200 : i32
      %lt3A_428 = arith.cmpi slt, %add3A_426, %lt3A_427 : i32
      %convert_element_type3A_429 = arith.extui %lt3A_428 : i1 to i32
      %cond3A_430 = arith.constant 0 : i32
      %cond3A_431 = arith.cmpi ne, %convert_element_type3A_429, %cond3A_430 : i32
      scf.if %cond3A_431 {
        %add3A_483 = arith.constant 2 : i32
        %add3A_484 = arith.addi %add3A_398, %add3A_483 : i32
        %jit3A_485 = arith.constant 4 : i32
        %div3A_486 = arith.divsi %add3A_484, %jit3A_485 : i32
        %sign3A_487 = arith.constant 0 : i32
        %sign3A_488 = arith.cmpi sgt, %add3A_484, %sign3A_487 : i32
        %sign3A_489 = arith.extui %sign3A_488 : i1 to i32
        %sign3A_490 = arith.constant 0 : i32
        %sign3A_491 = arith.cmpi slt, %add3A_484, %sign3A_490 : i32
        %sign3A_492 = arith.extui %sign3A_491 : i1 to i32
        %sign3A_493 = arith.subi %sign3A_489, %sign3A_492 : i32
        %sign3A_494 = arith.constant 0 : i32
        %sign3A_495 = arith.cmpi sgt, %jit3A_485, %sign3A_494 : i32
        %sign3A_496 = arith.extui %sign3A_495 : i1 to i32
        %sign3A_497 = arith.constant 0 : i32
        %sign3A_498 = arith.cmpi slt, %jit3A_485, %sign3A_497 : i32
        %sign3A_499 = arith.extui %sign3A_498 : i1 to i32
        %sign3A_500 = arith.subi %sign3A_496, %sign3A_499 : i32
        %ne3A_501 = arith.cmpi ne, %sign3A_493, %sign3A_500 : i32
        %rem3A_502 = arith.remsi %add3A_484, %jit3A_485 : i32
        %ne3A_503 = arith.constant 0 : i32
        %ne3A_504 = arith.cmpi ne, %rem3A_502, %ne3A_503 : i32
        %and3A_505 = arith.andi %ne3A_501, %ne3A_504 : i1
        %sub3A_506 = arith.constant 1 : i32
        %sub3A_507 = arith.subi %div3A_486, %sub3A_506 : i32
        %select_n3A_508 = arith.select %and3A_505, %sub3A_507, %div3A_486 : i32
        %rem3A_509 = arith.constant 4 : i32
        %rem3A_510 = arith.remsi %add3A_484, %rem3A_509 : i32
        %dma_start3A_511 = arith.constant 1 : i32
        %dma_start3A_512 = arith.constant 1 : i32
        %dma_start3A_513 = arith.constant 0 : i32
        %dma_start3A_514 = arith.constant 0 : i32
        %dma_start3A_515 = tpu.memref_slice %arg6[%dma_start3A_511, %dma_start3A_513, %dma_start3A_514] : memref<4x128x64xf32, #tpu.memory_space<vmem>> -> memref<1x128x64xf32, #tpu.memory_space<vmem>>
        %dma_start3A_516 = tpu.memref_squeeze %dma_start3A_515 : memref<1x128x64xf32, #tpu.memory_space<vmem>> -> memref<128x64xf32, #tpu.memory_space<vmem>>
        %dma_start3A_517 = arith.constant 0 : i32
        %dma_start3A_518 = tpu.memref_slice %arg5[%select_n3A_508, %rem3A_510, %dma_start3A_517] : memref<50x4x128xi32, #tpu.memory_space<vmem>> -> memref<1x1x128xi32, #tpu.memory_space<vmem>>
        %dma_start3A_519 = tpu.memref_squeeze %dma_start3A_518 : memref<1x1x128xi32, #tpu.memory_space<vmem>> -> memref<128xi32, #tpu.memory_space<vmem>>
        %dma_start3A_520 = arith.constant 0 : i32
        %dma_start3A_521 = arith.constant 0 : i32
        %dma_start3A_522 = tpu.memref_slice %arg3[%dma_start3A_520, %dma_start3A_521] : memref<1000000x64xf32, #tpu.memory_space<hbm>> -> memref<1000000x64xf32, #tpu.memory_space<hbm>>
        %dma_start3A_523 = tpu.memref_slice %arg8[%dma_start3A_512] : memref<4x!tpu.dma_semaphore, #tpu.memory_space<semaphore_mem>> -> memref<1x!tpu.dma_semaphore, #tpu.memory_space<semaphore_mem>>
        %dma_start3A_524 = tpu.memref_squeeze %dma_start3A_523 : memref<1x!tpu.dma_semaphore, #tpu.memory_space<semaphore_mem>> -> memref<!tpu.dma_semaphore, #tpu.memory_space<semaphore_mem>>
        tpu.enqueue_indirect_dma source(%dma_start3A_522 : memref<1000000x64xf32, #tpu.memory_space<hbm>>) target(%dma_start3A_516 : memref<128x64xf32, #tpu.memory_space<vmem>>) offsets(%dma_start3A_519 : memref<128xi32, #tpu.memory_space<vmem>>) semaphore(%dma_start3A_524 : memref<!tpu.dma_semaphore, #tpu.memory_space<semaphore_mem>>)
      } else {
      }
      %jit3A_432 = arith.constant 4 : i32
      %div3A_433 = arith.divsi %add3A_398, %jit3A_432 : i32
      %sign3A_434 = arith.constant 0 : i32
      %sign3A_435 = arith.cmpi sgt, %add3A_398, %sign3A_434 : i32
      %sign3A_436 = arith.extui %sign3A_435 : i1 to i32
      %sign3A_437 = arith.constant 0 : i32
      %sign3A_438 = arith.cmpi slt, %add3A_398, %sign3A_437 : i32
      %sign3A_439 = arith.extui %sign3A_438 : i1 to i32
      %sign3A_440 = arith.subi %sign3A_436, %sign3A_439 : i32
      %sign3A_441 = arith.constant 0 : i32
      %sign3A_442 = arith.cmpi sgt, %jit3A_432, %sign3A_441 : i32
      %sign3A_443 = arith.extui %sign3A_442 : i1 to i32
      %sign3A_444 = arith.constant 0 : i32
      %sign3A_445 = arith.cmpi slt, %jit3A_432, %sign3A_444 : i32
      %sign3A_446 = arith.extui %sign3A_445 : i1 to i32
      %sign3A_447 = arith.subi %sign3A_443, %sign3A_446 : i32
      %ne3A_448 = arith.cmpi ne, %sign3A_440, %sign3A_447 : i32
      %rem3A_449 = arith.remsi %add3A_398, %jit3A_432 : i32
      %ne3A_450 = arith.constant 0 : i32
      %ne3A_451 = arith.cmpi ne, %rem3A_449, %ne3A_450 : i32
      %and3A_452 = arith.andi %ne3A_448, %ne3A_451 : i1
      %sub3A_453 = arith.constant 1 : i32
      %sub3A_454 = arith.subi %div3A_433, %sub3A_453 : i32
      %select_n3A_455 = arith.select %and3A_452, %sub3A_454, %div3A_433 : i32
      %rem3A_456 = arith.constant 4 : i32
      %rem3A_457 = arith.remsi %add3A_398, %rem3A_456 : i32
      %add3A_458 = arith.addi %mul3A_2, %rem3A_457 : i32
      %dma_start3A_459 = arith.constant 3 : i32
      %dma_start3A_460 = arith.constant 3 : i32
      %dma_start3A_461 = arith.constant 0 : i32
      %dma_start3A_462 = arith.constant 0 : i32
      %dma_start3A_463 = arith.constant 0 : i32
      %dma_start3A_464 = tpu.memref_slice %arg7[%dma_start3A_459, %dma_start3A_461, %dma_start3A_462, %dma_start3A_463] : memref<4x8x8x129xf32, #tpu.memory_space<vmem>> -> memref<1x8x8x128xf32, #tpu.memory_space<vmem>>
      %dma_start3A_465 = tpu.memref_squeeze %dma_start3A_464 : memref<1x8x8x128xf32, #tpu.memory_space<vmem>> -> memref<8x8x128xf32, #tpu.memory_space<vmem>>
      %dma_start3A_466 = arith.constant 0 : i32
      %dma_start3A_467 = arith.constant 0 : i32
      %dma_start3A_468 = arith.constant 0 : i32
      %dma_start3A_469 = tpu.memref_slice %arg4[%select_n3A_455, %dma_start3A_466, %add3A_458, %dma_start3A_467, %dma_start3A_468] : memref<50x8x128x8x128xf32, #tpu.memory_space<hbm>> -> memref<1x8x1x8x128xf32, #tpu.memory_space<hbm>>
      %dma_start3A_470 = tpu.memref_squeeze %dma_start3A_469 : memref<1x8x1x8x128xf32, #tpu.memory_space<hbm>> -> memref<8x8x128xf32, #tpu.memory_space<hbm>>
      %dma_start3A_471 = tpu.memref_slice %arg9[%dma_start3A_460] : memref<4x!tpu.dma_semaphore, #tpu.memory_space<semaphore_mem>> -> memref<1x!tpu.dma_semaphore, #tpu.memory_space<semaphore_mem>>
      %dma_start3A_472 = tpu.memref_squeeze %dma_start3A_471 : memref<1x!tpu.dma_semaphore, #tpu.memory_space<semaphore_mem>> -> memref<!tpu.dma_semaphore, #tpu.memory_space<semaphore_mem>>
      %dma_start3A_473 = arith.constant 0 : i32
      %dma_start3A_474 = arith.constant 0 : i32
      %dma_start3A_475 = arith.constant 0 : i32
      %dma_start3A_476 = tpu.memref_slice %arg4[%select_n3A_455, %dma_start3A_473, %add3A_458, %dma_start3A_474, %dma_start3A_475] : memref<50x8x128x8x128xf32, #tpu.memory_space<hbm>> -> memref<1x8x1x8x128xf32, #tpu.memory_space<hbm>>
      %dma_start3A_477 = tpu.memref_squeeze %dma_start3A_476 : memref<1x8x1x8x128xf32, #tpu.memory_space<hbm>> -> memref<8x8x128xf32, #tpu.memory_space<hbm>>
      %dma_start3A_478 = arith.constant 0 : i32
      %dma_start3A_479 = arith.constant 0 : i32
      %dma_start3A_480 = arith.constant 0 : i32
      %dma_start3A_481 = tpu.memref_slice %arg7[%dma_start3A_459, %dma_start3A_478, %dma_start3A_479, %dma_start3A_480] : memref<4x8x8x129xf32, #tpu.memory_space<vmem>> -> memref<1x8x8x128xf32, #tpu.memory_space<vmem>>
      %dma_start3A_482 = tpu.memref_squeeze %dma_start3A_481 : memref<1x8x8x128xf32, #tpu.memory_space<vmem>> -> memref<8x8x128xf32, #tpu.memory_space<vmem>>
      tpu.enqueue_dma source(%dma_start3A_482 : memref<8x8x128xf32, #tpu.memory_space<vmem>>) target(%dma_start3A_477 : memref<8x8x128xf32, #tpu.memory_space<hbm>>) target_semaphore(%dma_start3A_472 : memref<!tpu.dma_semaphore, #tpu.memory_space<semaphore_mem>>)
    }
    %scan3A_93 = arith.constant 50 : i32
    %dma_wait3A = arith.constant 2 : i32
    %dma_wait3A_94 = arith.constant 0 : i32
    %dma_wait3A_95 = arith.constant 0 : i32
    %dma_wait3A_96 = arith.constant 2 : i32
    %dma_wait3A_97 = arith.constant 0 : i32
    %dma_wait3A_98 = arith.constant 0 : i32
    %dma_wait3A_99 = arith.constant 0 : i32
    %dma_wait3A_100 = tpu.memref_slice %arg7[%dma_wait3A, %dma_wait3A_97, %dma_wait3A_98, %dma_wait3A_99] : memref<4x8x8x129xf32, #tpu.memory_space<vmem>> -> memref<1x8x8x128xf32, #tpu.memory_space<vmem>>
    %dma_wait3A_101 = tpu.memref_squeeze %dma_wait3A_100 : memref<1x8x8x128xf32, #tpu.memory_space<vmem>> -> memref<8x8x128xf32, #tpu.memory_space<vmem>>
    %dma_wait3A_102 = arith.constant 0 : i32
    %dma_wait3A_103 = arith.constant 0 : i32
    %dma_wait3A_104 = arith.constant 0 : i32
    %dma_wait3A_105 = tpu.memref_slice %arg4[%dma_wait3A_94, %dma_wait3A_102, %dma_wait3A_95, %dma_wait3A_103, %dma_wait3A_104] : memref<50x8x128x8x128xf32, #tpu.memory_space<hbm>> -> memref<1x8x1x8x128xf32, #tpu.memory_space<hbm>>
    %dma_wait3A_106 = tpu.memref_squeeze %dma_wait3A_105 : memref<1x8x1x8x128xf32, #tpu.memory_space<hbm>> -> memref<8x8x128xf32, #tpu.memory_space<hbm>>
    %dma_wait3A_107 = tpu.memref_slice %arg9[%dma_wait3A_96] : memref<4x!tpu.dma_semaphore, #tpu.memory_space<semaphore_mem>> -> memref<1x!tpu.dma_semaphore, #tpu.memory_space<semaphore_mem>>
    %dma_wait3A_108 = tpu.memref_squeeze %dma_wait3A_107 : memref<1x!tpu.dma_semaphore, #tpu.memory_space<semaphore_mem>> -> memref<!tpu.dma_semaphore, #tpu.memory_space<semaphore_mem>>
    %dma_wait3A_109 = arith.constant 0 : i32
    %dma_wait3A_110 = arith.constant 0 : i32
    %dma_wait3A_111 = arith.constant 0 : i32
    %dma_wait3A_112 = tpu.memref_slice %arg4[%dma_wait3A_94, %dma_wait3A_109, %dma_wait3A_95, %dma_wait3A_110, %dma_wait3A_111] : memref<50x8x128x8x128xf32, #tpu.memory_space<hbm>> -> memref<1x8x1x8x128xf32, #tpu.memory_space<hbm>>
    %dma_wait3A_113 = tpu.memref_squeeze %dma_wait3A_112 : memref<1x8x1x8x128xf32, #tpu.memory_space<hbm>> -> memref<8x8x128xf32, #tpu.memory_space<hbm>>
    %dma_wait3A_114 = arith.constant 0 : i32
    %dma_wait3A_115 = arith.constant 0 : i32
    %dma_wait3A_116 = arith.constant 0 : i32
    %dma_wait3A_117 = tpu.memref_slice %arg7[%dma_wait3A, %dma_wait3A_114, %dma_wait3A_115, %dma_wait3A_116] : memref<4x8x8x129xf32, #tpu.memory_space<vmem>> -> memref<1x8x8x128xf32, #tpu.memory_space<vmem>>
    %dma_wait3A_118 = tpu.memref_squeeze %dma_wait3A_117 : memref<1x8x8x128xf32, #tpu.memory_space<vmem>> -> memref<8x8x128xf32, #tpu.memory_space<vmem>>
    tpu.wait_dma2 semaphore(%dma_wait3A_108 : memref<!tpu.dma_semaphore, #tpu.memory_space<semaphore_mem>>) src(%dma_wait3A_118 : memref<8x8x128xf32, #tpu.memory_space<vmem>>) dst(%dma_wait3A_113 : memref<8x8x128xf32, #tpu.memory_space<hbm>>)
    %dma_wait3A_119 = arith.constant 3 : i32
    %dma_wait3A_120 = arith.constant 0 : i32
    %dma_wait3A_121 = arith.constant 0 : i32
    %dma_wait3A_122 = arith.constant 3 : i32
    %dma_wait3A_123 = arith.constant 0 : i32
    %dma_wait3A_124 = arith.constant 0 : i32
    %dma_wait3A_125 = arith.constant 0 : i32
    %dma_wait3A_126 = tpu.memref_slice %arg7[%dma_wait3A_119, %dma_wait3A_123, %dma_wait3A_124, %dma_wait3A_125] : memref<4x8x8x129xf32, #tpu.memory_space<vmem>> -> memref<1x8x8x128xf32, #tpu.memory_space<vmem>>
    %dma_wait3A_127 = tpu.memref_squeeze %dma_wait3A_126 : memref<1x8x8x128xf32, #tpu.memory_space<vmem>> -> memref<8x8x128xf32, #tpu.memory_space<vmem>>
    %dma_wait3A_128 = arith.constant 0 : i32
    %dma_wait3A_129 = arith.constant 0 : i32
    %dma_wait3A_130 = arith.constant 0 : i32
    %dma_wait3A_131 = tpu.memref_slice %arg4[%dma_wait3A_120, %dma_wait3A_128, %dma_wait3A_121, %dma_wait3A_129, %dma_wait3A_130] : memref<50x8x128x8x128xf32, #tpu.memory_space<hbm>> -> memref<1x8x1x8x128xf32, #tpu.memory_space<hbm>>
    %dma_wait3A_132 = tpu.memref_squeeze %dma_wait3A_131 : memref<1x8x1x8x128xf32, #tpu.memory_space<hbm>> -> memref<8x8x128xf32, #tpu.memory_space<hbm>>
    %dma_wait3A_133 = tpu.memref_slice %arg9[%dma_wait3A_122] : memref<4x!tpu.dma_semaphore, #tpu.memory_space<semaphore_mem>> -> memref<1x!tpu.dma_semaphore, #tpu.memory_space<semaphore_mem>>
    %dma_wait3A_134 = tpu.memref_squeeze %dma_wait3A_133 : memref<1x!tpu.dma_semaphore, #tpu.memory_space<semaphore_mem>> -> memref<!tpu.dma_semaphore, #tpu.memory_space<semaphore_mem>>
    %dma_wait3A_135 = arith.constant 0 : i32
    %dma_wait3A_136 = arith.constant 0 : i32
    %dma_wait3A_137 = arith.constant 0 : i32
    %dma_wait3A_138 = tpu.memref_slice %arg4[%dma_wait3A_120, %dma_wait3A_135, %dma_wait3A_121, %dma_wait3A_136, %dma_wait3A_137] : memref<50x8x128x8x128xf32, #tpu.memory_space<hbm>> -> memref<1x8x1x8x128xf32, #tpu.memory_space<hbm>>
    %dma_wait3A_139 = tpu.memref_squeeze %dma_wait3A_138 : memref<1x8x1x8x128xf32, #tpu.memory_space<hbm>> -> memref<8x8x128xf32, #tpu.memory_space<hbm>>
    %dma_wait3A_140 = arith.constant 0 : i32
    %dma_wait3A_141 = arith.constant 0 : i32
    %dma_wait3A_142 = arith.constant 0 : i32
    %dma_wait3A_143 = tpu.memref_slice %arg7[%dma_wait3A_119, %dma_wait3A_140, %dma_wait3A_141, %dma_wait3A_142] : memref<4x8x8x129xf32, #tpu.memory_space<vmem>> -> memref<1x8x8x128xf32, #tpu.memory_space<vmem>>
    %dma_wait3A_144 = tpu.memref_squeeze %dma_wait3A_143 : memref<1x8x8x128xf32, #tpu.memory_space<vmem>> -> memref<8x8x128xf32, #tpu.memory_space<vmem>>
    tpu.wait_dma2 semaphore(%dma_wait3A_134 : memref<!tpu.dma_semaphore, #tpu.memory_space<semaphore_mem>>) src(%dma_wait3A_144 : memref<8x8x128xf32, #tpu.memory_space<vmem>>) dst(%dma_wait3A_139 : memref<8x8x128xf32, #tpu.memory_space<hbm>>)
    return
  }
}

</mosaic_0001>

<sc_bundles>
// kernel: kernel.3.cloned.1.call-start
scs
__scs_entry_jumppad:
0x0: {  	(pc) =	sbr.rel $0x88, $3  }
0x1: {  	(tag) =	ssettag $0x0;
	lr =	simm.s32 $0x1  }
0x2: {  	[smem:$0x3F9F] =	sst lr;
	_ =	strace $0xD0000000  }
0x3: {  	_ = 	snop  }
0x4: {  	_ = 	snop  }
0x5: {  	_ = 	snop  }
0x6: {  	_ = 	snop  }
0x7: {  	_ = 	snop  }
__scs_overlays_trampoline_lowered:
0x8: {  	[smem:$0x3FAE] =	sst s0  }
0x9: {  	[smem:$0x3FAF] =	sst s1  }
0xa: {  	[smem:$0x3FB0] =	sst s2  }
0xb: {  	[smem:$0x3FB1] =	sst s3  }
0xc: {  	[smem:$0x3FB2] =	sst s4  }
0xd: {  	[smem:$0x3FB3] =	sst s5  }
0xe: {  	[smem:$0x3FB4] =	sst s6  }
0xf: {  	[smem:$0x3FB5] =	sst s7  }
0x10: {  	[smem:$0x3FB6] =	sst s8  }
0x11: {  	[smem:$0x3FB7] =	sst s9;
	s0 =	simm.s32 @!p0 $0x0  }
0x12: {  	s1 =	sld [smem:$0x3F9D];
	s0 =	simm.s32 @p0 $0x1  }
0x13: {  	[smem:$0x3FB8] =	sst s0;
	s0 =	simm.s32 @!p1 $0x0  }
0x14: {  	s2 =	sld [smem:$0x3F9C];
	s0 =	simm.s32 @p1 $0x1  }
0x15: {  	[smem:$0x3FB9] =	sst s0;
	s0 =	simm.s32 @!p2 $0x0  }
0x16: {  	s3 =	sld [smem:$0x3FDB];
	s0 =	simm.s32 @p2 $0x1  }
0x17: {  	s4 =	simm.s32 $0x1BF5;
	[smem:$0x3FBB] =	sst s0  }
0x18: {  	s0 =	sld [smem:$0x3F9E];
	_ =	swait.ge [sflag:s4], $0x0  }
0x19: {  	s7 =	sld [smem:$0x3F9F]  }
0x1a: {  	s8 =	sadd.s32 $0xFFFFE003, lr  }
0x1b: {  	s9 =	sadd.s32 $0xFFFFFEF7, lr;
	s5 =	simm.s32 $0xFFFFFFFF;
	p2 =	slt.u32 s8, $0xFFFFF086  }
0x1c: {  	p1 =	slt.u32 s9, $0xF7A;
	s5 =	simm.s32 @!p2 $0x0  }
0x1d: {  	s5 =	simm.s32 @p1 $0x1;
	p0 =	seq.s32 s7, s2  }
0x1e: {  	s7 =	smul.u32 @!p0 $0xF7A, s2;
	p2 =	seq.s32 @!p0 s5, $0x0  }
0x1f: {  	s9 =	smul.u32 $0xF7A, s1;
	s8 =	simm.s32 @!p0 $0x1BF5;
	p2 =	por !p2, p0  }
0x20: {  	[sflag:s8] =	ssyncset.s32 @!p0 $0xFFFFF086;
	s6 =	sadd.s32 @!p0 s3, s7;
	s7 =	simm.s32 @!p0 $0x108  }
0x21: {  	s3 =	sadd.s32 s3, s9;
	s6 =	sadd.s32 @!p0 $0x88, s6;
	s7 =	simm.s32 @p2 $0x1082  }
0x22: {  	[simem:s7], [sflag:s8] =	dma.local @!p0 [hbm:s6], $0xF7A  }
0x23: {  	s9 =	sor.u32 $0xD0000000, s2;
	s6 =	simm.s32 $0x108;
	_ =	swait.ge @!p0 [sflag:s8], $0x0  }
0x24: {  	s3 =	sadd.s32 $0x88, s3;
	s6 =	simm.s32 @!p1 $0x1082;
	[sflag:s4] =	ssyncset.s32 $0xFFFFF086  }
0x25: {  	[simem:s6], [sflag:s4] =	dma.local [hbm:s3], $0xF7A  }
0x26: {  	[smem:$0x3F9F] =	sst s1;
	(tag) =	ssettag s2;
	_ =	strace s9  }
0x27: {  	s1 =	sld [smem:$0x3FAF]  }
0x28: {  	s2 =	sld [smem:$0x3FB0]  }
0x29: {  	s4 =	sld [smem:$0x3FB2]  }
0x2a: {  	p0 =	seq.s32 s5, $0x0;
	s5 =	sld [smem:$0x3FB3]  }
0x2b: {  	s6 =	sld [smem:$0x3FB4]  }
0x2c: {  	s7 =	sld [smem:$0x3FB5]  }
0x2d: {  	s3 =	simm.s32 $0x108;
	s8 =	sld [smem:$0x3FB6]  }
0x2e: {  	s3 =	simm.s32 @!p0 $0x1082;
	s9 =	sld [smem:$0x3FB7]  }
0x2f: {  	lr =	sadd.s32 s0, s3;
	s0 =	sld [smem:$0x3FAE]  }
0x30: {  	s3 =	sld [smem:$0x3FB1]  }
0x31: {  	[smem:$0x3FBA] =	sst s10  }
0x32: {  	s10 =	sld [smem:$0x3FB8];
	_ =	sdelay $0x3  }
0x33: {  	p0 =	seq.s32 s10, $0x1;
	s10 =	sld [smem:$0x3FBA];
	_ =	sdelay $0x3  }
0x34: {  	[smem:$0x3FBA] =	sst s10  }
0x35: {  	s10 =	sld [smem:$0x3FB9];
	_ =	sdelay $0x3  }
0x36: {  	p1 =	seq.s32 s10, $0x1;
	s10 =	sld [smem:$0x3FBA];
	_ =	sdelay $0x3  }
0x37: {  	[smem:$0x3FBA] =	sst s10  }
0x38: {  	s10 =	sld [smem:$0x3FBB]  }
0x39: {  	_ = 	snop;
	(pc) =	sbr.ind lr, $3  }
0x3a: {  	_ = 	snop  }
0x3b: {  	_ = 	snop  }
0x3c: {  	p2 =	seq.s32 s10, $0x1;
	s10 =	sld [smem:$0x3FBA]  }
0x3d: {  	_ =	shalt  }
0x3e: {  	_ =	shalt  }
0x3f: {  	_ =	shalt  }
0x40: {  	_ =	shalt  }
0x41: {  	_ =	shalt  }
0x42: {  	_ =	shalt  }
0x43: {  	_ =	shalt  }
0x44: {  	_ =	shalt  }
0x45: {  	_ =	shalt  }
0x46: {  	_ =	shalt  }
0x47: {  	_ =	shalt  }
0x48: {  	_ =	shalt  }
0x49: {  	_ =	shalt  }
0x4a: {  	_ =	shalt  }
0x4b: {  	_ =	shalt  }
0x4c: {  	_ =	shalt  }
0x4d: {  	_ =	shalt  }
0x4e: {  	_ =	shalt  }
0x4f: {  	_ =	shalt  }
0x50: {  	_ =	shalt  }
0x51: {  	_ =	shalt  }
0x52: {  	_ =	shalt  }
0x53: {  	_ =	shalt  }
0x54: {  	_ =	shalt  }
0x55: {  	_ =	shalt  }
0x56: {  	_ =	shalt  }
0x57: {  	_ =	shalt  }
0x58: {  	_ =	shalt  }
0x59: {  	_ =	shalt  }
0x5a: {  	_ =	shalt  }
0x5b: {  	_ =	shalt  }
0x5c: {  	_ =	shalt  }
0x5d: {  	_ =	shalt  }
0x5e: {  	_ =	shalt  }
0x5f: {  	_ =	shalt  }
0x60: {  	_ =	shalt  }
0x61: {  	_ =	shalt  }
0x62: {  	_ =	shalt  }
0x63: {  	_ =	shalt  }
0x64: {  	_ =	shalt  }
0x65: {  	_ =	shalt  }
0x66: {  	_ =	shalt  }
0x67: {  	_ =	shalt  }
0x68: {  	_ =	shalt  }
0x69: {  	_ =	shalt  }
0x6a: {  	_ =	shalt  }
0x6b: {  	_ =	shalt  }
0x6c: {  	_ =	shalt  }
0x6d: {  	_ =	shalt  }
0x6e: {  	_ =	shalt  }
0x6f: {  	_ =	shalt  }
0x70: {  	_ =	shalt  }
0x71: {  	_ =	shalt  }
0x72: {  	_ =	shalt  }
0x73: {  	_ =	shalt  }
0x74: {  	_ =	shalt  }
0x75: {  	_ =	shalt  }
0x76: {  	_ =	shalt  }
0x77: {  	_ =	shalt  }
0x78: {  	_ =	shalt  }
0x79: {  	_ =	shalt  }
0x7a: {  	_ =	shalt  }
0x7b: {  	_ =	shalt  }
0x7c: {  	_ =	shalt  }
0x7d: {  	_ =	shalt  }
0x7e: {  	_ =	shalt  }
0x7f: {  	_ =	shalt  }
0x80: {  	_ =	shalt  }
0x81: {  	_ =	shalt  }
0x82: {  	_ =	shalt  }
0x83: {  	_ =	shalt  }
0x84: {  	_ =	shalt  }
0x85: {  	_ =	shalt  }
0x86: {  	_ =	shalt  }
0x87: {  	_ =	shalt  }
.Lfunc_end0:
.L_simem_size_0:
called_computation_lowered:
.L_overlay_start_0:
0x88: {  	s2 =	sld [smem:$0x3FD9]  }
0x89: {  	s3 =	sld [smem:$0x3FFE];
	_ =	sdelay $0x1  }
0x8a: {  	s1 =	srdreg.scid  }
0x8b: {  	s0 =	sand.u32 $0x1, s1  }
0x8c: {  	s17 =	sshll.u32 s0, $0xA;
	s2 =	sadd.s32 s3, s2  }
0x8d: {  	s2 =	sadd.s32 s2, s17  }
0x8e: {  	[smem:$0x3FC6] =	sst s2  }
0x8f: {  	_ = 	snop  }
0x90: {  	s2 =	sld [smem:$0x3FD0];
	(tm) =	ssettm $0x1  }
0x91: {  	s18 =	sld [smem:$0x3FFB];
	_ =	sdelay $0x3  }
0x92: {  	_ =	strace s18  }
0x93: {  	s3 =	sld [smem:$0x3FFC];
	_ =	sdelay $0x3  }
0x94: {  	_ =	strace s3  }
0x95: {  	s3 =	sld [smem:$0x3FFD];
	_ =	sdelay $0x3  }
0x96: {  	_ =	strace s3  }
0x97: {  	_ =	strace $0x8FFFFFFF  }
0x98: {  	s19 =	sld [smem:$0x3FDB];
	_ =	sdelay $0x1  }
0x99: {  	s4 =	simm.s32 $_scs_section_size  }
0x9a: {  	s5 =	simm.s32 $_size__tile_overlayer_lowered;
	s6 =	simm.s32 $_tile_overlayer_lowered  }
0x9b: {  	s22 =	simm.s32 $0x1BFF;
	s21 =	sshll.u32 s6, $0x1;
	s3 =	sadd.s32 s4, s19  }
0x9c: {  	s7 =	simm.s32 $0x0;
	s20 =	sshll.u32 s5, $0x1;
	s5 =	sadd.s32 s21, s3  }
0x9d: {  	[timem:s7], [sflag:s22] =	dma.local [hbm:s5], s20  }
0x9e: {  	_ =	swait.ge [sflag:s22], s20  }
0x9f: {  	s4 =	ssub.s32 $0x0, s20;
	[sflag:s22] =	ssyncset.done $0x0  }
0xa0: {  	[sflag:s22] =	ssyncadd.s32 s4;
	_ =	sdelay $0x1  }
0xa1: {  	s23 =	simm.s32 $0x1B8B  }
0xa2: {  	_ =	swait.ge [sflag:s23], $0x1  }
0xa3: {  	[sflag:s23] =	ssyncset.done $0x0  }
0xa4: {  	s25 =	simm.s32 $0x1B8E;
	s24 =	sld [smem:$0x3FFE];
	[sflag:s23] =	ssyncadd.s32 $0xFFFFFFFF  }
0xa5: {  	s26 =	simm.s32 $execute0_lowered;
	[smem:$0x3FD2] =	sst s25  }
0xa6: {  	s5 =	sshll.u32 s26, $0x1;
	_ =	strace $0x80000046;
	[dreg:$0x1] =	wrdreg $0xFFFFFFFF  }
0xa7: {  	s28 =	simm.s32 $_size_execute0_lowered;
	s3 =	sadd.s32 s3, s5;
	[dreg:$0x0] =	wrdreg $0x0  }
0xa8: {  	s5 =	sshll.u32 s28, $0x1;
	[dreg:$0x2] =	wrdreg s3  }
0xa9: {  	[dreg:$0x3] =	wrdreg s5  }
0xaa: {  	[dreg:$0x4] =	wrdreg $0xC0  }
0xab: {  	_ =	task [dreg:s7], $0x5FFFF  }
0xac: {  	[dreg:$0x1] =	wrdreg $0xFFFFFFFF  }
0xad: {  	[dreg:$0x0] =	wrdreg $0x60  }
0xae: {  	[dreg:$0x2] =	wrdreg s24  }
0xaf: {  	[dreg:$0x3] =	wrdreg s2  }
0xb0: {  	[dreg:$0x4] =	wrdreg $0x9  }
0xb1: {  	_ =	task.clear_ibuf [dreg:s7], $0x5FFFF;
	_ =	strace $0x90000046  }
0xb2: {  	s29 =	simm.s32 $0x9;
	_ =	strace $0x80000048  }
0xb3: {  	_ =	swait.ge [sflag:s29], $0x1  }
0xb4: {  	[sflag:s29] =	ssyncadd.s32 $0xFFFFFFFF  }
0xb5: {  	_ =	strace $0x90000048  }
0xb6: {  	_ =	sfence  }
0xb7: {  	s30 =	sld [smem:$0x0];
	_ =	sdelay $0x2  }
0xb8: {  	s31 =	sshll.u32 s1, $0xD;
	s1 =	sshrl.u32 s1, $0x2  }
0xb9: {  	s3 =	sand.u32 $0x4000, s31;
	s1 =	sadd.s32 s1, s30  }
0xba: {  	s0 =	sor.u32 s3, s0;
	s1 =	sshll.u32 s1, $0x11  }
0xbb: {  	s0 =	sor.u32 s1, s0  }
0xbc: {  	s0 =	sadd.s32 $0x8F2B, s0  }
0xbd: {  	[sflag:s0] =	ssyncadd.remote.s32 $0x1  }
0xbe: {  	_ =	sfence.sel $0xFFFF  }
0xbf: {  	[dreg:$0x0] =	wrdreg $0xFFFFFFFF;
	(pc) =	sbr.abs _section_cstart, $3  }
0xc0: {  	[dreg:$0x1] =	wrdreg $0xFFFFFFFF  }
0xc1: {  	_ =	task.clear_ibuf [dreg:s7], $0x2FFFF;
	_ =	strace $0x9FFFFFFF  }
0xc2: {  	(tm) =	ssettm $0x7FFFFFFF  }
0xc3: {  	_ =	shalt  }
tec
execute0_lowered:
.L_overlay_start_1:
0x0: {  	(tag) =	ssettag $0x1  }
0x1: {  	v0 =	vlaneseq.u32  }
0x2: {  	v0 =	vmul.u32 $0x88, v0;
	_ =	sdelay $0x1  }
0x3: {  	v2 =	vadd.s32 $0x1105, v0  }
0x4: {  	s2 =	srdreg.scid;
	[tilespmem:$0x1FC10] =	vst v2;
	v2 =	vadd.s32 $0x1985, v0  }
0x5: {  	s0 =	rddreg [dreg:$0x0];
	s3 =	sand.u32 $0x1, s2;
	s2 =	simm.s32 $0x0;
	[tilespmem:$0x1FC20] =	vst v2;
	v2 =	vadd.s32 $0x1106, v0  }
0x6: {  	[smem:$0x7FF] =	sst s2;
	[tilespmem:$0x1FC30] =	vst v2;
	v2 =	vadd.s32 $0x1987, v0  }
0x7: {  	s1 =	rddreg [dreg:$0x1];
	v49 =	vadd.s32 $0x880, v0;
	_ =	strace $0x80000047;
	[tilespmem:$0x1FC40] =	vst v2  }
0x8: {  	v50 =	vadd.s32 $0x1100, v0;
	[tilespmem:$0x1FD50] =	vst v49  }
0x9: {  	v51 =	vadd.s32 $0x1980, v0;
	[tilespmem:$0x1FD60] =	vst v50  }
0xa: {  	v52 =	vor.u32 $0x1, v0;
	[tilespmem:$0x1FD70] =	vst v51  }
0xb: {  	v53 =	vadd.s32 $0x881, v0;
	[tilespmem:$0x1FD80] =	vst v52  }
0xc: {  	v54 =	vadd.s32 $0x1101, v0;
	[tilespmem:$0x1FD90] =	vst v53  }
0xd: {  	v48 =	vadd.s32 $0x1981, v0;
	[tilespmem:$0x1FDA0] =	vst v54  }
0xe: {  	v38 =	vor.u32 $0x2, v0;
	[tilespmem:$0x1FDB0] =	vst v48  }
0xf: {  	v41 =	vadd.s32 $0x882, v0;
	[tilespmem:$0x1FDC0] =	vst v38  }
0x10: {  	v42 =	vadd.s32 $0x1102, v0;
	[tilespmem:$0x1FDD0] =	vst v41  }
0x11: {  	v45 =	vadd.s32 $0x1982, v0;
	[tilespmem:$0x1FDE0] =	vst v42  }
0x12: {  	v46 =	vor.u32 $0x3, v0;
	[tilespmem:$0x1FDF0] =	vst v45  }
0x13: {  	v47 =	vadd.s32 $0x883, v0;
	[tilespmem:$0x1FE00] =	vst v46  }
0x14: {  	v37 =	vadd.s32 $0x1103, v0;
	[tilespmem:$0x1FE10] =	vst v47  }
0x15: {  	v40 =	vadd.s32 $0x1983, v0;
	[tilespmem:$0x1FE20] =	vst v37  }
0x16: {  	v44 =	vor.u32 $0x4, v0;
	[tilespmem:$0x1FE30] =	vst v40  }
0x17: {  	v36 =	vadd.s32 $0x884, v0;
	[tilespmem:$0x1FE40] =	vst v44  }
0x18: {  	v39 =	vadd.s32 $0x1104, v0;
	[tilespmem:$0x1FE50] =	vst v36  }
0x19: {  	v43 =	vadd.s32 $0x1984, v0;
	[tilespmem:$0x1FE60] =	vst v39  }
0x1a: {  	v55 =	vor.u32 $0x5, v0;
	[tilespmem:$0x1FE70] =	vst v43  }
0x1b: {  	v56 =	vadd.s32 $0x885, v0;
	[tilespmem:$0x1FE80] =	vst v55  }
0x1c: {  	v58 =	vor.u32 $0x6, v0;
	[tilespmem:$0x1FE90] =	vst v56  }
0x1d: {  	v59 =	vadd.s32 $0x886, v0;
	[tilespmem:$0x1FEA0] =	vst v58  }
0x1e: {  	v61 =	vor.u32 $0x7, v0;
	[tilespmem:$0x1FEB0] =	vst v59  }
0x1f: {  	v62 =	vadd.s32 $0x887, v0;
	[tilespmem:$0x1FEC0] =	vst v61  }
0x20: {  	v63 =	vadd.s32 $0x1107, v0;
	[tilespmem:$0x1FED0] =	vst v62  }
0x21: {  	v3 =	vadd.s32 $0x2200, v0;
	[tilespmem:$0x1FEE0] =	vst v63  }
0x22: {  	v57 =	vadd.s32 $0x3302, v0;
	[tilespmem:$0x1FEF0] =	vst v3  }
0x23: {  	[tilespmem:$0x1FF00] =	vst v57  }
0x24: {  	v4 =	vadd.s32 $0x2A83, v0;
	[tilespmem:$0x1FF10] =	vst v0  }
0x25: {  	v13 =	vadd.s32 $0x2204, v0;
	[tilespmem:$0x1FF20] =	vst v4  }
0x26: {  	v10 =	vadd.s32 $0x2A84, v0;
	[tilespmem:$0x1FF30] =	vst v13  }
0x27: {  	v5 =	vadd.s32 $0x3304, v0;
	[tilespmem:$0x1FF40] =	vst v10  }
0x28: {  	v14 =	vadd.s32 $0x2205, v0;
	[tilespmem:$0x1FF50] =	vst v5  }
0x29: {  	v11 =	vadd.s32 $0x2A85, v0;
	[tilespmem:$0x1FF60] =	vst v14  }
0x2a: {  	v6 =	vadd.s32 $0x3305, v0;
	[tilespmem:$0x1FF70] =	vst v11  }
0x2b: {  	v7 =	vadd.s32 $0x2206, v0;
	[tilespmem:$0x1FF80] =	vst v6  }
0x2c: {  	v12 =	vadd.s32 $0x2A86, v0;
	[tilespmem:$0x1FF90] =	vst v7  }
0x2d: {  	v8 =	vadd.s32 $0x3306, v0;
	[tilespmem:$0x1FFA0] =	vst v12  }
0x2e: {  	v15 =	vadd.s32 $0x2207, v0;
	[tilespmem:$0x1FFB0] =	vst v8  }
0x2f: {  	v9 =	vadd.s32 $0x3307, v0;
	[tilespmem:$0x1FFC0] =	vst v15  }
0x30: {  	v60 =	vadd.s32 $0x1986, v0;
	[tilespmem:$0x1FFE0] =	vst v9  }
0x31: {  	v2 =	vadd.s32 $0x2A80, v0;
	[tilespmem:$0x1FFF0] =	vst v60  }
0x32: {  	[tilespmem:$0x1FC50] =	vst v2;
	v2 =	vadd.s32 $0x3300, v0  }
0x33: {  	[tilespmem:$0x1FC60] =	vst v2;
	v2 =	vadd.s32 $0x3B80, v0  }
0x34: {  	[tilespmem:$0x1FC70] =	vst v2;
	v2 =	vadd.s32 $0x2201, v0  }
0x35: {  	[tilespmem:$0x1FC80] =	vst v2;
	v2 =	vadd.s32 $0x2A81, v0  }
0x36: {  	[tilespmem:$0x1FC90] =	vst v2;
	v2 =	vadd.s32 $0x3301, v0  }
0x37: {  	[tilespmem:$0x1FCA0] =	vst v2;
	v2 =	vadd.s32 $0x3B81, v0  }
0x38: {  	s4 =	stileid.u32;
	[tilespmem:$0x1FCB0] =	vst v2;
	v2 =	vadd.s32 $0x2202, v0  }
0x39: {  	s12 =	simm.s32 $0x9;
	s13 =	simm.s32 $0x80;
	s16 =	simm.s32 $0x1;
	[tilespmem:$0x1FCC0] =	vst v2;
	v2 =	vadd.s32 $0x2A82, v0  }
0x3a: {  	s17 =	simm.s32 $0xE400;
	s18 =	simm.s32 $0xA400;
	s19 =	simm.s32 $0x2;
	[tilespmem:$0x1FCD0] =	vst v2;
	v2 =	vadd.s32 $0x3B82, v0  }
0x3b: {  	s20 =	simm.s32 $0xC400;
	s21 =	simm.s32 $0x3;
	s22 =	simm.s32 $0x5;
	[tilespmem:$0x1FCE0] =	vst v2;
	v2 =	vadd.s32 $0x2203, v0  }
0x3c: {  	s23 =	simm.s32 $0x4;
	s24 =	simm.s32 $0x6;
	s25 =	simm.s32 $0x7;
	[tilespmem:$0x1FCF0] =	vst v2;
	v2 =	vadd.s32 $0x3303, v0  }
0x3d: {  	s26 =	simm.s32 $0x8;
	s4 =	sshll.u32 s4, $0x3;
	s5 =	sshll.u32 s3, $0x2;
	[tilespmem:$0x1FD00] =	vst v2;
	v2 =	vadd.s32 $0x3B83, v0  }
0x3e: {  	s28 =	simm.s32 $0x0;
	s6 =	ssub.s32 $0x2, s3;
	s4 =	sor.u32 s5, s4;
	[tilespmem:$0x1FD10] =	vst v2;
	v2 =	vadd.s32 $0x3B84, v0  }
0x3f: {  	s3 =	sadd.s32 $0xF42A00, s0;
	s5 =	sshll.u32 s4, $0x4;
	s4 =	sshll.u32 s4, $0x7;
	[tilespmem:$0x1FD20] =	vst v2;
	v2 =	vadd.s32 $0x3B85, v0  }
0x40: {  	s31 =	sshrl.u32 s6, $0x1;
	s5 =	sadd.s32 s5, s0;
	s4 =	sadd.s32 s1, s4;
	[tilespmem:$0x1FD30] =	vst v2;
	v2 =	vadd.s32 $0x3B86, v0  }
0x41: {  	v1 =	vimm.s32 $0x0;
	vm0 =	vcmask $0x300;
	s0 =	ssub.s32 s6, s31;
	s5 =	sadd.s32 $0x600, s5;
	s6 =	sadd.s32 $0x80, s4;
	[tilespmem:$0x1FD40] =	vst v2;
	v2 =	vadd.s32 $0x2A87, v0  }
0x42: {  	v1 =	vsel vm0, $0x3, v1;
	s7 =	sadd.s32 $0x100, s4;
	s8 =	sadd.s32 $0x180, s4;
	s9 =	smax.u32 s0, $0x1;
	[tilespmem:$0x1FFD0] =	vst v2  }
.LBB2_1:
0x43: {  	s0 =	simm.s32 $0x200;
	s1 =	simm.s32 $0x4000  }
0x44: {  	[tilespmem:s2], [sflag:$0x9] =	stream.strided.gather [hbm4b:s5+s0], $0x6400, s1, s0, $0x38;
	[tilespmem:$0x16C00] =	vst v63  }
0x45: {  	_ =	swait.ge [sflag:s12], $0x6400  }
0x46: {  	[sflag:s12] =	ssyncset.done $0x0  }
0x47: {  	s30 =	simm.s32 $0x6400;
	[sflag:s12] =	ssyncadd.s32 $0xFFFF9C00  }
0x48: {  	[tilespmem:s30], [sflag:$0x1] =	stream.indirect.gather [hbm4b:s3+s13], $0x40, s2, s13, $0xb8;
	[tilespmem:$0x16C00] =	vst v63  }
0x49: {  	s31 =	simm.s32 $0x8400;
	s29 =	simm.s32 $0x0  }
0x4a: {  	[tilespmem:s31], [sflag:$0x2] =	stream.indirect.gather [hbm4b:s3+s13], $0x40, s13, s13, $0xb8;
	[tilespmem:$0x16C00] =	vst v63  }
.LBB2_2:
0x4b: {  	s0 =	simm.s32 $0x0;
	s31 =	simm.s32 $0x1  }
0x4c: {  	s1 =	simm.s32 $0x2;
	s10 =	simm.s32 $0x3;
	s11 =	simm.s32 $0x4;
	v2 =	vmov s0;
	v3 =	vmov s31  }
0x4d: {  	s14 =	simm.s32 $0x5;
	s15 =	simm.s32 $0x6;
	s30 =	simm.s32 $0x7;
	v4 =	vmov s1;
	v5 =	vmov s10;
	v6 =	vmov s11  }
0x4e: {  	v7 =	vmov s14;
	v8 =	vmov s15;
	v9 =	vmov s30  }
0x4f: {  	_ =	swait.ge [sflag:s16], $0x2000;
	v2 =	vshrl.u32 v2, $0x3;
	v3 =	vshrl.u32 v3, $0x3;
	v4 =	vshrl.u32 v4, $0x3  }
0x50: {  	[sflag:s16] =	ssyncset.done $0x0;
	v5 =	vshrl.u32 v5, $0x3;
	v9 =	vshrl.u32 v9, $0x3;
	v6 =	vshrl.u32 v6, $0x3  }
0x51: {  	s0 =	simm.s32 $0x6500;
	[sflag:s16] =	ssyncadd.s32 $0xFFFFE000;
	v7 =	vshrl.u32 v7, $0x3;
	v2 =	vshll.u32 v2, v1;
	v9 =	vshll.u32 v9, v1  }
0x52: {  	v11 =	vshrl.u32 v8, $0x3;
	v8 =	vbroadcast v2, $0x0;
	v2 =	vld [tilespmem:s0+$0xC0];
	v10 =	vbroadcast v9, $0x0  }
0x53: {  	v3 =	vshll.u32 v3, v1;
	v4 =	vshll.u32 v4, v1;
	v5 =	vshll.u32 v5, v1;
	v12 =	vld [tilespmem:s0+$0xFFFFFF00]  }
0x54: {  	v13 =	vshll.u32 v6, v1;
	v14 =	vld [tilespmem:s0+$0xFFFFFF40];
	v9 =	vbroadcast v3, $0x0;
	v15 =	vadd.s32 v61, v10  }
0x55: {  	v16 =	vld [tilespmem:s0+$0xFFFFFF80];
	v3 =	vshll.u32 v7, v1;
	v6 =	vbroadcast v4, $0x0;
	v7 =	vadd.s32 v0, v8  }
0x56: {  	v11 =	vshll.u32 v11, v1;
	v18 =	vld [tilespmem:s0+$0xFFFFFFC0];
	v5 =	vbroadcast v5, $0x0;
	v17 =	vadd.s32 v52, v9  }
0x57: {  	v20 =	vld [tilespmem:s0+$0x0];
	v4 =	vbroadcast v13, $0x0;
	v19 =	vadd.s32 v38, v6;
	v13 =	vmul.f32 $8.000000000e+00, v2  }
0x58: {  	v22 =	vld [tilespmem:s0+$0x40];
	v21 =	vadd.s32 v46, v5;
	v12 =	vmul.f32 $8.000000000e+00, v12;
	v2 =	vbroadcast v3, $0x0  }
0x59: {  	v24 =	vld [tilespmem:s0+$0x80];
	v23 =	vadd.s32 v44, v4;
	v14 =	vmul.f32 $8.000000000e+00, v14;
	v3 =	vbroadcast v11, $0x0;
	[tilespmem:v15+s17+$0x0] =	vst.idx.msk $0xffff, v13  }
0x5a: {  	[tilespmem:v7+s17+$0x0] =	vst.idx.msk $0xffff, v12;
	v7 =	vmul.f32 $8.000000000e+00, v16;
	v12 =	vadd.s32 v55, v2;
	v13 =	vld [tilespmem:s0+$0xD0]  }
0x5b: {  	[tilespmem:v17+s17+$0x0] =	vst.idx.msk $0xffff, v14;
	v14 =	vmul.f32 $8.000000000e+00, v18;
	v16 =	vadd.s32 v58, v3;
	v15 =	vld [tilespmem:s0+$0xFFFFFF10]  }
0x5c: {  	v18 =	vld [tilespmem:s0+$0xFFFFFF50];
	[tilespmem:v19+s17+$0x0] =	vst.idx.msk $0xffff, v7;
	v7 =	vmul.f32 $8.000000000e+00, v20;
	v19 =	vadd.s32 v62, v10  }
0x5d: {  	v25 =	vadd.s32 v49, v8;
	[tilespmem:v21+s17+$0x0] =	vst.idx.msk $0xffff, v14;
	v14 =	vmul.f32 $8.000000000e+00, v22;
	v26 =	vld [tilespmem:s0+$0xFFFFFF90]  }
0x5e: {  	v22 =	vadd.s32 v53, v9;
	v27 =	vld [tilespmem:s0+$0xFFFFFFD0];
	[tilespmem:v23+s17+$0x0] =	vst.idx.msk $0xffff, v7;
	v7 =	vmul.f32 $8.000000000e+00, v24  }
0x5f: {  	s31 =	simm.s32 $0x8;
	v24 =	vadd.s32 v41, v6;
	v28 =	vld [tilespmem:s0+$0x10];
	[tilespmem:v12+s17+$0x0] =	vst.idx.msk $0xffff, v14;
	v12 =	vmul.f32 $8.000000000e+00, v13  }
0x60: {  	v11 =	vmov s31;
	v14 =	vmul.f32 $8.000000000e+00, v15;
	v15 =	vadd.s32 v47, v5;
	v29 =	vld [tilespmem:s0+$0x50];
	[tilespmem:v16+s17+$0x0] =	vst.idx.msk $0xffff, v7  }
0x61: {  	v11 =	vshrl.u32 v11, $0x3;
	v16 =	vmul.f32 $8.000000000e+00, v18;
	v18 =	vadd.s32 v36, v4;
	v30 =	vld [tilespmem:s0+$0x90];
	[tilespmem:v19+s17+$0x0] =	vst.idx.msk $0xffff, v12  }
0x62: {  	v12 =	vshll.u32 v11, v1;
	[tilespmem:v25+s17+$0x0] =	vst.idx.msk $0xffff, v14;
	v11 =	vmul.f32 $8.000000000e+00, v26;
	v14 =	vadd.s32 v56, v2;
	v19 =	vld [tilespmem:s0+$0xE0]  }
0x63: {  	[tilespmem:v22+s17+$0x0] =	vst.idx.msk $0xffff, v16;
	v16 =	vmul.f32 $8.000000000e+00, v27;
	v22 =	vadd.s32 v59, v3;
	v25 =	vld [tilespmem:s0+$0xFFFFFF20]  }
0x64: {  	v26 =	vld [tilespmem:s0+$0xFFFFFF60];
	[tilespmem:v24+s17+$0x0] =	vst.idx.msk $0xffff, v11;
	v11 =	vmul.f32 $8.000000000e+00, v28;
	v24 =	vadd.s32 v63, v10  }
0x65: {  	s30 =	simm.s32 $0xD;
	v27 =	vadd.s32 v50, v8;
	v28 =	vld [tilespmem:s0+$0xFFFFFFA0];
	[tilespmem:v15+s17+$0x0] =	vst.idx.msk $0xffff, v16;
	v15 =	vmul.f32 $8.000000000e+00, v29  }
0x66: {  	v13 =	vmov s30;
	v29 =	vadd.s32 v54, v9;
	[tilespmem:v18+s17+$0x0] =	vst.idx.msk $0xffff, v11;
	v16 =	vmul.f32 $8.000000000e+00, v30  }
0x67: {  	s31 =	simm.s32 $0xE;
	v57 =	vshrl.u32 v13, $0x3;
	v31 =	vld [tilespmem:s0+$0xFFFFFFE0];
	v18 =	vadd.s32 v42, v6;
	[tilespmem:v14+s17+$0x0] =	vst.idx.msk $0xffff, v15;
	v13 =	vmul.f32 $8.000000000e+00, v19  }
0x68: {  	v7 =	vmov s31;
	v32 =	vld [tilespmem:s0+$0x20];
	v14 =	vmul.f32 $8.000000000e+00, v25;
	[tilespmem:v22+s17+$0x0] =	vst.idx.msk $0xffff, v16  }
0x69: {  	v11 =	vshrl.u32 v7, $0x3;
	v7 =	vbroadcast v12, $0x0;
	v34 =	vld [tilespmem:s0+$0x60];
	v12 =	vmul.f32 $8.000000000e+00, v26;
	[tilespmem:v24+s17+$0x0] =	vst.idx.msk $0xffff, v13  }
0x6a: {  	v33 =	vadd.s32 v37, v5;
	v35 =	vld [tilespmem:s0+$0xA0];
	[tilespmem:v27+s17+$0x0] =	vst.idx.msk $0xffff, v14;
	v15 =	vmul.f32 $8.000000000e+00, v28  }
0x6b: {  	s10 =	simm.s32 $0x9;
	v26 =	vadd.s32 v39, v4;
	v13 =	vld [tilespmem:$0x1FC10];
	[tilespmem:v29+s17+$0x0] =	vst.idx.msk $0xffff, v12  }
0x6c: {  	s11 =	simm.s32 $0xA;
	v17 =	vmov s10;
	v14 =	vld [tilespmem:$0x1FC30];
	[tilespmem:v18+s17+$0x0] =	vst.idx.msk $0xffff, v15  }
0x6d: {  	s14 =	simm.s32 $0xB;
	s15 =	simm.s32 $0xC;
	v17 =	vshrl.u32 v17, $0x3;
	v20 =	vmov s11;
	v12 =	vmul.f32 $8.000000000e+00, v31;
	v15 =	vld [tilespmem:$0x1FC40]  }
0x6e: {  	v21 =	vmov s14;
	v23 =	vmov s15;
	v25 =	vld [tilespmem:s0+$0xF0];
	v27 =	vmul.f32 $8.000000000e+00, v32  }
0x6f: {  	v20 =	vshrl.u32 v20, $0x3;
	v21 =	vshrl.u32 v21, $0x3;
	v23 =	vshrl.u32 v23, $0x3;
	v19 =	vld [tilespmem:s0+$0xFFFFFF30];
	[tilespmem:v33+s17+$0x0] =	vst.idx.msk $0xffff, v12  }
0x70: {  	v16 =	vshll.u32 v17, v1;
	v17 =	vadd.s32 v51, v8;
	v18 =	vld [tilespmem:s0+$0xFFFFFFB0];
	v8 =	vmul.f32 $8.000000000e+00, v34;
	[tilespmem:v26+s17+$0x0] =	vst.idx.msk $0xffff, v27  }
0x71: {  	v12 =	vshll.u32 v57, v1;
	v57 =	vld [tilespmem:$0x1FC20];
	v24 =	vadd.s32 v13, v2;
	v13 =	vshll.u32 v20, v1  }
0x72: {  	v20 =	vadd.s32 v14, v3;
	v14 =	vshll.u32 v21, v1;
	v21 =	vld [tilespmem:s0+$0xFFFFFF70];
	v22 =	vadd.s32 v15, v10  }
0x73: {  	s1 =	simm.s32 $0x10;
	s10 =	simm.s32 $0xF;
	v15 =	vshll.u32 v23, v1;
	v10 =	vadd.s32 v48, v9;
	v23 =	vld [tilespmem:s0+$0xFFFFFFF0];
	v9 =	vmul.f32 $8.000000000e+00, v35  }
.LBB2_3:
0x74: {  	_ =	sdelay $0x2  }
0x75: {  	v26 =	vmov s10;
	v6 =	vadd.s32 v45, v6;
	v27 =	vld [tilespmem:s0+$0x30];
	[tilespmem:v24+s17+$0x0] =	vst.idx.msk $0xffff, v8;
	v24 =	vmul.f32 $8.000000000e+00, v25  }
0x76: {  	v5 =	vadd.s32 v40, v5;
	v8 =	vmovc v7;
	v7 =	vshrl.u32 v26, $0x3;
	[tilespmem:v20+s17+$0x0] =	vst.idx.msk $0xffff, v9;
	v19 =	vmul.f32 $8.000000000e+00, v19;
	v25 =	vld [tilespmem:s0+$0x70]  }
0x77: {  	v4 =	vadd.s32 v43, v4;
	v7 =	vshll.u32 v7, v1;
	v20 =	vmul.f32 $8.000000000e+00, v21;
	v21 =	vld [tilespmem:s0+$0xB0];
	s0 =	sadd.s32 $0x200, s0;
	[tilespmem:v22+s17+$0x0] =	vst.idx.msk $0xffff, v24  }
0x78: {  	v2 =	vadd.s32 v57, v2;
	v9 =	vbroadcast v7, $0x0;
	v7 =	vmul.f32 $8.000000000e+00, v18;
	[tilespmem:v17+s17+$0x0] =	vst.idx.msk $0xffff, v19;
	v22 =	vld [tilespmem:s0+$0xC0]  }
0x79: {  	v11 =	vshll.u32 v11, v1;
	v3 =	vadd.s32 v60, v3;
	v18 =	vmul.f32 $8.000000000e+00, v23;
	[tilespmem:v10+s17+$0x0] =	vst.idx.msk $0xffff, v20;
	v17 =	vld [tilespmem:s0+$0xFFFFFF00]  }
0x7a: {  	v10 =	vbroadcast v16, $0x0;
	v16 =	vadd.s32 v61, v9;
	[tilespmem:v6+s17+$0x0] =	vst.idx.msk $0xffff, v7;
	v7 =	vmul.f32 $8.000000000e+00, v27;
	v19 =	vld [tilespmem:s0+$0xFFFFFF40]  }
0x7b: {  	v20 =	vadd.s32 v0, v8;
	v6 =	vbroadcast v13, $0x0;
	[tilespmem:v5+s17+$0x0] =	vst.idx.msk $0xffff, v18;
	v23 =	vld [tilespmem:s0+$0xFFFFFF80];
	v13 =	vmul.f32 $8.000000000e+00, v25  }
0x7c: {  	v5 =	vbroadcast v14, $0x0;
	v24 =	vld [tilespmem:s0+$0xFFFFFFC0];
	v18 =	vadd.s32 v52, v10;
	[tilespmem:v4+s17+$0x0] =	vst.idx.msk $0xffff, v7;
	v7 =	vmul.f32 $8.000000000e+00, v21  }
0x7d: {  	v14 =	vadd.s32 v38, v6;
	v4 =	vbroadcast v15, $0x0;
	v21 =	vld [tilespmem:s0+$0x0];
	[tilespmem:v2+s17+$0x0] =	vst.idx.msk $0xffff, v13;
	v15 =	vmul.f32 $8.000000000e+00, v22  }
0x7e: {  	v2 =	vbroadcast v12, $0x0;
	[tilespmem:v3+s17+$0x0] =	vst.idx.msk $0xffff, v7;
	v13 =	vmul.f32 $8.000000000e+00, v17;
	v17 =	vadd.s32 v46, v5;
	v22 =	vld [tilespmem:s0+$0x40]  }
0x7f: {  	v12 =	vadd.s32 v44, v4;
	v3 =	vbroadcast v11, $0x0;
	v7 =	vmul.f32 $8.000000000e+00, v19;
	v19 =	vld [tilespmem:s0+$0x80];
	[tilespmem:v16+s17+$0x0] =	vst.idx.msk $0xffff, v15  }
0x80: {  	[tilespmem:v20+s17+$0x0] =	vst.idx.msk $0xffff, v13;
	v13 =	vmul.f32 $8.000000000e+00, v23;
	v15 =	vadd.s32 v55, v2;
	v16 =	vld [tilespmem:s0+$0xD0]  }
0x81: {  	[tilespmem:v18+s17+$0x0] =	vst.idx.msk $0xffff, v7;
	v7 =	vmul.f32 $8.000000000e+00, v24;
	v18 =	vadd.s32 v58, v3;
	v20 =	vld [tilespmem:s0+$0xFFFFFF10]  }
0x82: {  	v24 =	vld [tilespmem:s0+$0xFFFFFF50];
	[tilespmem:v14+s17+$0x0] =	vst.idx.msk $0xffff, v13;
	v13 =	vmul.f32 $8.000000000e+00, v21;
	v14 =	vadd.s32 v62, v9  }
0x83: {  	v25 =	vadd.s32 v49, v8;
	v26 =	vld [tilespmem:s0+$0xFFFFFF90];
	[tilespmem:v17+s17+$0x0] =	vst.idx.msk $0xffff, v7;
	v7 =	vmul.f32 $8.000000000e+00, v22  }
0x84: {  	v22 =	vadd.s32 v53, v10;
	v27 =	vld [tilespmem:s0+$0xFFFFFFD0];
	[tilespmem:v12+s17+$0x0] =	vst.idx.msk $0xffff, v13;
	v12 =	vmul.f32 $8.000000000e+00, v19  }
0x85: {  	v19 =	vadd.s32 v41, v6;
	v28 =	vld [tilespmem:s0+$0x10];
	[tilespmem:v15+s17+$0x0] =	vst.idx.msk $0xffff, v7;
	v7 =	vmul.f32 $8.000000000e+00, v16  }
0x86: {  	v11 =	vmov s1;
	v16 =	vmul.f32 $8.000000000e+00, v20;
	v20 =	vadd.s32 v47, v5;
	v29 =	vld [tilespmem:s0+$0x50];
	[tilespmem:v18+s17+$0x0] =	vst.idx.msk $0xffff, v12  }
0x87: {  	v11 =	vshrl.u32 v11, $0x3;
	v18 =	vmul.f32 $8.000000000e+00, v24;
	v24 =	vadd.s32 v36, v4;
	v30 =	vld [tilespmem:s0+$0x90];
	[tilespmem:v14+s17+$0x0] =	vst.idx.msk $0xffff, v7  }
0x88: {  	v7 =	vshll.u32 v11, v1;
	[tilespmem:v25+s17+$0x0] =	vst.idx.msk $0xffff, v16;
	v11 =	vmul.f32 $8.000000000e+00, v26;
	v14 =	vadd.s32 v56, v2;
	v16 =	vld [tilespmem:s0+$0xE0]  }
0x89: {  	[tilespmem:v22+s17+$0x0] =	vst.idx.msk $0xffff, v18;
	v22 =	vadd.s32 v59, v3;
	v25 =	vld [tilespmem:s0+$0xFFFFFF20];
	v18 =	vmul.f32 $8.000000000e+00, v27  }
0x8a: {  	s15 =	sadd.s32 $0x4, s1;
	v33 =	vadd.s32 v37, v5;
	v26 =	vld [tilespmem:s0+$0xFFFFFF60];
	[tilespmem:v19+s17+$0x0] =	vst.idx.msk $0xffff, v11;
	v11 =	vmul.f32 $8.000000000e+00, v28  }
0x8b: {  	s31 =	sadd.s32 $0x1, s1;
	v13 =	vmov s15;
	v27 =	vadd.s32 v50, v8;
	v28 =	vld [tilespmem:s0+$0xFFFFFFA0];
	[tilespmem:v20+s17+$0x0] =	vst.idx.msk $0xffff, v18;
	v18 =	vmul.f32 $8.000000000e+00, v29  }
0x8c: {  	v23 =	vmov s31;
	s31 =	sadd.s32 $0x6, s1;
	v29 =	vshrl.u32 v13, $0x3;
	v31 =	vld [tilespmem:s0+$0xFFFFFFE0];
	[tilespmem:v24+s17+$0x0] =	vst.idx.msk $0xffff, v11;
	v13 =	vmul.f32 $8.000000000e+00, v30  }
0x8d: {  	s30 =	sadd.s32 $0x5, s1;
	v23 =	vshrl.u32 v23, $0x3;
	v12 =	vmov s31;
	v19 =	vadd.s32 v63, v9;
	v32 =	vld [tilespmem:s0+$0x20];
	[tilespmem:v14+s17+$0x0] =	vst.idx.msk $0xffff, v18  }
0x8e: {  	s11 =	sadd.s32 $0x2, s1;
	v15 =	vmov s30;
	v11 =	vshrl.u32 v12, $0x3;
	v12 =	vmul.f32 $8.000000000e+00, v25;
	v34 =	vld [tilespmem:s0+$0x60];
	[tilespmem:v22+s17+$0x0] =	vst.idx.msk $0xffff, v13  }
0x8f: {  	v21 =	vmov s11;
	v20 =	vadd.s32 v54, v10;
	v30 =	vshrl.u32 v15, $0x3;
	v35 =	vld [tilespmem:s0+$0xA0]  }
0x90: {  	s14 =	sadd.s32 $0x3, s1;
	v15 =	vadd.s32 v42, v6;
	v14 =	vmul.f32 $8.000000000e+00, v16;
	[tilespmem:v27+s17+$0x0] =	vst.idx.msk $0xffff, v12;
	v12 =	vmul.f32 $8.000000000e+00, v28;
	v28 =	vld [tilespmem:$0x1FC10]  }
0x91: {  	v17 =	vmov s14;
	v16 =	vshll.u32 v23, v1;
	v23 =	vmul.f32 $8.000000000e+00, v31;
	v31 =	vld [tilespmem:$0x1FC30]  }
0x92: {  	p0 =	slt.u32 s1, $0x78;
	v18 =	vmul.f32 $8.000000000e+00, v26;
	v26 =	vadd.s32 v39, v4;
	[tilespmem:v19+s17+$0x0] =	vst.idx.msk $0xffff, v14;
	v27 =	vmul.f32 $8.000000000e+00, v32;
	v32 =	vld [tilespmem:$0x1FC40]  }
.Ltmp0:
0x93: {  	v21 =	vshrl.u32 v21, $0x3;
	v17 =	vshrl.u32 v17, $0x3;
	v10 =	vadd.s32 v48, v10;
	v25 =	vld [tilespmem:s0+$0xF0];
	(pc) =	sbr.rel @p0 .LBB2_3-.Ltmp0, $4  }
0x94: {  	v13 =	vshll.u32 v21, v1;
	[tilespmem:v20+s17+$0x0] =	vst.idx.msk $0xffff, v18;
	v14 =	vshll.u32 v17, v1;
	v19 =	vld [tilespmem:s0+$0xFFFFFF30]  }
0x95: {  	v7 =	vbroadcast v7, $0x0;
	v17 =	vadd.s32 v51, v8;
	v21 =	vld [tilespmem:s0+$0xFFFFFF70];
	[tilespmem:v15+s17+$0x0] =	vst.idx.msk $0xffff, v12;
	v15 =	vshll.u32 v29, v1  }
0x96: {  	v12 =	vshll.u32 v30, v1;
	v18 =	vld [tilespmem:s0+$0xFFFFFFB0];
	[tilespmem:v33+s17+$0x0] =	vst.idx.msk $0xffff, v23;
	v8 =	vmul.f32 $8.000000000e+00, v34;
	v24 =	vadd.s32 v28, v2  }
0x97: {  	s10 =	sadd.s32 $0x7, s1;
	s1 =	sadd.s32 $0x8, s1;
	v23 =	vld [tilespmem:s0+$0xFFFFFFF0];
	[tilespmem:v26+s17+$0x0] =	vst.idx.msk $0xffff, v27;
	v20 =	vadd.s32 v31, v3;
	v22 =	vadd.s32 v32, v9;
	v9 =	vmul.f32 $8.000000000e+00, v35  }
0x98: {  	_ =	sdelay $0x3  }
0x99: {  	v26 =	vmov s10;
	v6 =	vadd.s32 v45, v6;
	v27 =	vld [tilespmem:s0+$0x30];
	[tilespmem:v24+s17+$0x0] =	vst.idx.msk $0xffff, v8;
	v34 =	vmul.f32 $8.000000000e+00, v25  }
0x9a: {  	v5 =	vadd.s32 v40, v5;
	v35 =	vshrl.u32 v26, $0x3;
	v19 =	vmul.f32 $8.000000000e+00, v19;
	v25 =	vld [tilespmem:s0+$0x70];
	[tilespmem:v20+s17+$0x0] =	vst.idx.msk $0xffff, v9  }
0x9b: {  	v4 =	vadd.s32 v43, v4;
	s11 =	sadd.s32 $0x200, s0;
	v29 =	vshll.u32 v35, v1;
	v30 =	vmul.f32 $8.000000000e+00, v21;
	v33 =	vld [tilespmem:s0+$0xB0];
	[tilespmem:v22+s17+$0x0] =	vst.idx.msk $0xffff, v34  }
0x9c: {  	v2 =	vadd.s32 v57, v2;
	v8 =	vld [tilespmem:s11+$0xC0];
	v9 =	vbroadcast v29, $0x0;
	[tilespmem:v17+s17+$0x0] =	vst.idx.msk $0xffff, v19;
	v34 =	vmul.f32 $8.000000000e+00, v18  }
0x9d: {  	v11 =	vshll.u32 v11, v1;
	v3 =	vadd.s32 v60, v3;
	v18 =	vld [tilespmem:s11+$0xFFFFFF00];
	[tilespmem:v10+s17+$0x0] =	vst.idx.msk $0xffff, v30;
	v35 =	vmul.f32 $8.000000000e+00, v23  }
0x9e: {  	v16 =	vbroadcast v16, $0x0;
	v19 =	vld [tilespmem:s11+$0xFFFFFF40];
	v20 =	vadd.s32 v61, v9;
	[tilespmem:v6+s17+$0x0] =	vst.idx.msk $0xffff, v34;
	v61 =	vmul.f32 $8.000000000e+00, v27  }
0x9f: {  	v24 =	vadd.s32 v0, v7;
	v13 =	vbroadcast v13, $0x0;
	v26 =	vld [tilespmem:s11+$0xFFFFFF80];
	[tilespmem:v5+s17+$0x0] =	vst.idx.msk $0xffff, v35;
	v27 =	vmul.f32 $8.000000000e+00, v25  }
0xa0: {  	v14 =	vbroadcast v14, $0x0;
	v29 =	vadd.s32 v52, v16;
	v30 =	vld [tilespmem:s11+$0xFFFFFFC0];
	[tilespmem:v4+s17+$0x0] =	vst.idx.msk $0xffff, v61;
	v33 =	vmul.f32 $8.000000000e+00, v33  }
0xa1: {  	v15 =	vbroadcast v15, $0x0;
	v34 =	vadd.s32 v38, v13;
	v35 =	vld [tilespmem:s11+$0x0];
	v8 =	vmul.f32 $8.000000000e+00, v8;
	[tilespmem:v2+s17+$0x0] =	vst.idx.msk $0xffff, v27  }
0xa2: {  	v12 =	vbroadcast v12, $0x0;
	v38 =	vadd.s32 v46, v14;
	v46 =	vld [tilespmem:s11+$0x40];
	v2 =	vmul.f32 $8.000000000e+00, v18;
	[tilespmem:v3+s17+$0x0] =	vst.idx.msk $0xffff, v33  }
0xa3: {  	v11 =	vbroadcast v11, $0x0;
	v52 =	vadd.s32 v44, v15;
	v61 =	vld [tilespmem:s11+$0x80];
	v3 =	vmul.f32 $8.000000000e+00, v19;
	[tilespmem:v20+s17+$0x0] =	vst.idx.msk $0xffff, v8  }
0xa4: {  	[tilespmem:v24+s17+$0x0] =	vst.idx.msk $0xffff, v2;
	v2 =	vmul.f32 $8.000000000e+00, v26;
	v24 =	vadd.s32 v55, v12;
	v25 =	vld [tilespmem:s11+$0xD0]  }
0xa5: {  	v27 =	vadd.s32 v58, v11;
	v26 =	vld [tilespmem:s11+$0xFFFFFF10];
	[tilespmem:v29+s17+$0x0] =	vst.idx.msk $0xffff, v3;
	v3 =	vmul.f32 $8.000000000e+00, v30  }
0xa6: {  	v30 =	vadd.s32 v62, v9;
	v29 =	vld [tilespmem:s11+$0xFFFFFF50];
	[tilespmem:v34+s17+$0x0] =	vst.idx.msk $0xffff, v2;
	v2 =	vmul.f32 $8.000000000e+00, v35  }
0xa7: {  	v33 =	vadd.s32 v49, v7;
	v34 =	vld [tilespmem:s11+$0xFFFFFF90];
	[tilespmem:v38+s17+$0x0] =	vst.idx.msk $0xffff, v3;
	v3 =	vmul.f32 $8.000000000e+00, v46  }
0xa8: {  	v35 =	vadd.s32 v53, v16;
	v38 =	vld [tilespmem:s11+$0xFFFFFFD0];
	[tilespmem:v52+s17+$0x0] =	vst.idx.msk $0xffff, v2;
	v2 =	vmul.f32 $8.000000000e+00, v61  }
0xa9: {  	v44 =	vadd.s32 v41, v13;
	v46 =	vld [tilespmem:s11+$0x10];
	[tilespmem:v24+s17+$0x0] =	vst.idx.msk $0xffff, v3;
	v3 =	vmul.f32 $8.000000000e+00, v25  }
0xaa: {  	v52 =	vadd.s32 v47, v14;
	v49 =	vmul.f32 $8.000000000e+00, v26;
	v53 =	vld [tilespmem:s11+$0x50];
	[tilespmem:v27+s17+$0x0] =	vst.idx.msk $0xffff, v2  }
0xab: {  	v55 =	vadd.s32 v36, v15;
	v2 =	vmul.f32 $8.000000000e+00, v29;
	v58 =	vld [tilespmem:s11+$0x90];
	[tilespmem:v30+s17+$0x0] =	vst.idx.msk $0xffff, v3  }
0xac: {  	v61 =	vadd.s32 v56, v12;
	[tilespmem:v33+s17+$0x0] =	vst.idx.msk $0xffff, v49;
	v3 =	vmul.f32 $8.000000000e+00, v34;
	v62 =	vld [tilespmem:s11+$0xE0]  }
0xad: {  	v24 =	vadd.s32 v59, v11;
	v21 =	vld [tilespmem:s11+$0xFFFFFF20];
	[tilespmem:v35+s17+$0x0] =	vst.idx.msk $0xffff, v2;
	v2 =	vmul.f32 $8.000000000e+00, v38  }
0xae: {  	v26 =	vadd.s32 v63, v9;
	v25 =	vld [tilespmem:s11+$0xFFFFFF60];
	[tilespmem:v44+s17+$0x0] =	vst.idx.msk $0xffff, v3;
	v3 =	vmul.f32 $8.000000000e+00, v46  }
0xaf: {  	v27 =	vadd.s32 v50, v7;
	v29 =	vld [tilespmem:s11+$0xFFFFFFA0];
	[tilespmem:v52+s17+$0x0] =	vst.idx.msk $0xffff, v2;
	v2 =	vmul.f32 $8.000000000e+00, v53  }
0xb0: {  	v30 =	vadd.s32 v54, v16;
	v33 =	vld [tilespmem:s11+$0xFFFFFFE0];
	[tilespmem:v55+s17+$0x0] =	vst.idx.msk $0xffff, v3;
	v3 =	vmul.f32 $8.000000000e+00, v58  }
0xb1: {  	v34 =	vadd.s32 v42, v13;
	v35 =	vld [tilespmem:s11+$0x20];
	[tilespmem:v61+s17+$0x0] =	vst.idx.msk $0xffff, v2;
	v2 =	vmul.f32 $8.000000000e+00, v62  }
0xb2: {  	v38 =	vadd.s32 v37, v14;
	v36 =	vmul.f32 $8.000000000e+00, v21;
	v41 =	vld [tilespmem:s11+$0x60];
	[tilespmem:v24+s17+$0x0] =	vst.idx.msk $0xffff, v3  }
0xb3: {  	v42 =	vadd.s32 v39, v15;
	v3 =	vmul.f32 $8.000000000e+00, v25;
	v44 =	vld [tilespmem:s11+$0xA0];
	[tilespmem:v26+s17+$0x0] =	vst.idx.msk $0xffff, v2  }
0xb4: {  	v46 =	vadd.s32 v28, v12;
	[tilespmem:v27+s17+$0x0] =	vst.idx.msk $0xffff, v36;
	v2 =	vmul.f32 $8.000000000e+00, v29;
	v47 =	vld [tilespmem:s11+$0xF0]  }
0xb5: {  	v49 =	vadd.s32 v31, v11;
	v19 =	vld [tilespmem:s11+$0xFFFFFF30];
	[tilespmem:v30+s17+$0x0] =	vst.idx.msk $0xffff, v3;
	v3 =	vmul.f32 $8.000000000e+00, v33  }
0xb6: {  	v9 =	vadd.s32 v32, v9;
	v50 =	vld [tilespmem:s11+$0xFFFFFF70];
	[tilespmem:v34+s17+$0x0] =	vst.idx.msk $0xffff, v2;
	v2 =	vmul.f32 $8.000000000e+00, v35  }
0xb7: {  	v52 =	vadd.s32 v51, v7;
	v10 =	vld [tilespmem:s11+$0xFFFFFFB0];
	[tilespmem:v38+s17+$0x0] =	vst.idx.msk $0xffff, v3;
	v3 =	vmul.f32 $8.000000000e+00, v41  }
0xb8: {  	v53 =	vadd.s32 v48, v16;
	v54 =	vld [tilespmem:s11+$0xFFFFFFF0];
	[tilespmem:v42+s17+$0x0] =	vst.idx.msk $0xffff, v2;
	v2 =	vmul.f32 $8.000000000e+00, v44  }
0xb9: {  	v55 =	vadd.s32 v45, v13;
	v56 =	vld [tilespmem:s11+$0x30];
	[tilespmem:v46+s17+$0x0] =	vst.idx.msk $0xffff, v3;
	v3 =	vmul.f32 $8.000000000e+00, v47  }
0xba: {  	v59 =	vadd.s32 v40, v14;
	v58 =	vmul.f32 $8.000000000e+00, v19;
	v61 =	vld [tilespmem:s11+$0x70];
	[tilespmem:v49+s17+$0x0] =	vst.idx.msk $0xffff, v2  }
0xbb: {  	v15 =	vadd.s32 v43, v15;
	v2 =	vmul.f32 $8.000000000e+00, v50;
	v17 =	vld [tilespmem:s11+$0xB0];
	[tilespmem:v9+s17+$0x0] =	vst.idx.msk $0xffff, v3  }
0xbc: {  	v62 =	vadd.s32 v57, v12;
	[tilespmem:v52+s17+$0x0] =	vst.idx.msk $0xffff, v58;
	v3 =	vmul.f32 $8.000000000e+00, v10  }
0xbd: {  	v63 =	vadd.s32 v60, v11;
	[tilespmem:v53+s17+$0x0] =	vst.idx.msk $0xffff, v2;
	v2 =	vmul.f32 $8.000000000e+00, v54  }
0xbe: {  	[tilespmem:v55+s17+$0x0] =	vst.idx.msk $0xffff, v3;
	v3 =	vmul.f32 $8.000000000e+00, v56  }
0xbf: {  	[tilespmem:v59+s17+$0x0] =	vst.idx.msk $0xffff, v2;
	v2 =	vmul.f32 $8.000000000e+00, v61  }
0xc0: {  	[tilespmem:v15+s17+$0x0] =	vst.idx.msk $0xffff, v3;
	v3 =	vmul.f32 $8.000000000e+00, v17  }
0xc1: {  	p0 =	seq.s32 s29, $0x0;
	[tilespmem:v62+s17+$0x0] =	vst.idx.msk $0xffff, v2  }
0xc2: {  	s0 =	simm.s32 @!p0 $0x7;
	[tilespmem:v63+s17+$0x0] =	vst.idx.msk $0xffff, v3  }
0xc3: {  	s1 =	sshll.u32 s29, $0x9;
	_ =	swait.ge @!p0 [sflag:s0], $0x2000  }
0xc4: {  	s30 =	sand.u32 $0x3FFFFE00, s1;
	[sflag:s0] =	ssyncset.done @!p0 $0x0  }
0xc5: {  	s31 =	sshll.u32 s29, $0x11;
	s14 =	sor.u32 $0x100, s30;
	[sflag:s0] =	ssyncadd.s32 @!p0 $0xFFFFE000  }
0xc6: {  	[tilespmem:s18], [sflag:$0x3] =	stream.indirect.gather [hbm4b:s3+s13], $0x40, s14, s13, $0xb8;
	[tilespmem:$0x16C00] =	vst v63  }
0xc7: {  	s15 =	simm.s32 $0xE400;
	s1 =	sadd.s32 s31, s4  }
0xc8: {  	[hbm4b:s1+s2] =	stream.linear.scatter [tilespmem:s15], [sflag:$0x5], $0x80, $0x38;
	[tilespmem:$0x16C00] =	vst v63  }
0xc9: {  	s10 =	simm.s32 $0xE488;
	s11 =	sadd.s32 $0x10, s1  }
0xca: {  	[hbm4b:s11+s2] =	stream.linear.scatter [tilespmem:s10], [sflag:$0x5], $0x80, $0x38;
	[tilespmem:$0x16C00] =	vst v63  }
0xcb: {  	s14 =	simm.s32 $0xE510;
	s15 =	sadd.s32 $0x20, s1  }
0xcc: {  	[hbm4b:s15+s2] =	stream.linear.scatter [tilespmem:s14], [sflag:$0x5], $0x80, $0x38;
	[tilespmem:$0x16C00] =	vst v63  }
0xcd: {  	s10 =	simm.s32 $0xE598;
	s11 =	sadd.s32 $0x30, s1  }
0xce: {  	[hbm4b:s11+s2] =	stream.linear.scatter [tilespmem:s10], [sflag:$0x5], $0x80, $0x38;
	[tilespmem:$0x16C00] =	vst v63  }
0xcf: {  	s14 =	simm.s32 $0xE620;
	s15 =	sadd.s32 $0x40, s1  }
0xd0: {  	[hbm4b:s15+s2] =	stream.linear.scatter [tilespmem:s14], [sflag:$0x5], $0x80, $0x38;
	[tilespmem:$0x16C00] =	vst v63  }
0xd1: {  	s0 =	simm.s32 $0x440;
	s10 =	simm.s32 $0xE6A8;
	s11 =	sadd.s32 $0x50, s1  }
0xd2: {  	[hbm4b:s11+s2] =	stream.linear.scatter [tilespmem:s10], [sflag:$0x5], $0x80, $0x38;
	[tilespmem:$0x16C00] =	vst v63  }
0xd3: {  	s14 =	simm.s32 $0xE730;
	s15 =	sadd.s32 $0x60, s1;
	s10 =	simm.s32 $0x2200  }
0xd4: {  	[hbm4b:s15+s2] =	stream.linear.scatter [tilespmem:s14], [sflag:$0x5], $0x80, $0x38;
	[tilespmem:$0x16C00] =	vst v63  }
0xd5: {  	s11 =	simm.s32 $0xE7B8;
	s14 =	sadd.s32 $0x70, s1;
	s1 =	sadd.s32 $0x4000, s1  }
.LBB2_5:
0xd6: {  	[hbm4b:s14+s2] =	stream.linear.scatter [tilespmem:s11], [sflag:$0x5], $0x80, $0x38;
	[tilespmem:$0x16C00] =	vst v63  }
0xd7: {  	s11 =	smov.u32 s0;
	s0 =	smov.u32 s10  }
0xd8: {  	s15 =	sadd.s32 $0x1100, s10;
	s0 =	sshra.s32 s0, $0x2;
	s14 =	sadd.s32 $0xE400, s11  }
0xd9: {  	[hbm4b:s1+s2] =	stream.linear.scatter [tilespmem:s14], [sflag:$0x5], $0x80, $0x38;
	[tilespmem:$0x16C00] =	vst v63  }
0xda: {  	p1 =	sne.s32 s10, $0x7700;
	s10 =	sadd.s32 $0xE488, s11;
	s14 =	sadd.s32 $0x10, s1  }
0xdb: {  	[hbm4b:s14+s2] =	stream.linear.scatter [tilespmem:s10], [sflag:$0x5], $0x80, $0x38;
	[tilespmem:$0x16C00] =	vst v63  }
0xdc: {  	s10 =	sadd.s32 $0xE510, s11;
	s14 =	sadd.s32 $0x20, s1  }
0xdd: {  	[hbm4b:s14+s2] =	stream.linear.scatter [tilespmem:s10], [sflag:$0x5], $0x80, $0x38;
	[tilespmem:$0x16C00] =	vst v63  }
0xde: {  	s10 =	sadd.s32 $0xE598, s11;
	s14 =	sadd.s32 $0x30, s1  }
0xdf: {  	[hbm4b:s14+s2] =	stream.linear.scatter [tilespmem:s10], [sflag:$0x5], $0x80, $0x38;
	[tilespmem:$0x16C00] =	vst v63  }
0xe0: {  	s10 =	sadd.s32 $0xE620, s11;
	s14 =	sadd.s32 $0x40, s1  }
0xe1: {  	[hbm4b:s14+s2] =	stream.linear.scatter [tilespmem:s10], [sflag:$0x5], $0x80, $0x38;
	[tilespmem:$0x16C00] =	vst v63  }
.Ltmp1:
0xe2: {  	s10 =	sadd.s32 $0xE6A8, s11;
	s14 =	sadd.s32 $0x50, s1;
	(pc) =	sbr.rel @p1 .LBB2_5-.Ltmp1, $4  }
0xe3: {  	[hbm4b:s14+s2] =	stream.linear.scatter [tilespmem:s10], [sflag:$0x5], $0x80, $0x38;
	[tilespmem:$0x16C00] =	vst v63  }
0xe4: {  	s10 =	sadd.s32 $0xE730, s11;
	s14 =	sadd.s32 $0x60, s1;
	s11 =	sadd.s32 $0xE7B8, s11  }
0xe5: {  	[hbm4b:s14+s2] =	stream.linear.scatter [tilespmem:s10], [sflag:$0x5], $0x80, $0x38;
	[tilespmem:$0x16C00] =	vst v63  }
0xe6: {  	s14 =	sadd.s32 $0x70, s1;
	s1 =	sadd.s32 $0x4000, s1;
	s10 =	smov.u32 s15  }
0xe7: {  	[hbm4b:s14+s2] =	stream.linear.scatter [tilespmem:s11], [sflag:$0x5], $0x80, $0x38;
	[tilespmem:$0x16C00] =	vst v63  }
0xe8: {  	s10 =	sadd.s32 $0xE400, s0  }
0xe9: {  	[hbm4b:s1+s2] =	stream.linear.scatter [tilespmem:s10], [sflag:$0x5], $0x80, $0x38;
	[tilespmem:$0x16C00] =	vst v63  }
0xea: {  	s14 =	sadd.s32 $0xE488, s0;
	s15 =	sadd.s32 $0x10, s1  }
0xeb: {  	[hbm4b:s15+s2] =	stream.linear.scatter [tilespmem:s14], [sflag:$0x5], $0x80, $0x38;
	[tilespmem:$0x16C00] =	vst v63  }
0xec: {  	s14 =	sadd.s32 $0xE510, s0;
	s15 =	sadd.s32 $0x20, s1  }
0xed: {  	[hbm4b:s15+s2] =	stream.linear.scatter [tilespmem:s14], [sflag:$0x5], $0x80, $0x38;
	[tilespmem:$0x16C00] =	vst v63  }
0xee: {  	s14 =	sadd.s32 $0xE598, s0;
	s15 =	sadd.s32 $0x30, s1  }
0xef: {  	[hbm4b:s15+s2] =	stream.linear.scatter [tilespmem:s14], [sflag:$0x5], $0x80, $0x38;
	[tilespmem:$0x16C00] =	vst v63  }
0xf0: {  	s14 =	sadd.s32 $0xE620, s0;
	s15 =	sadd.s32 $0x40, s1  }
0xf1: {  	[hbm4b:s15+s2] =	stream.linear.scatter [tilespmem:s14], [sflag:$0x5], $0x80, $0x38;
	[tilespmem:$0x16C00] =	vst v63  }
0xf2: {  	s14 =	sadd.s32 $0xE6A8, s0;
	s15 =	sadd.s32 $0x50, s1  }
0xf3: {  	[hbm4b:s15+s2] =	stream.linear.scatter [tilespmem:s14], [sflag:$0x5], $0x80, $0x38;
	[tilespmem:$0x16C00] =	vst v63  }
0xf4: {  	s14 =	sadd.s32 $0xE730, s0;
	s15 =	sadd.s32 $0x60, s1  }
0xf5: {  	[hbm4b:s15+s2] =	stream.linear.scatter [tilespmem:s14], [sflag:$0x5], $0x80, $0x38;
	[tilespmem:$0x16C00] =	vst v63  }
0xf6: {  	s11 =	sadd.s32 $0xE7B8, s0;
	s14 =	sadd.s32 $0x70, s1  }
0xf7: {  	[hbm4b:s14+s2] =	stream.linear.scatter [tilespmem:s11], [sflag:$0x5], $0x80, $0x38;
	[tilespmem:$0x16C00] =	vst v63  }
0xf8: {  	s10 =	simm.s32 $0x7;
	_ =	swait.ge [sflag:s19], $0x2000  }
0xf9: {  	v9 =	vmov s10;
	v43 =	vld [tilespmem:$0x1FFC0]  }
0xfa: {  	v9 =	vshrl.u32 v9, $0x3;
	s15 =	simm.s32 $0x0;
	v54 =	vld [tilespmem:$0x1FEF0]  }
0xfb: {  	v9 =	vshll.u32 v9, v1;
	v2 =	vmov s15;
	s15 =	simm.s32 $0x3;
	v62 =	vld [tilespmem:$0x1FC80]  }
0xfc: {  	v10 =	vbroadcast v9, $0x0;
	v2 =	vshrl.u32 v2, $0x3;
	s11 =	simm.s32 $0x1;
	v5 =	vmov s15;
	s15 =	simm.s32 $0x6;
	[sflag:s19] =	ssyncset.done $0x0;
	v35 =	vld [tilespmem:$0x1FCC0]  }
0xfd: {  	s0 =	simm.s32 $0x85F0;
	s14 =	simm.s32 $0x2;
	v3 =	vmov s11;
	v8 =	vmov s15;
	v2 =	vshll.u32 v2, v1;
	v60 =	vld [tilespmem:$0x1FCF0];
	[sflag:s19] =	ssyncadd.s32 $0xFFFFE000  }
0xfe: {  	v4 =	vmov s14;
	s14 =	simm.s32 $0x5;
	v12 =	vshrl.u32 v8, $0x3;
	v8 =	vbroadcast v2, $0x0;
	v2 =	vld [tilespmem:s0+$0xFFFFFFD0]  }
0xff: {  	v7 =	vmov s14;
	v3 =	vshrl.u32 v3, $0x3;
	v4 =	vshrl.u32 v4, $0x3;
	v13 =	vld [tilespmem:s0+$0xFFFFFE10]  }
0x100: {  	v36 =	vld [tilespmem:$0x1FF30];
	v7 =	vshrl.u32 v7, $0x3;
	v3 =	vshll.u32 v3, v1;
	v16 =	vadd.s32 v43, v10  }
0x101: {  	s11 =	simm.s32 $0x4;
	v15 =	vld [tilespmem:s0+$0xFFFFFE50];
	v11 =	vbroadcast v3, $0x0;
	v3 =	vshll.u32 v7, v1;
	v7 =	vadd.s32 v54, v8  }
0x102: {  	v5 =	vshrl.u32 v5, $0x3;
	v6 =	vmov s11;
	v4 =	vshll.u32 v4, v1;
	v17 =	vld [tilespmem:s0+$0xFFFFFE90]  }
0x103: {  	v5 =	vshll.u32 v5, v1;
	v9 =	vbroadcast v4, $0x0;
	v19 =	vld [tilespmem:s0+$0xFFFFFED0];
	v2 =	vmul.f32 $8.000000000e+00, v2  }
0x104: {  	v6 =	vshrl.u32 v6, $0x3;
	v21 =	vld [tilespmem:s0+$0xFFFFFF10];
	v18 =	vadd.s32 v62, v11;
	v13 =	vmul.f32 $8.000000000e+00, v13  }
0x105: {  	v14 =	vshll.u32 v6, v1;
	v22 =	vld [tilespmem:s0+$0xFFFFFF50];
	v20 =	vadd.s32 v35, v9;
	[tilespmem:v16+s17+$0x0] =	vst.idx.msk $0xffff, v2  }
0x106: {  	v6 =	vbroadcast v5, $0x0;
	v24 =	vld [tilespmem:s0+$0xFFFFFF90];
	v4 =	vbroadcast v14, $0x0;
	[tilespmem:v7+s17+$0x0] =	vst.idx.msk $0xffff, v13  }
0x107: {  	v12 =	vshll.u32 v12, v1;
	v5 =	vbroadcast v3, $0x0;
	v15 =	vmul.f32 $8.000000000e+00, v15;
	v39 =	vld [tilespmem:$0x1FF60]  }
0x108: {  	v3 =	vbroadcast v12, $0x0;
	v2 =	vmul.f32 $8.000000000e+00, v17;
	v12 =	vld [tilespmem:s0+$0xFFFFFFE0]  }
0x109: {  	v14 =	vadd.s32 v60, v6;
	v13 =	vld [tilespmem:s0+$0xFFFFFE20];
	[tilespmem:v18+s17+$0x0] =	vst.idx.msk $0xffff, v15  }
0x10a: {  	v23 =	vadd.s32 v36, v4;
	v42 =	vld [tilespmem:$0x1FF90];
	[tilespmem:v20+s17+$0x0] =	vst.idx.msk $0xffff, v2  }
0x10b: {  	v46 =	vld [tilespmem:$0x1FFD0]  }
0x10c: {  	v15 =	vmul.f32 $8.000000000e+00, v19;
	v58 =	vld [tilespmem:$0x1FC50]  }
0x10d: {  	v18 =	vld [tilespmem:s0+$0xFFFFFE60];
	v2 =	vmul.f32 $8.000000000e+00, v21;
	v7 =	vadd.s32 v39, v5  }
0x10e: {  	v21 =	vld [tilespmem:s0+$0xFFFFFEA0];
	[tilespmem:v14+s17+$0x0] =	vst.idx.msk $0xffff, v15  }
0x10f: {  	v63 =	vld [tilespmem:$0x1FC90];
	[tilespmem:v23+s17+$0x0] =	vst.idx.msk $0xffff, v2;
	v16 =	vadd.s32 v42, v3  }
0x110: {  	v14 =	vmul.f32 $8.000000000e+00, v22;
	v57 =	vld [tilespmem:$0x1FCD0];
	v19 =	vadd.s32 v46, v10  }
0x111: {  	v25 =	vld [tilespmem:s0+$0xFFFFFEE0];
	v20 =	vadd.s32 v58, v8  }
0x112: {  	v2 =	vmul.f32 $8.000000000e+00, v24;
	v26 =	vld [tilespmem:s0+$0xFFFFFF20];
	[tilespmem:v7+s17+$0x0] =	vst.idx.msk $0xffff, v14  }
0x113: {  	v7 =	vmul.f32 $8.000000000e+00, v12;
	v51 =	vld [tilespmem:$0x1FF20]  }
0x114: {  	v13 =	vmul.f32 $8.000000000e+00, v13;
	v22 =	vadd.s32 v63, v11;
	v27 =	vld [tilespmem:s0+$0xFFFFFF60];
	[tilespmem:v16+s17+$0x0] =	vst.idx.msk $0xffff, v2  }
0x115: {  	v24 =	vadd.s32 v57, v9;
	v37 =	vld [tilespmem:$0x1FF40];
	[tilespmem:v19+s17+$0x0] =	vst.idx.msk $0xffff, v7  }
0x116: {  	v28 =	vld [tilespmem:s0+$0xFFFFFFA0];
	[tilespmem:v20+s17+$0x0] =	vst.idx.msk $0xffff, v13  }
0x117: {  	v16 =	vmul.f32 $8.000000000e+00, v18;
	v40 =	vld [tilespmem:$0x1FF70]  }
0x118: {  	v13 =	vmul.f32 $8.000000000e+00, v21;
	v20 =	vld [tilespmem:s0+$0xFFFFFFF0];
	v14 =	vadd.s32 v51, v6  }
0x119: {  	v29 =	vld [tilespmem:s0+$0xFFFFFE30];
	[tilespmem:v22+s17+$0x0] =	vst.idx.msk $0xffff, v16  }
0x11a: {  	v44 =	vld [tilespmem:$0x1FFA0];
	[tilespmem:v24+s17+$0x0] =	vst.idx.msk $0xffff, v13;
	v18 =	vadd.s32 v37, v4  }
0x11b: {  	v16 =	vmul.f32 $8.000000000e+00, v25;
	v47 =	vld [tilespmem:$0x1FFE0]  }
0x11c: {  	v59 =	vld [tilespmem:$0x1FC60]  }
0x11d: {  	v25 =	vld [tilespmem:s0+$0xFFFFFE70];
	v13 =	vmul.f32 $8.000000000e+00, v26;
	v19 =	vadd.s32 v40, v5;
	[tilespmem:v14+s17+$0x0] =	vst.idx.msk $0xffff, v16  }
0x11e: {  	v34 =	vld [tilespmem:$0x1FCA0]  }
0x11f: {  	s11 =	simm.s32 $0x8;
	v30 =	vld [tilespmem:s0+$0xFFFFFEB0];
	v22 =	vadd.s32 v44, v3;
	[tilespmem:v18+s17+$0x0] =	vst.idx.msk $0xffff, v13  }
0x120: {  	s10 =	simm.s32 $0xB;
	s15 =	simm.s32 $0xA;
	v17 =	vmov s11;
	v24 =	vadd.s32 v47, v10;
	v14 =	vmul.f32 $8.000000000e+00, v27;
	v0 =	vld [tilespmem:$0x1FF00]  }
0x121: {  	s11 =	simm.s32 $0xC;
	v23 =	vmov s15;
	v12 =	vmov s10;
	v26 =	vadd.s32 v59, v8;
	v27 =	vld [tilespmem:s0+$0xFFFFFEF0]  }
0x122: {  	v2 =	vmov s11;
	v52 =	vshrl.u32 v12, $0x3;
	v18 =	vmul.f32 $8.000000000e+00, v28;
	v32 =	vld [tilespmem:s0+$0xFFFFFF30];
	[tilespmem:v19+s17+$0x0] =	vst.idx.msk $0xffff, v14  }
0x123: {  	s14 =	simm.s32 $0x9;
	v12 =	vmul.f32 $8.000000000e+00, v20;
	v16 =	vshrl.u32 v23, $0x3;
	v48 =	vld [tilespmem:$0x1FD00];
	v23 =	vadd.s32 v34, v11  }
0x124: {  	v15 =	vmov s14;
	s14 =	simm.s32 $0xD;
	v13 =	vshrl.u32 v2, $0x3;
	v2 =	vmul.f32 $8.000000000e+00, v29;
	v53 =	vld [tilespmem:s0+$0xFFFFFF70];
	[tilespmem:v22+s17+$0x0] =	vst.idx.msk $0xffff, v18  }
0x125: {  	v7 =	vmov s14;
	v38 =	vld [tilespmem:$0x1FF50];
	[tilespmem:v24+s17+$0x0] =	vst.idx.msk $0xffff, v12;
	v31 =	vadd.s32 v0, v9  }
0x126: {  	v14 =	vshrl.u32 v7, $0x3;
	v7 =	vmul.f32 $8.000000000e+00, v25;
	v33 =	vld [tilespmem:s0+$0xFFFFFFB0];
	[tilespmem:v26+s17+$0x0] =	vst.idx.msk $0xffff, v2  }
0x127: {  	v41 =	vld [tilespmem:$0x1FF80]  }
0x128: {  	v18 =	vmul.f32 $8.000000000e+00, v30;
	v55 =	vld [tilespmem:s0+$0x0];
	[tilespmem:v23+s17+$0x0] =	vst.idx.msk $0xffff, v7  }
0x129: {  	v19 =	vadd.s32 v48, v6;
	v45 =	vld [tilespmem:$0x1FFB0]  }
0x12a: {  	v2 =	vld [tilespmem:$0x1FF10];
	[tilespmem:v31+s17+$0x0] =	vst.idx.msk $0xffff, v18  }
0x12b: {  	v25 =	vadd.s32 v38, v4;
	v61 =	vld [tilespmem:$0x1FC70]  }
0x12c: {  	v20 =	vld [tilespmem:s0+$0xFFFFFE40];
	v27 =	vmul.f32 $8.000000000e+00, v27  }
0x12d: {  	v26 =	vadd.s32 v41, v5;
	v22 =	vld [tilespmem:s0+$0xFFFFFE80]  }
0x12e: {  	v56 =	vmul.f32 $8.000000000e+00, v32;
	v24 =	vld [tilespmem:s0+$0xFFFFFEC0];
	[tilespmem:v19+s17+$0x0] =	vst.idx.msk $0xffff, v27  }
0x12f: {  	v19 =	vld [tilespmem:s0+$0xFFFFFF00]  }
0x130: {  	v27 =	vmul.f32 $8.000000000e+00, v53;
	v2 =	vadd.s32 $0x3B87, v2;
	v18 =	vadd.s32 v61, v8;
	v8 =	vld [tilespmem:$0x1FCB0];
	[tilespmem:v25+s17+$0x0] =	vst.idx.msk $0xffff, v56  }
0x131: {  	s15 =	simm.s32 $0xE;
	v23 =	vadd.s32 v2, v10;
	v10 =	vld [tilespmem:$0x1FCE0]  }
0x132: {  	v17 =	vshrl.u32 v17, $0x3;
	v21 =	vmov s15;
	v25 =	vld [tilespmem:s0+$0xFFFFFF40];
	[tilespmem:v26+s17+$0x0] =	vst.idx.msk $0xffff, v27  }
0x133: {  	v17 =	vshll.u32 v17, v1;
	v15 =	vshrl.u32 v15, $0x3;
	v12 =	vshrl.u32 v21, $0x3;
	v49 =	vld [tilespmem:$0x1FD10]  }
0x134: {  	v7 =	vbroadcast v17, $0x0;
	v17 =	vshll.u32 v15, v1;
	v21 =	vadd.s32 v45, v3;
	v53 =	vld [tilespmem:$0x1FD20]  }
0x135: {  	v15 =	vshll.u32 v16, v1;
	v16 =	vshll.u32 v52, v1;
	v52 =	vld [tilespmem:$0x1FD30];
	v11 =	vadd.s32 v8, v11  }
0x136: {  	s1 =	simm.s32 $0x10;
	s10 =	simm.s32 $0xF;
	v50 =	vld [tilespmem:$0x1FD40];
	v8 =	vmul.f32 $8.000000000e+00, v33;
	v10 =	vadd.s32 v10, v9;
	v9 =	vmul.f32 $8.000000000e+00, v55  }
.LBB2_7:
0x137: {  	_ = 	snop  }
0x138: {  	v26 =	vmov s10;
	v6 =	vadd.s32 v49, v6  }
0x139: {  	v27 =	vld [tilespmem:s0+$0xFFFFFF80];
	[tilespmem:v21+s17+$0x0] =	vst.idx.msk $0xffff, v8;
	v8 =	vmov v7;
	v7 =	vshrl.u32 v26, $0x3;
	v20 =	vmul.f32 $8.000000000e+00, v20  }
0x13a: {  	[tilespmem:v23+s17+$0x0] =	vst.idx.msk $0xffff, v9;
	v7 =	vshll.u32 v7, v1;
	v21 =	vmul.f32 $8.000000000e+00, v22  }
0x13b: {  	v5 =	vadd.s32 v52, v5;
	v9 =	vbroadcast v7, $0x0;
	v22 =	vld [tilespmem:s0+$0xFFFFFFC0];
	s0 =	sadd.s32 $0x200, s0;
	v7 =	vmul.f32 $8.000000000e+00, v19;
	[tilespmem:v18+s17+$0x0] =	vst.idx.msk $0xffff, v20  }
0x13c: {  	v4 =	vadd.s32 v53, v4;
	v18 =	vmul.f32 $8.000000000e+00, v24;
	v20 =	vld [tilespmem:s0+$0xFFFFFFD0];
	[tilespmem:v11+s17+$0x0] =	vst.idx.msk $0xffff, v21  }
0x13d: {  	v3 =	vadd.s32 v50, v3;
	[tilespmem:v6+s17+$0x0] =	vst.idx.msk $0xffff, v7;
	v19 =	vld [tilespmem:s0+$0xFFFFFE10]  }
0x13e: {  	v13 =	vshll.u32 v13, v1;
	v11 =	vbroadcast v17, $0x0;
	v7 =	vmul.f32 $8.000000000e+00, v27;
	v21 =	vld [tilespmem:s0+$0xFFFFFE50];
	[tilespmem:v10+s17+$0x0] =	vst.idx.msk $0xffff, v18  }
0x13f: {  	v17 =	vadd.s32 v43, v9;
	v18 =	vmul.f32 $8.000000000e+00, v25;
	v10 =	vbroadcast v15, $0x0;
	v24 =	vld [tilespmem:s0+$0xFFFFFE90]  }
0x140: {  	v14 =	vshll.u32 v14, v1;
	v23 =	vadd.s32 v54, v8;
	[tilespmem:v5+s17+$0x0] =	vst.idx.msk $0xffff, v7;
	v15 =	vmul.f32 $8.000000000e+00, v22;
	v22 =	vld [tilespmem:s0+$0xFFFFFED0]  }
0x141: {  	v6 =	vbroadcast v16, $0x0;
	[tilespmem:v4+s17+$0x0] =	vst.idx.msk $0xffff, v18;
	v18 =	vadd.s32 v62, v11;
	v7 =	vadd.s32 v35, v10;
	v35 =	vld [tilespmem:$0x1FCC0]  }
0x142: {  	v12 =	vshll.u32 v12, v1;
	v4 =	vbroadcast v13, $0x0;
	v16 =	vld [tilespmem:s0+$0xFFFFFF10];
	v13 =	vmul.f32 $8.000000000e+00, v20  }
0x143: {  	v5 =	vbroadcast v14, $0x0;
	[tilespmem:v3+s17+$0x0] =	vst.idx.msk $0xffff, v15;
	v20 =	vld [tilespmem:s0+$0xFFFFFF50];
	v15 =	vmul.f32 $8.000000000e+00, v19;
	v19 =	vadd.s32 v60, v6  }
0x144: {  	v3 =	vbroadcast v12, $0x0;
	v14 =	vmul.f32 $8.000000000e+00, v21;
	v21 =	vadd.s32 v36, v4;
	v25 =	vld [tilespmem:s0+$0xFFFFFF90];
	[tilespmem:v17+s17+$0x0] =	vst.idx.msk $0xffff, v13  }
0x145: {  	v13 =	vadd.s32 v39, v5;
	[tilespmem:v23+s17+$0x0] =	vst.idx.msk $0xffff, v15;
	v12 =	vmul.f32 $8.000000000e+00, v24;
	v15 =	vld [tilespmem:s0+$0xFFFFFFE0]  }
0x146: {  	v17 =	vld [tilespmem:s0+$0xFFFFFE20];
	[tilespmem:v18+s17+$0x0] =	vst.idx.msk $0xffff, v14;
	v14 =	vmul.f32 $8.000000000e+00, v22;
	v18 =	vadd.s32 v42, v3  }
0x147: {  	v22 =	vmov s1;
	v23 =	vld [tilespmem:s0+$0xFFFFFE60];
	[tilespmem:v7+s17+$0x0] =	vst.idx.msk $0xffff, v12;
	v7 =	vmul.f32 $8.000000000e+00, v16;
	v12 =	vadd.s32 v46, v9  }
0x148: {  	v16 =	vshrl.u32 v22, $0x3;
	v22 =	vadd.s32 v58, v8;
	v24 =	vld [tilespmem:s0+$0xFFFFFEA0];
	[tilespmem:v19+s17+$0x0] =	vst.idx.msk $0xffff, v14;
	v14 =	vmul.f32 $8.000000000e+00, v20  }
0x149: {  	v20 =	vadd.s32 v63, v11;
	v26 =	vld [tilespmem:s0+$0xFFFFFEE0];
	[tilespmem:v21+s17+$0x0] =	vst.idx.msk $0xffff, v7;
	v7 =	vmul.f32 $8.000000000e+00, v25  }
0x14a: {  	v25 =	vadd.s32 v57, v10;
	v27 =	vld [tilespmem:s0+$0xFFFFFF20];
	[tilespmem:v13+s17+$0x0] =	vst.idx.msk $0xffff, v14;
	v13 =	vmul.f32 $8.000000000e+00, v15  }
0x14b: {  	v15 =	vmul.f32 $8.000000000e+00, v17;
	v28 =	vld [tilespmem:s0+$0xFFFFFF60];
	[tilespmem:v18+s17+$0x0] =	vst.idx.msk $0xffff, v7  }
0x14c: {  	v17 =	vadd.s32 v51, v6;
	v18 =	vmul.f32 $8.000000000e+00, v23;
	v29 =	vld [tilespmem:s0+$0xFFFFFFA0];
	[tilespmem:v12+s17+$0x0] =	vst.idx.msk $0xffff, v13  }
0x14d: {  	v23 =	vadd.s32 v37, v4;
	[tilespmem:v22+s17+$0x0] =	vst.idx.msk $0xffff, v15;
	v13 =	vmul.f32 $8.000000000e+00, v24;
	v22 =	vld [tilespmem:s0+$0xFFFFFFF0]  }
0x14e: {  	v15 =	vadd.s32 v40, v5;
	v30 =	vld [tilespmem:s0+$0xFFFFFE30];
	[tilespmem:v20+s17+$0x0] =	vst.idx.msk $0xffff, v18  }
0x14f: {  	v18 =	vmul.f32 $8.000000000e+00, v26;
	v20 =	vadd.s32 v44, v3;
	v26 =	vld [tilespmem:s0+$0xFFFFFE70];
	[tilespmem:v25+s17+$0x0] =	vst.idx.msk $0xffff, v13  }
0x150: {  	s14 =	sadd.s32 $0x2, s1;
	v13 =	vmul.f32 $8.000000000e+00, v27;
	v25 =	vadd.s32 v47, v9;
	v31 =	vld [tilespmem:s0+$0xFFFFFEB0]  }
0x151: {  	v21 =	vmov s14;
	[tilespmem:v17+s17+$0x0] =	vst.idx.msk $0xffff, v18;
	v17 =	vmul.f32 $8.000000000e+00, v28;
	v18 =	vadd.s32 v34, v11;
	v34 =	vld [tilespmem:$0x1FCA0]  }
0x152: {  	s11 =	sadd.s32 $0x1, s1;
	v32 =	vadd.s32 v0, v10;
	v28 =	vshrl.u32 v21, $0x3;
	v21 =	vld [tilespmem:s0+$0xFFFFFEF0];
	[tilespmem:v23+s17+$0x0] =	vst.idx.msk $0xffff, v13;
	v23 =	vmul.f32 $8.000000000e+00, v29  }
0x153: {  	s15 =	sadd.s32 $0x3, s1;
	v19 =	vmov s11;
	v27 =	vadd.s32 v59, v8;
	v33 =	vld [tilespmem:s0+$0xFFFFFF30];
	[tilespmem:v15+s17+$0x0] =	vst.idx.msk $0xffff, v17;
	v15 =	vmul.f32 $8.000000000e+00, v22  }
0x154: {  	s11 =	sadd.s32 $0x4, s1;
	v16 =	vshll.u32 v16, v1;
	s14 =	sadd.s32 $0x5, s1;
	v19 =	vshrl.u32 v19, $0x3;
	v14 =	vmov s15;
	v55 =	vld [tilespmem:s0+$0xFFFFFF70];
	[tilespmem:v20+s17+$0x0] =	vst.idx.msk $0xffff, v23  }
0x155: {  	v7 =	vmov s11;
	v12 =	vmov s14;
	v56 =	vld [tilespmem:s0+$0xFFFFFFB0];
	[tilespmem:v25+s17+$0x0] =	vst.idx.msk $0xffff, v15;
	v15 =	vmul.f32 $8.000000000e+00, v31  }
0x156: {  	s15 =	sadd.s32 $0x6, s1;
	v13 =	vshrl.u32 v7, $0x3;
	v7 =	vmul.f32 $8.000000000e+00, v30;
	v30 =	vadd.s32 v48, v6;
	v31 =	vld [tilespmem:s0+$0x0]  }
0x157: {  	v24 =	vmov s15;
	v17 =	vmul.f32 $8.000000000e+00, v26;
	v26 =	vadd.s32 v38, v4;
	[tilespmem:v32+s17+$0x0] =	vst.idx.msk $0xffff, v15;
	v32 =	vld [tilespmem:$0x1FCB0]  }
0x158: {  	p1 =	slt.u32 s1, $0x78;
	v29 =	vshrl.u32 v14, $0x3;
	[tilespmem:v27+s17+$0x0] =	vst.idx.msk $0xffff, v7;
	v27 =	vadd.s32 v41, v5;
	v15 =	vshll.u32 v28, v1;
	v28 =	vld [tilespmem:$0x1FCE0]  }
.Ltmp2:
0x159: {  	v14 =	vshrl.u32 v12, $0x3;
	v12 =	vshrl.u32 v24, $0x3;
	v20 =	vld [tilespmem:s0+$0xFFFFFE40];
	[tilespmem:v18+s17+$0x0] =	vst.idx.msk $0xffff, v17;
	v25 =	vmul.f32 $8.000000000e+00, v21;
	(pc) =	sbr.rel @p1 .LBB2_7-.Ltmp2, $4  }
0x15a: {  	v23 =	vadd.s32 v2, v9;
	v7 =	vbroadcast v16, $0x0;
	v22 =	vld [tilespmem:s0+$0xFFFFFE80];
	v16 =	vmul.f32 $8.000000000e+00, v33  }
0x15b: {  	v21 =	vadd.s32 v45, v3;
	v17 =	vshll.u32 v19, v1;
	v24 =	vld [tilespmem:s0+$0xFFFFFEC0];
	[tilespmem:v30+s17+$0x0] =	vst.idx.msk $0xffff, v25;
	v9 =	vmul.f32 $8.000000000e+00, v55  }
0x15c: {  	v18 =	vadd.s32 v61, v8;
	v19 =	vld [tilespmem:s0+$0xFFFFFF00];
	[tilespmem:v26+s17+$0x0] =	vst.idx.msk $0xffff, v16;
	v8 =	vmul.f32 $8.000000000e+00, v56;
	v16 =	vshll.u32 v29, v1  }
0x15d: {  	s10 =	sadd.s32 $0x7, s1;
	s1 =	sadd.s32 $0x8, s1;
	v25 =	vld [tilespmem:s0+$0xFFFFFF40];
	[tilespmem:v27+s17+$0x0] =	vst.idx.msk $0xffff, v9;
	v9 =	vmul.f32 $8.000000000e+00, v31;
	v11 =	vadd.s32 v32, v11;
	v10 =	vadd.s32 v28, v10  }
0x15e: {  	_ =	sdelay $0x2  }
0x15f: {  	v26 =	vmov s10;
	v20 =	vmul.f32 $8.000000000e+00, v20;
	v6 =	vadd.s32 v49, v6  }
0x160: {  	v27 =	vld [tilespmem:s0+$0xFFFFFF80];
	[tilespmem:v21+s17+$0x0] =	vst.idx.msk $0xffff, v8;
	v4 =	vadd.s32 v53, v4;
	v5 =	vadd.s32 v52, v5;
	v56 =	vshrl.u32 v26, $0x3  }
0x161: {  	s11 =	sadd.s32 $0x200, s0;
	v3 =	vadd.s32 v50, v3;
	v26 =	vmul.f32 $8.000000000e+00, v22;
	v29 =	vld [tilespmem:s0+$0xFFFFFFC0];
	[tilespmem:v23+s17+$0x0] =	vst.idx.msk $0xffff, v9;
	v8 =	vshll.u32 v56, v1  }
0x162: {  	v13 =	vshll.u32 v13, v1;
	v31 =	vld [tilespmem:s11+$0xFFFFFFD0];
	v30 =	vmul.f32 $8.000000000e+00, v24;
	[tilespmem:v18+s17+$0x0] =	vst.idx.msk $0xffff, v20;
	v8 =	vbroadcast v8, $0x0  }
0x163: {  	v14 =	vshll.u32 v14, v1;
	v15 =	vbroadcast v15, $0x0;
	v24 =	vld [tilespmem:s11+$0xFFFFFE10];
	v19 =	vmul.f32 $8.000000000e+00, v19;
	[tilespmem:v11+s17+$0x0] =	vst.idx.msk $0xffff, v26  }
0x164: {  	v26 =	vld [tilespmem:s11+$0xFFFFFE50];
	v25 =	vmul.f32 $8.000000000e+00, v25;
	[tilespmem:v10+s17+$0x0] =	vst.idx.msk $0xffff, v30;
	v10 =	vbroadcast v17, $0x0;
	v17 =	vadd.s32 v43, v8  }
0x165: {  	v16 =	vbroadcast v16, $0x0;
	v33 =	vmul.f32 $8.000000000e+00, v27;
	[tilespmem:v6+s17+$0x0] =	vst.idx.msk $0xffff, v19;
	v43 =	vadd.s32 v54, v7;
	v54 =	vld [tilespmem:s11+$0xFFFFFE90]  }
0x166: {  	v12 =	vshll.u32 v12, v1;
	v56 =	vld [tilespmem:s11+$0xFFFFFED0];
	v22 =	vmul.f32 $8.000000000e+00, v29;
	[tilespmem:v4+s17+$0x0] =	vst.idx.msk $0xffff, v25;
	v55 =	vadd.s32 v62, v10  }
0x167: {  	v13 =	vbroadcast v13, $0x0;
	v62 =	vadd.s32 v35, v15;
	v29 =	vld [tilespmem:s11+$0xFFFFFF10];
	v18 =	vmul.f32 $8.000000000e+00, v31;
	[tilespmem:v5+s17+$0x0] =	vst.idx.msk $0xffff, v33  }
0x168: {  	v14 =	vbroadcast v14, $0x0;
	v30 =	vadd.s32 v60, v16;
	v31 =	vld [tilespmem:s11+$0xFFFFFF50];
	[tilespmem:v3+s17+$0x0] =	vst.idx.msk $0xffff, v22;
	v3 =	vmul.f32 $8.000000000e+00, v24  }
0x169: {  	v12 =	vbroadcast v12, $0x0;
	v35 =	vld [tilespmem:s11+$0xFFFFFF90];
	v33 =	vadd.s32 v36, v13;
	v9 =	vmul.f32 $8.000000000e+00, v26;
	[tilespmem:v17+s17+$0x0] =	vst.idx.msk $0xffff, v18  }
0x16a: {  	v36 =	vadd.s32 v39, v14;
	[tilespmem:v43+s17+$0x0] =	vst.idx.msk $0xffff, v3;
	v3 =	vmul.f32 $8.000000000e+00, v54;
	v17 =	vld [tilespmem:s11+$0xFFFFFFE0]  }
0x16b: {  	v43 =	vmul.f32 $8.000000000e+00, v56;
	v54 =	vadd.s32 v42, v12;
	v39 =	vld [tilespmem:s11+$0xFFFFFE20];
	[tilespmem:v55+s17+$0x0] =	vst.idx.msk $0xffff, v9  }
0x16c: {  	v56 =	vadd.s32 v46, v8;
	v55 =	vld [tilespmem:s11+$0xFFFFFE60];
	[tilespmem:v62+s17+$0x0] =	vst.idx.msk $0xffff, v3;
	v3 =	vmul.f32 $8.000000000e+00, v29  }
0x16d: {  	v58 =	vadd.s32 v58, v7;
	[tilespmem:v30+s17+$0x0] =	vst.idx.msk $0xffff, v43;
	v62 =	vmul.f32 $8.000000000e+00, v31;
	v60 =	vld [tilespmem:s11+$0xFFFFFEA0]  }
0x16e: {  	v29 =	vadd.s32 v63, v10;
	v30 =	vld [tilespmem:s11+$0xFFFFFEE0];
	[tilespmem:v33+s17+$0x0] =	vst.idx.msk $0xffff, v3;
	v3 =	vmul.f32 $8.000000000e+00, v35  }
0x16f: {  	v31 =	vadd.s32 v57, v15;
	[tilespmem:v36+s17+$0x0] =	vst.idx.msk $0xffff, v62;
	v33 =	vld [tilespmem:s11+$0xFFFFFF20];
	v35 =	vmul.f32 $8.000000000e+00, v17  }
0x170: {  	v42 =	vld [tilespmem:s11+$0xFFFFFF60];
	v36 =	vmul.f32 $8.000000000e+00, v39;
	v39 =	vadd.s32 v51, v16;
	[tilespmem:v54+s17+$0x0] =	vst.idx.msk $0xffff, v3  }
0x171: {  	v43 =	vadd.s32 v37, v13;
	v3 =	vmul.f32 $8.000000000e+00, v55;
	v46 =	vld [tilespmem:s11+$0xFFFFFFA0];
	[tilespmem:v56+s17+$0x0] =	vst.idx.msk $0xffff, v35  }
0x172: {  	v54 =	vadd.s32 v40, v14;
	[tilespmem:v58+s17+$0x0] =	vst.idx.msk $0xffff, v36;
	v51 =	vmul.f32 $8.000000000e+00, v60;
	v55 =	vld [tilespmem:s11+$0xFFFFFFF0]  }
0x173: {  	v56 =	vadd.s32 v44, v12;
	v20 =	vld [tilespmem:s11+$0xFFFFFE30];
	[tilespmem:v29+s17+$0x0] =	vst.idx.msk $0xffff, v3;
	v3 =	vmul.f32 $8.000000000e+00, v30  }
0x174: {  	v60 =	vadd.s32 v47, v8;
	v57 =	vld [tilespmem:s11+$0xFFFFFE70];
	[tilespmem:v31+s17+$0x0] =	vst.idx.msk $0xffff, v51;
	v58 =	vmul.f32 $8.000000000e+00, v33  }
0x175: {  	v62 =	vadd.s32 v59, v7;
	v63 =	vld [tilespmem:s11+$0xFFFFFEB0];
	[tilespmem:v39+s17+$0x0] =	vst.idx.msk $0xffff, v3;
	v3 =	vmul.f32 $8.000000000e+00, v42  }
0x176: {  	v29 =	vadd.s32 v34, v10;
	v30 =	vld [tilespmem:s11+$0xFFFFFEF0];
	[tilespmem:v43+s17+$0x0] =	vst.idx.msk $0xffff, v58;
	v31 =	vmul.f32 $8.000000000e+00, v46  }
0x177: {  	v33 =	vadd.s32 v0, v15;
	v34 =	vld [tilespmem:s11+$0xFFFFFF30];
	[tilespmem:v54+s17+$0x0] =	vst.idx.msk $0xffff, v3;
	v3 =	vmul.f32 $8.000000000e+00, v55  }
0x178: {  	v36 =	vadd.s32 v48, v16;
	v35 =	vmul.f32 $8.000000000e+00, v20;
	v37 =	vld [tilespmem:s11+$0xFFFFFF70];
	[tilespmem:v56+s17+$0x0] =	vst.idx.msk $0xffff, v31  }
0x179: {  	v40 =	vadd.s32 v38, v13;
	v39 =	vmul.f32 $8.000000000e+00, v57;
	v42 =	vld [tilespmem:s11+$0xFFFFFFB0];
	[tilespmem:v60+s17+$0x0] =	vst.idx.msk $0xffff, v3  }
0x17a: {  	v43 =	vadd.s32 v41, v14;
	[tilespmem:v62+s17+$0x0] =	vst.idx.msk $0xffff, v35;
	v3 =	vmul.f32 $8.000000000e+00, v63;
	v22 =	vld [tilespmem:s11+$0x0]  }
0x17b: {  	v46 =	vadd.s32 v45, v12;
	v23 =	vld [tilespmem:s11+$0xFFFFFE40];
	[tilespmem:v29+s17+$0x0] =	vst.idx.msk $0xffff, v39;
	v44 =	vmul.f32 $8.000000000e+00, v30  }
0x17c: {  	v2 =	vadd.s32 v2, v8;
	v47 =	vld [tilespmem:s11+$0xFFFFFE80];
	[tilespmem:v33+s17+$0x0] =	vst.idx.msk $0xffff, v3;
	v3 =	vmul.f32 $8.000000000e+00, v34  }
0x17d: {  	v48 =	vadd.s32 v61, v7;
	v51 =	vld [tilespmem:s11+$0xFFFFFEC0];
	[tilespmem:v36+s17+$0x0] =	vst.idx.msk $0xffff, v44;
	v54 =	vmul.f32 $8.000000000e+00, v37  }
0x17e: {  	v55 =	vadd.s32 v32, v10;
	v56 =	vld [tilespmem:s11+$0xFFFFFF00];
	[tilespmem:v40+s17+$0x0] =	vst.idx.msk $0xffff, v3;
	v3 =	vmul.f32 $8.000000000e+00, v42  }
0x17f: {  	v57 =	vadd.s32 v28, v15;
	v11 =	vld [tilespmem:s11+$0xFFFFFF40];
	[tilespmem:v43+s17+$0x0] =	vst.idx.msk $0xffff, v54;
	v58 =	vmul.f32 $8.000000000e+00, v22  }
0x180: {  	v60 =	vadd.s32 v49, v16;
	v59 =	vmul.f32 $8.000000000e+00, v23;
	v61 =	vld [tilespmem:s11+$0xFFFFFF80];
	[tilespmem:v46+s17+$0x0] =	vst.idx.msk $0xffff, v3  }
0x181: {  	v13 =	vadd.s32 v53, v13;
	v3 =	vmul.f32 $8.000000000e+00, v47;
	v17 =	vld [tilespmem:s11+$0xFFFFFFC0];
	[tilespmem:v2+s17+$0x0] =	vst.idx.msk $0xffff, v58  }
0x182: {  	v62 =	vadd.s32 v52, v14;
	[tilespmem:v48+s17+$0x0] =	vst.idx.msk $0xffff, v59;
	v2 =	vmul.f32 $8.000000000e+00, v51  }
0x183: {  	v63 =	vadd.s32 v50, v12;
	[tilespmem:v55+s17+$0x0] =	vst.idx.msk $0xffff, v3;
	v3 =	vmul.f32 $8.000000000e+00, v56  }
0x184: {  	[tilespmem:v57+s17+$0x0] =	vst.idx.msk $0xffff, v2;
	v2 =	vmul.f32 $8.000000000e+00, v11  }
0x185: {  	[tilespmem:v60+s17+$0x0] =	vst.idx.msk $0xffff, v3;
	v3 =	vmul.f32 $8.000000000e+00, v61  }
0x186: {  	[tilespmem:v13+s17+$0x0] =	vst.idx.msk $0xffff, v2;
	v2 =	vmul.f32 $8.000000000e+00, v17  }
0x187: {  	[tilespmem:v62+s17+$0x0] =	vst.idx.msk $0xffff, v3  }
0x188: {  	s0 =	simm.s32 @!p0 $0x8;
	[tilespmem:v63+s17+$0x0] =	vst.idx.msk $0xffff, v2  }
0x189: {  	_ =	swait.ge @!p0 [sflag:s0], $0x2000  }
0x18a: {  	[sflag:s0] =	ssyncset.done @!p0 $0x0  }
0x18b: {  	s14 =	sadd.s32 $0x180, s30;
	[sflag:s0] =	ssyncadd.s32 @!p0 $0xFFFFE000  }
0x18c: {  	[tilespmem:s20], [sflag:$0x4] =	stream.indirect.gather [hbm4b:s3+s13], $0x40, s14, s13, $0xb8;
	[tilespmem:$0x16C00] =	vst v63  }
0x18d: {  	s1 =	sadd.s32 s31, s6;
	s15 =	simm.s32 $0x10600  }
0x18e: {  	[hbm4b:s1+s2] =	stream.linear.scatter [tilespmem:s15], [sflag:$0x6], $0x80, $0x38;
	[tilespmem:$0x16C00] =	vst v63  }
0x18f: {  	s10 =	simm.s32 $0x10688;
	s11 =	sadd.s32 $0x10, s1  }
0x190: {  	[hbm4b:s11+s2] =	stream.linear.scatter [tilespmem:s10], [sflag:$0x6], $0x80, $0x38;
	[tilespmem:$0x16C00] =	vst v63  }
0x191: {  	s14 =	simm.s32 $0x10710;
	s15 =	sadd.s32 $0x20, s1  }
0x192: {  	[hbm4b:s15+s2] =	stream.linear.scatter [tilespmem:s14], [sflag:$0x6], $0x80, $0x38;
	[tilespmem:$0x16C00] =	vst v63  }
0x193: {  	s10 =	simm.s32 $0x10798;
	s11 =	sadd.s32 $0x30, s1  }
0x194: {  	[hbm4b:s11+s2] =	stream.linear.scatter [tilespmem:s10], [sflag:$0x6], $0x80, $0x38;
	[tilespmem:$0x16C00] =	vst v63  }
0x195: {  	s14 =	simm.s32 $0x10820;
	s15 =	sadd.s32 $0x40, s1  }
0x196: {  	[hbm4b:s15+s2] =	stream.linear.scatter [tilespmem:s14], [sflag:$0x6], $0x80, $0x38;
	[tilespmem:$0x16C00] =	vst v63  }
0x197: {  	s0 =	simm.s32 $0x440;
	s10 =	simm.s32 $0x108A8;
	s11 =	sadd.s32 $0x50, s1  }
0x198: {  	[hbm4b:s11+s2] =	stream.linear.scatter [tilespmem:s10], [sflag:$0x6], $0x80, $0x38;
	[tilespmem:$0x16C00] =	vst v63  }
0x199: {  	s14 =	simm.s32 $0x10930;
	s15 =	sadd.s32 $0x60, s1;
	s10 =	simm.s32 $0x2200  }
0x19a: {  	[hbm4b:s15+s2] =	stream.linear.scatter [tilespmem:s14], [sflag:$0x6], $0x80, $0x38;
	[tilespmem:$0x16C00] =	vst v63  }
0x19b: {  	s11 =	simm.s32 $0x109B8;
	s14 =	sadd.s32 $0x70, s1;
	s1 =	sadd.s32 $0x4000, s1  }
.LBB2_9:
0x19c: {  	[hbm4b:s14+s2] =	stream.linear.scatter [tilespmem:s11], [sflag:$0x6], $0x80, $0x38;
	[tilespmem:$0x16C00] =	vst v63  }
0x19d: {  	s11 =	smov.u32 s0;
	s0 =	smov.u32 s10  }
0x19e: {  	s15 =	sadd.s32 $0x1100, s10;
	s0 =	sshra.s32 s0, $0x2;
	s14 =	sadd.s32 $0x10600, s11  }
0x19f: {  	[hbm4b:s1+s2] =	stream.linear.scatter [tilespmem:s14], [sflag:$0x6], $0x80, $0x38;
	[tilespmem:$0x16C00] =	vst v63  }
0x1a0: {  	p0 =	sne.s32 s10, $0x7700;
	s10 =	sadd.s32 $0x10688, s11;
	s14 =	sadd.s32 $0x10, s1  }
0x1a1: {  	[hbm4b:s14+s2] =	stream.linear.scatter [tilespmem:s10], [sflag:$0x6], $0x80, $0x38;
	[tilespmem:$0x16C00] =	vst v63  }
0x1a2: {  	s10 =	sadd.s32 $0x10710, s11;
	s14 =	sadd.s32 $0x20, s1  }
0x1a3: {  	[hbm4b:s14+s2] =	stream.linear.scatter [tilespmem:s10], [sflag:$0x6], $0x80, $0x38;
	[tilespmem:$0x16C00] =	vst v63  }
0x1a4: {  	s10 =	sadd.s32 $0x10798, s11;
	s14 =	sadd.s32 $0x30, s1  }
0x1a5: {  	[hbm4b:s14+s2] =	stream.linear.scatter [tilespmem:s10], [sflag:$0x6], $0x80, $0x38;
	[tilespmem:$0x16C00] =	vst v63  }
0x1a6: {  	s10 =	sadd.s32 $0x10820, s11;
	s14 =	sadd.s32 $0x40, s1  }
0x1a7: {  	[hbm4b:s14+s2] =	stream.linear.scatter [tilespmem:s10], [sflag:$0x6], $0x80, $0x38;
	[tilespmem:$0x16C00] =	vst v63  }
.Ltmp3:
0x1a8: {  	s10 =	sadd.s32 $0x108A8, s11;
	s14 =	sadd.s32 $0x50, s1;
	(pc) =	sbr.rel @p0 .LBB2_9-.Ltmp3, $4  }
0x1a9: {  	[hbm4b:s14+s2] =	stream.linear.scatter [tilespmem:s10], [sflag:$0x6], $0x80, $0x38;
	[tilespmem:$0x16C00] =	vst v63  }
0x1aa: {  	s10 =	sadd.s32 $0x10930, s11;
	s14 =	sadd.s32 $0x60, s1;
	s11 =	sadd.s32 $0x109B8, s11  }
0x1ab: {  	[hbm4b:s14+s2] =	stream.linear.scatter [tilespmem:s10], [sflag:$0x6], $0x80, $0x38;
	[tilespmem:$0x16C00] =	vst v63  }
0x1ac: {  	s14 =	sadd.s32 $0x70, s1;
	s1 =	sadd.s32 $0x4000, s1;
	s10 =	smov.u32 s15  }
0x1ad: {  	[hbm4b:s14+s2] =	stream.linear.scatter [tilespmem:s11], [sflag:$0x6], $0x80, $0x38;
	[tilespmem:$0x16C00] =	vst v63  }
0x1ae: {  	s10 =	sadd.s32 $0x10600, s0  }
0x1af: {  	[hbm4b:s1+s2] =	stream.linear.scatter [tilespmem:s10], [sflag:$0x6], $0x80, $0x38;
	[tilespmem:$0x16C00] =	vst v63  }
0x1b0: {  	s14 =	sadd.s32 $0x10688, s0;
	s15 =	sadd.s32 $0x10, s1  }
0x1b1: {  	[hbm4b:s15+s2] =	stream.linear.scatter [tilespmem:s14], [sflag:$0x6], $0x80, $0x38;
	[tilespmem:$0x16C00] =	vst v63  }
0x1b2: {  	s14 =	sadd.s32 $0x10710, s0;
	s15 =	sadd.s32 $0x20, s1  }
0x1b3: {  	[hbm4b:s15+s2] =	stream.linear.scatter [tilespmem:s14], [sflag:$0x6], $0x80, $0x38;
	[tilespmem:$0x16C00] =	vst v63  }
0x1b4: {  	s14 =	sadd.s32 $0x10798, s0;
	s15 =	sadd.s32 $0x30, s1  }
0x1b5: {  	[hbm4b:s15+s2] =	stream.linear.scatter [tilespmem:s14], [sflag:$0x6], $0x80, $0x38;
	[tilespmem:$0x16C00] =	vst v63  }
0x1b6: {  	s11 =	simm.s32 $0x2;
	s14 =	sadd.s32 $0x10820, s0;
	s15 =	sadd.s32 $0x40, s1  }
0x1b7: {  	[hbm4b:s15+s2] =	stream.linear.scatter [tilespmem:s14], [sflag:$0x6], $0x80, $0x38;
	[tilespmem:$0x16C00] =	vst v63  }
0x1b8: {  	v10 =	vmov s11;
	s11 =	simm.s32 $0x6;
	s14 =	sadd.s32 $0x108A8, s0;
	s15 =	sadd.s32 $0x50, s1  }
0x1b9: {  	v0 =	vld [tilespmem:$0x1FF10];
	[hbm4b:s15+s2] =	stream.linear.scatter [tilespmem:s14], [sflag:$0x6], $0x80, $0x38  }
0x1ba: {  	s10 =	simm.s32 $0x1;
	s14 =	sadd.s32 $0x10930, s0;
	s15 =	sadd.s32 $0x60, s1  }
0x1bb: {  	v14 =	vmov s11;
	v10 =	vshrl.u32 v10, $0x3;
	[hbm4b:s15+s2] =	stream.linear.scatter [tilespmem:s14], [sflag:$0x6], $0x80, $0x38;
	[tilespmem:$0x16C00] =	vst v63  }
0x1bc: {  	v9 =	vmov s10;
	s10 =	simm.s32 $0x5;
	v14 =	vshrl.u32 v14, $0x3;
	v10 =	vshll.u32 v10, v1;
	s14 =	sadd.s32 $0x109B8, s0;
	s15 =	sadd.s32 $0x70, s1  }
0x1bd: {  	v13 =	vmov s10;
	v9 =	vshrl.u32 v9, $0x3;
	v47 =	vbroadcast v10, $0x0;
	[hbm4b:s15+s2] =	stream.linear.scatter [tilespmem:s14], [sflag:$0x6], $0x80, $0x38;
	[tilespmem:$0x16C00] =	vst v63  }
0x1be: {  	v7 =	vadd.s32 $0x4400, v0;
	v6 =	vadd.s32 $0x4401, v0;
	v5 =	vadd.s32 $0x4402, v0;
	s14 =	simm.s32 $0x3  }
0x1bf: {  	v4 =	vadd.s32 $0x4403, v0;
	v2 =	vadd.s32 $0x4404, v0;
	v11 =	vmov s14;
	s14 =	simm.s32 $0x7  }
0x1c0: {  	v13 =	vshrl.u32 v13, $0x3;
	v9 =	vshll.u32 v9, v1;
	s1 =	simm.s32 $0x0;
	_ =	swait.ge [sflag:s21], $0x2000;
	v15 =	vmov s14  }
0x1c1: {  	v46 =	vbroadcast v9, $0x0;
	v3 =	vmov s1;
	[sflag:s21] =	ssyncset.done $0x0;
	v15 =	vshrl.u32 v15, $0x3  }
0x1c2: {  	v10 =	vshll.u32 v13, v1;
	s0 =	simm.s32 $0xA5F0;
	v8 =	vshrl.u32 v3, $0x3;
	s15 =	simm.s32 $0x4;
	[sflag:s21] =	ssyncadd.s32 $0xFFFFE000;
	v15 =	vshll.u32 v15, v1  }
0x1c3: {  	v12 =	vmov s15;
	v8 =	vshll.u32 v8, v1;
	v16 =	vld [tilespmem:s0+$0xFFFFFFD0];
	v45 =	vbroadcast v15, $0x0  }
0x1c4: {  	v12 =	vshrl.u32 v12, $0x3;
	v33 =	vbroadcast v8, $0x0;
	v8 =	vadd.s32 $0x4407, v0;
	v15 =	vld [tilespmem:s0+$0xFFFFFE10]  }
0x1c5: {  	v11 =	vshrl.u32 v11, $0x3;
	v9 =	vshll.u32 v12, v1;
	v17 =	vld [tilespmem:s0+$0xFFFFFE50];
	v12 =	vadd.s32 v8, v45  }
0x1c6: {  	v42 =	vbroadcast v10, $0x0;
	v11 =	vshll.u32 v11, v1;
	v18 =	vadd.s32 v7, v33;
	v19 =	vld [tilespmem:s0+$0xFFFFFE90]  }
0x1c7: {  	v13 =	vadd.s32 v6, v46;
	v20 =	vld [tilespmem:s0+$0xFFFFFED0];
	v44 =	vbroadcast v11, $0x0;
	v11 =	vshll.u32 v14, v1  }
0x1c8: {  	v14 =	vadd.s32 v5, v47;
	v21 =	vld [tilespmem:s0+$0xFFFFFF10];
	v34 =	vbroadcast v9, $0x0;
	v9 =	vmul.f32 $8.000000000e+00, v16  }
0x1c9: {  	v3 =	vadd.s32 $0x4405, v0;
	v22 =	vld [tilespmem:s0+$0xFFFFFF50];
	v16 =	vadd.s32 v4, v44;
	v15 =	vmul.f32 $8.000000000e+00, v15  }
0x1ca: {  	v23 =	vld [tilespmem:s0+$0xFFFFFF90];
	v43 =	vbroadcast v11, $0x0;
	v10 =	vmul.f32 $8.000000000e+00, v17;
	v17 =	vadd.s32 v2, v34;
	[tilespmem:v12+s17+$0x0] =	vst.idx.msk $0xffff, v9  }
0x1cb: {  	[tilespmem:v18+s17+$0x0] =	vst.idx.msk $0xffff, v15;
	v12 =	vmul.f32 $8.000000000e+00, v19;
	v15 =	vadd.s32 v3, v42;
	v9 =	vadd.s32 $0x4406, v0;
	v18 =	vld [tilespmem:s0+$0xFFFFFFE0]  }
0x1cc: {  	[tilespmem:v13+s17+$0x0] =	vst.idx.msk $0xffff, v10;
	v13 =	vmul.f32 $8.000000000e+00, v20;
	v10 =	vadd.s32 $0x4C87, v0;
	v19 =	vld [tilespmem:s0+$0xFFFFFE20];
	v20 =	vadd.s32 v9, v43  }
0x1cd: {  	v11 =	vadd.s32 $0x4C80, v0;
	v24 =	vld [tilespmem:s0+$0xFFFFFE60];
	[tilespmem:v14+s17+$0x0] =	vst.idx.msk $0xffff, v12;
	v14 =	vmul.f32 $8.000000000e+00, v21;
	v21 =	vadd.s32 v10, v45  }
0x1ce: {  	v25 =	vadd.s32 v11, v33;
	v12 =	vadd.s32 $0x4C81, v0;
	[tilespmem:v16+s17+$0x0] =	vst.idx.msk $0xffff, v13;
	v16 =	vmul.f32 $8.000000000e+00, v22;
	v26 =	vld [tilespmem:s0+$0xFFFFFEA0]  }
0x1cf: {  	v13 =	vadd.s32 $0x4C82, v0;
	v22 =	vadd.s32 v12, v46;
	v27 =	vld [tilespmem:s0+$0xFFFFFEE0];
	[tilespmem:v17+s17+$0x0] =	vst.idx.msk $0xffff, v14;
	v17 =	vmul.f32 $8.000000000e+00, v23  }
0x1d0: {  	v23 =	vadd.s32 v13, v47;
	v14 =	vadd.s32 $0x4C83, v0;
	v36 =	vld [tilespmem:s0+$0xFFFFFF20];
	[tilespmem:v15+s17+$0x0] =	vst.idx.msk $0xffff, v16;
	v18 =	vmul.f32 $8.000000000e+00, v18  }
0x1d1: {  	v37 =	vadd.s32 v14, v44;
	v15 =	vadd.s32 $0x4C84, v0;
	v19 =	vmul.f32 $8.000000000e+00, v19;
	v38 =	vld [tilespmem:s0+$0xFFFFFF60];
	[tilespmem:v20+s17+$0x0] =	vst.idx.msk $0xffff, v17  }
0x1d2: {  	v16 =	vadd.s32 $0x4C85, v0;
	v20 =	vmul.f32 $8.000000000e+00, v24;
	v30 =	vadd.s32 v15, v34;
	v39 =	vld [tilespmem:s0+$0xFFFFFFA0];
	[tilespmem:v21+s17+$0x0] =	vst.idx.msk $0xffff, v18  }
0x1d3: {  	v24 =	vadd.s32 v16, v42;
	v17 =	vadd.s32 $0x4C86, v0;
	[tilespmem:v25+s17+$0x0] =	vst.idx.msk $0xffff, v19;
	v21 =	vmul.f32 $8.000000000e+00, v26;
	v26 =	vld [tilespmem:s0+$0xFFFFFFF0]  }
0x1d4: {  	v29 =	vadd.s32 v17, v43;
	[tilespmem:v22+s17+$0x0] =	vst.idx.msk $0xffff, v20;
	v22 =	vmul.f32 $8.000000000e+00, v27;
	v18 =	vadd.s32 $0x5507, v0;
	v40 =	vld [tilespmem:s0+$0xFFFFFE30]  }
0x1d5: {  	v19 =	vadd.s32 $0x5500, v0;
	v41 =	vld [tilespmem:s0+$0xFFFFFE70];
	v61 =	vadd.s32 v18, v45;
	[tilespmem:v23+s17+$0x0] =	vst.idx.msk $0xffff, v21;
	v23 =	vmul.f32 $8.000000000e+00, v36  }
0x1d6: {  	v20 =	vadd.s32 $0x5501, v0;
	v27 =	vadd.s32 v19, v33;
	[tilespmem:v37+s17+$0x0] =	vst.idx.msk $0xffff, v22;
	v25 =	vld [tilespmem:s0+$0xFFFFFEB0];
	v62 =	vmul.f32 $8.000000000e+00, v38  }
0x1d7: {  	v63 =	vadd.s32 v20, v46;
	v21 =	vadd.s32 $0x5502, v0;
	v28 =	vld [tilespmem:s0+$0xFFFFFEF0];
	[tilespmem:v30+s17+$0x0] =	vst.idx.msk $0xffff, v23;
	v30 =	vmul.f32 $8.000000000e+00, v39  }
0x1d8: {  	v22 =	vadd.s32 $0x5503, v0;
	v52 =	vadd.s32 v21, v47;
	v35 =	vld [tilespmem:s0+$0xFFFFFF30];
	[tilespmem:v24+s17+$0x0] =	vst.idx.msk $0xffff, v62;
	v26 =	vmul.f32 $8.000000000e+00, v26  }
0x1d9: {  	v48 =	vadd.s32 v22, v44;
	v23 =	vadd.s32 $0x5504, v0;
	v53 =	vmul.f32 $8.000000000e+00, v40;
	v54 =	vld [tilespmem:s0+$0xFFFFFF70];
	[tilespmem:v29+s17+$0x0] =	vst.idx.msk $0xffff, v30  }
0x1da: {  	v24 =	vadd.s32 $0x5505, v0;
	v29 =	vmul.f32 $8.000000000e+00, v41;
	v30 =	vadd.s32 v23, v34;
	v55 =	vld [tilespmem:s0+$0xFFFFFFB0];
	[tilespmem:v61+s17+$0x0] =	vst.idx.msk $0xffff, v26  }
0x1db: {  	v57 =	vadd.s32 v24, v42;
	[tilespmem:v27+s17+$0x0] =	vst.idx.msk $0xffff, v53;
	v56 =	vmul.f32 $8.000000000e+00, v25;
	v25 =	vadd.s32 $0x5506, v0;
	v31 =	vld [tilespmem:s0+$0x0]  }
0x1dc: {  	[tilespmem:v63+s17+$0x0] =	vst.idx.msk $0xffff, v29;
	v29 =	vmul.f32 $8.000000000e+00, v28;
	v26 =	vadd.s32 $0x5D87, v0;
	v50 =	vld [tilespmem:s0+$0xFFFFFE40];
	v49 =	vadd.s32 v25, v43  }
0x1dd: {  	v27 =	vadd.s32 $0x5D80, v0;
	v32 =	vld [tilespmem:s0+$0xFFFFFE80];
	v58 =	vadd.s32 v26, v45;
	[tilespmem:v52+s17+$0x0] =	vst.idx.msk $0xffff, v56;
	v35 =	vmul.f32 $8.000000000e+00, v35  }
0x1de: {  	v28 =	vadd.s32 $0x5D81, v0;
	v59 =	vadd.s32 v27, v33;
	[tilespmem:v48+s17+$0x0] =	vst.idx.msk $0xffff, v29;
	v51 =	vld [tilespmem:s0+$0xFFFFFEC0];
	v40 =	vmul.f32 $8.000000000e+00, v54  }
0x1df: {  	v46 =	vadd.s32 v28, v46;
	v29 =	vadd.s32 $0x5D82, v0;
	v48 =	vld [tilespmem:s0+$0xFFFFFF00];
	[tilespmem:v30+s17+$0x0] =	vst.idx.msk $0xffff, v35;
	v60 =	vmul.f32 $8.000000000e+00, v55  }
0x1e0: {  	v47 =	vadd.s32 v29, v47;
	v30 =	vadd.s32 $0x5D83, v0;
	v52 =	vld [tilespmem:s0+$0xFFFFFF40];
	[tilespmem:v57+s17+$0x0] =	vst.idx.msk $0xffff, v40;
	v61 =	vmul.f32 $8.000000000e+00, v31  }
0x1e1: {  	v63 =	vadd.s32 v30, v44;
	v62 =	vmul.f32 $8.000000000e+00, v50;
	v31 =	vadd.s32 $0x5D84, v0;
	v37 =	vld [tilespmem:s0+$0xFFFFFF80];
	[tilespmem:v49+s17+$0x0] =	vst.idx.msk $0xffff, v60  }
0x1e2: {  	v50 =	vmul.f32 $8.000000000e+00, v32;
	v32 =	vadd.s32 $0x5D85, v0;
	v53 =	vadd.s32 v31, v34;
	v54 =	vld [tilespmem:s0+$0xFFFFFFC0];
	[tilespmem:v58+s17+$0x0] =	vst.idx.msk $0xffff, v61  }
0x1e3: {  	v33 =	vadd.s32 $0x5D86, v0;
	v56 =	vadd.s32 v32, v42;
	[tilespmem:v59+s17+$0x0] =	vst.idx.msk $0xffff, v62;
	v55 =	vmul.f32 $8.000000000e+00, v51  }
0x1e4: {  	[tilespmem:v46+s17+$0x0] =	vst.idx.msk $0xffff, v50;
	v57 =	vmul.f32 $8.000000000e+00, v48;
	v58 =	vadd.s32 v33, v43  }
0x1e5: {  	s11 =	simm.s32 $0xA;
	[tilespmem:v47+s17+$0x0] =	vst.idx.msk $0xffff, v55;
	v59 =	vmul.f32 $8.000000000e+00, v52  }
0x1e6: {  	s10 =	simm.s32 $0x9;
	s15 =	simm.s32 $0x8;
	v38 =	vmov s11;
	[tilespmem:v63+s17+$0x0] =	vst.idx.msk $0xffff, v57;
	v60 =	vmul.f32 $8.000000000e+00, v37  }
0x1e7: {  	s14 =	simm.s32 $0xB;
	v34 =	vmov s10;
	v61 =	vmov s15;
	s15 =	simm.s32 $0xC;
	[tilespmem:v53+s17+$0x0] =	vst.idx.msk $0xffff, v59;
	v62 =	vmul.f32 $8.000000000e+00, v54  }
0x1e8: {  	v36 =	vmov s15;
	s15 =	simm.s32 $0xE;
	v63 =	vshrl.u32 v61, $0x3;
	v37 =	vmov s14;
	s14 =	simm.s32 $0xD;
	[tilespmem:v56+s17+$0x0] =	vst.idx.msk $0xffff, v60  }
0x1e9: {  	s1 =	simm.s32 $0x10;
	s10 =	simm.s32 $0xF;
	v39 =	vmov s15;
	v35 =	vshll.u32 v63, v1;
	v40 =	vmov s14;
	[tilespmem:v58+s17+$0x0] =	vst.idx.msk $0xffff, v62  }
.LBB2_11:
0x1ea: {  	p0 =	slt.u32 s1, $0x78;
	v41 =	vshrl.u32 v34, $0x3;
	v38 =	vshrl.u32 v38, $0x3;
	v34 =	vmov s10  }
0x1eb: {  	v37 =	vshrl.u32 v37, $0x3;
	v36 =	vshrl.u32 v36, $0x3;
	v34 =	vshrl.u32 v34, $0x3  }
0x1ec: {  	v42 =	vshrl.u32 v40, $0x3;
	v43 =	vshrl.u32 v39, $0x3;
	s0 =	sadd.s32 $0x200, s0;
	v39 =	vshll.u32 v34, v1  }
0x1ed: {  	v34 =	vbroadcast v35, $0x0;
	v35 =	vshll.u32 v41, v1;
	v41 =	vld [tilespmem:s0+$0xFFFFFFD0];
	v39 =	vbroadcast v39, $0x0  }
0x1ee: {  	v38 =	vshll.u32 v38, v1;
	v37 =	vshll.u32 v37, v1;
	v44 =	vld [tilespmem:s0+$0xFFFFFE10]  }
0x1ef: {  	v46 =	vshll.u32 v36, v1;
	v35 =	vbroadcast v35, $0x0;
	v45 =	vld [tilespmem:s0+$0xFFFFFE50];
	v47 =	vadd.s32 v8, v39  }
0x1f0: {  	v40 =	vbroadcast v38, $0x0;
	v38 =	vshll.u32 v42, v1;
	v48 =	vadd.s32 v7, v34;
	v49 =	vld [tilespmem:s0+$0xFFFFFE90]  }
0x1f1: {  	v43 =	vshll.u32 v43, v1;
	v36 =	vbroadcast v37, $0x0;
	v42 =	vadd.s32 v6, v35;
	v50 =	vld [tilespmem:s0+$0xFFFFFED0]  }
0x1f2: {  	v37 =	vbroadcast v46, $0x0;
	v51 =	vadd.s32 v5, v40;
	v52 =	vld [tilespmem:s0+$0xFFFFFF10];
	v46 =	vmul.f32 $8.000000000e+00, v41  }
0x1f3: {  	v38 =	vbroadcast v38, $0x0;
	v53 =	vadd.s32 v4, v36;
	v44 =	vmul.f32 $8.000000000e+00, v44;
	v54 =	vld [tilespmem:s0+$0xFFFFFF50]  }
0x1f4: {  	v55 =	vadd.s32 v2, v37;
	v41 =	vbroadcast v43, $0x0;
	v45 =	vmul.f32 $8.000000000e+00, v45;
	v56 =	vld [tilespmem:s0+$0xFFFFFF90];
	[tilespmem:v47+s17+$0x0] =	vst.idx.msk $0xffff, v46  }
0x1f5: {  	[tilespmem:v48+s17+$0x0] =	vst.idx.msk $0xffff, v44;
	v43 =	vmul.f32 $8.000000000e+00, v49;
	v44 =	vadd.s32 v3, v38;
	v46 =	vld [tilespmem:s0+$0xFFFFFFE0]  }
0x1f6: {  	v47 =	vld [tilespmem:s0+$0xFFFFFE20];
	[tilespmem:v42+s17+$0x0] =	vst.idx.msk $0xffff, v45;
	v42 =	vmul.f32 $8.000000000e+00, v50;
	v45 =	vadd.s32 v9, v41  }
0x1f7: {  	v49 =	vadd.s32 v10, v39;
	v48 =	vld [tilespmem:s0+$0xFFFFFE60];
	[tilespmem:v51+s17+$0x0] =	vst.idx.msk $0xffff, v43;
	v43 =	vmul.f32 $8.000000000e+00, v52  }
0x1f8: {  	v50 =	vadd.s32 v11, v34;
	v51 =	vld [tilespmem:s0+$0xFFFFFEA0];
	[tilespmem:v53+s17+$0x0] =	vst.idx.msk $0xffff, v42;
	v42 =	vmul.f32 $8.000000000e+00, v54  }
0x1f9: {  	v52 =	vadd.s32 v12, v35;
	v53 =	vld [tilespmem:s0+$0xFFFFFEE0];
	[tilespmem:v55+s17+$0x0] =	vst.idx.msk $0xffff, v43;
	v43 =	vmul.f32 $8.000000000e+00, v56  }
0x1fa: {  	v54 =	vadd.s32 v13, v40;
	v55 =	vld [tilespmem:s0+$0xFFFFFF20];
	[tilespmem:v44+s17+$0x0] =	vst.idx.msk $0xffff, v42;
	v42 =	vmul.f32 $8.000000000e+00, v46  }
0x1fb: {  	v46 =	vadd.s32 v14, v36;
	v44 =	vmul.f32 $8.000000000e+00, v47;
	v47 =	vld [tilespmem:s0+$0xFFFFFF60];
	[tilespmem:v45+s17+$0x0] =	vst.idx.msk $0xffff, v43  }
0x1fc: {  	v45 =	vadd.s32 v15, v37;
	v43 =	vmul.f32 $8.000000000e+00, v48;
	v48 =	vld [tilespmem:s0+$0xFFFFFFA0];
	[tilespmem:v49+s17+$0x0] =	vst.idx.msk $0xffff, v42  }
0x1fd: {  	[tilespmem:v50+s17+$0x0] =	vst.idx.msk $0xffff, v44;
	v42 =	vmul.f32 $8.000000000e+00, v51;
	v44 =	vadd.s32 v16, v38;
	v49 =	vld [tilespmem:s0+$0xFFFFFFF0]  }
0x1fe: {  	v51 =	vadd.s32 v17, v41;
	v50 =	vld [tilespmem:s0+$0xFFFFFE30];
	[tilespmem:v52+s17+$0x0] =	vst.idx.msk $0xffff, v43;
	v43 =	vmul.f32 $8.000000000e+00, v53  }
0x1ff: {  	v53 =	vadd.s32 v18, v39;
	v52 =	vld [tilespmem:s0+$0xFFFFFE70];
	[tilespmem:v54+s17+$0x0] =	vst.idx.msk $0xffff, v42;
	v42 =	vmul.f32 $8.000000000e+00, v55  }
0x200: {  	v54 =	vadd.s32 v19, v34;
	v55 =	vld [tilespmem:s0+$0xFFFFFEB0];
	[tilespmem:v46+s17+$0x0] =	vst.idx.msk $0xffff, v43;
	v43 =	vmul.f32 $8.000000000e+00, v47  }
0x201: {  	v46 =	vadd.s32 v20, v35;
	v47 =	vld [tilespmem:s0+$0xFFFFFEF0];
	[tilespmem:v45+s17+$0x0] =	vst.idx.msk $0xffff, v42;
	v42 =	vmul.f32 $8.000000000e+00, v48  }
0x202: {  	v45 =	vadd.s32 v21, v40;
	v48 =	vld [tilespmem:s0+$0xFFFFFF30];
	[tilespmem:v44+s17+$0x0] =	vst.idx.msk $0xffff, v43;
	v43 =	vmul.f32 $8.000000000e+00, v49  }
0x203: {  	v49 =	vadd.s32 v22, v36;
	v44 =	vmul.f32 $8.000000000e+00, v50;
	v50 =	vld [tilespmem:s0+$0xFFFFFF70];
	[tilespmem:v51+s17+$0x0] =	vst.idx.msk $0xffff, v42  }
0x204: {  	v51 =	vadd.s32 v23, v37;
	v42 =	vmul.f32 $8.000000000e+00, v52;
	v52 =	vld [tilespmem:s0+$0xFFFFFFB0];
	[tilespmem:v53+s17+$0x0] =	vst.idx.msk $0xffff, v43  }
0x205: {  	[tilespmem:v54+s17+$0x0] =	vst.idx.msk $0xffff, v44;
	v43 =	vmul.f32 $8.000000000e+00, v55;
	v44 =	vadd.s32 v24, v38;
	v53 =	vld [tilespmem:s0+$0x0]  }
0x206: {  	v54 =	vld [tilespmem:s0+$0xFFFFFE40];
	[tilespmem:v46+s17+$0x0] =	vst.idx.msk $0xffff, v42;
	v42 =	vmul.f32 $8.000000000e+00, v47;
	v46 =	vadd.s32 v25, v41  }
0x207: {  	v39 =	vadd.s32 v26, v39;
	v47 =	vld [tilespmem:s0+$0xFFFFFE80];
	[tilespmem:v45+s17+$0x0] =	vst.idx.msk $0xffff, v43;
	v43 =	vmul.f32 $8.000000000e+00, v48  }
0x208: {  	v34 =	vadd.s32 v27, v34;
	v45 =	vld [tilespmem:s0+$0xFFFFFEC0];
	[tilespmem:v49+s17+$0x0] =	vst.idx.msk $0xffff, v42;
	v42 =	vmul.f32 $8.000000000e+00, v50  }
0x209: {  	v35 =	vadd.s32 v28, v35;
	v48 =	vld [tilespmem:s0+$0xFFFFFF00];
	[tilespmem:v51+s17+$0x0] =	vst.idx.msk $0xffff, v43;
	v43 =	vmul.f32 $8.000000000e+00, v52  }
0x20a: {  	v40 =	vadd.s32 v29, v40;
	v49 =	vld [tilespmem:s0+$0xFFFFFF40];
	[tilespmem:v44+s17+$0x0] =	vst.idx.msk $0xffff, v42;
	v42 =	vmul.f32 $8.000000000e+00, v53  }
0x20b: {  	v36 =	vadd.s32 v30, v36;
	v44 =	vmul.f32 $8.000000000e+00, v54;
	v50 =	vld [tilespmem:s0+$0xFFFFFF80];
	[tilespmem:v46+s17+$0x0] =	vst.idx.msk $0xffff, v43  }
0x20c: {  	v37 =	vadd.s32 v31, v37;
	v43 =	vmul.f32 $8.000000000e+00, v47;
	v46 =	vld [tilespmem:s0+$0xFFFFFFC0];
	[tilespmem:v39+s17+$0x0] =	vst.idx.msk $0xffff, v42  }
0x20d: {  	v38 =	vadd.s32 v32, v38;
	[tilespmem:v34+s17+$0x0] =	vst.idx.msk $0xffff, v44;
	v34 =	vmul.f32 $8.000000000e+00, v45  }
0x20e: {  	v39 =	vadd.s32 v33, v41;
	[tilespmem:v35+s17+$0x0] =	vst.idx.msk $0xffff, v43;
	v35 =	vmul.f32 $8.000000000e+00, v48  }
0x20f: {  	[tilespmem:v40+s17+$0x0] =	vst.idx.msk $0xffff, v34;
	v34 =	vmul.f32 $8.000000000e+00, v49  }
.Ltmp4:
0x210: {  	[tilespmem:v36+s17+$0x0] =	vst.idx.msk $0xffff, v35;
	v35 =	vmul.f32 $8.000000000e+00, v50;
	(pc) =	sbr.rel @p0 .LBB2_11-.Ltmp4, $4  }
0x211: {  	s10 =	sadd.s32 $0x1, s1;
	v36 =	vmov s1;
	[tilespmem:v37+s17+$0x0] =	vst.idx.msk $0xffff, v34;
	v40 =	vmul.f32 $8.000000000e+00, v46  }
0x212: {  	s11 =	sadd.s32 $0x3, s1;
	s14 =	sadd.s32 $0x4, s1;
	v41 =	vshrl.u32 v36, $0x3;
	v34 =	vmov s10;
	s10 =	sadd.s32 $0x2, s1;
	[tilespmem:v38+s17+$0x0] =	vst.idx.msk $0xffff, v35  }
0x213: {  	v37 =	vmov s11;
	v36 =	vmov s14;
	s11 =	sadd.s32 $0x6, s1;
	v38 =	vmov s10;
	s10 =	sadd.s32 $0x5, s1;
	[tilespmem:v39+s17+$0x0] =	vst.idx.msk $0xffff, v40  }
0x214: {  	v35 =	vshll.u32 v41, v1;
	v40 =	vmov s10;
	v39 =	vmov s11;
	s10 =	sadd.s32 $0x7, s1;
	s1 =	sadd.s32 $0x8, s1  }
0x215: {  	v34 =	vshrl.u32 v34, $0x3;
	v41 =	vmov s10  }
0x216: {  	v38 =	vshrl.u32 v38, $0x3;
	v37 =	vshrl.u32 v37, $0x3;
	v36 =	vshrl.u32 v36, $0x3  }
0x217: {  	v40 =	vshrl.u32 v40, $0x3;
	s0 =	sadd.s32 $0x200, s0;
	v39 =	vshrl.u32 v39, $0x3;
	v41 =	vshrl.u32 v41, $0x3  }
0x218: {  	v35 =	vbroadcast v35, $0x0;
	v34 =	vshll.u32 v34, v1;
	v43 =	vld [tilespmem:s0+$0xFFFFFE10];
	v41 =	vshll.u32 v41, v1  }
0x219: {  	v42 =	vld [tilespmem:s0+$0xFFFFFFD0];
	v38 =	vshll.u32 v38, v1;
	v37 =	vshll.u32 v37, v1;
	v41 =	vbroadcast v41, $0x0  }
0x21a: {  	v44 =	vld [tilespmem:s0+$0xFFFFFE50];
	v36 =	vshll.u32 v36, v1;
	v34 =	vbroadcast v34, $0x0;
	v7 =	vadd.s32 v7, v35  }
0x21b: {  	v45 =	vld [tilespmem:s0+$0xFFFFFE90];
	v40 =	vshll.u32 v40, v1;
	v38 =	vbroadcast v38, $0x0;
	v8 =	vadd.s32 v8, v41  }
0x21c: {  	v46 =	vld [tilespmem:s0+$0xFFFFFED0];
	v39 =	vshll.u32 v39, v1;
	v37 =	vbroadcast v37, $0x0;
	v6 =	vadd.s32 v6, v34  }
0x21d: {  	v47 =	vld [tilespmem:s0+$0xFFFFFF10];
	v36 =	vbroadcast v36, $0x0;
	v5 =	vadd.s32 v5, v38;
	v43 =	vmul.f32 $8.000000000e+00, v43  }
0x21e: {  	v48 =	vld [tilespmem:s0+$0xFFFFFF50];
	v40 =	vbroadcast v40, $0x0;
	v4 =	vadd.s32 v4, v37;
	v42 =	vmul.f32 $8.000000000e+00, v42  }
0x21f: {  	v49 =	vld [tilespmem:s0+$0xFFFFFF90];
	v39 =	vbroadcast v39, $0x0;
	v2 =	vadd.s32 v2, v36;
	v44 =	vmul.f32 $8.000000000e+00, v44;
	[tilespmem:v7+s17+$0x0] =	vst.idx.msk $0xffff, v43  }
0x220: {  	v3 =	vadd.s32 v3, v40;
	v59 =	vmul.f32 $8.000000000e+00, v45;
	v60 =	vld [tilespmem:s0+$0xFFFFFE20];
	[tilespmem:v8+s17+$0x0] =	vst.idx.msk $0xffff, v42  }
0x221: {  	v9 =	vadd.s32 v9, v39;
	v61 =	vmul.f32 $8.000000000e+00, v46;
	[tilespmem:v6+s17+$0x0] =	vst.idx.msk $0xffff, v44;
	v8 =	vld [tilespmem:s0+$0xFFFFFFE0]  }
0x222: {  	v63 =	vmul.f32 $8.000000000e+00, v47;
	v45 =	vadd.s32 v11, v35;
	[tilespmem:v5+s17+$0x0] =	vst.idx.msk $0xffff, v59;
	v62 =	vld [tilespmem:s0+$0xFFFFFE60]  }
0x223: {  	v47 =	vmul.f32 $8.000000000e+00, v48;
	v44 =	vadd.s32 v10, v41;
	[tilespmem:v4+s17+$0x0] =	vst.idx.msk $0xffff, v61;
	v46 =	vld [tilespmem:s0+$0xFFFFFEA0]  }
0x224: {  	v48 =	vadd.s32 v12, v34;
	[tilespmem:v2+s17+$0x0] =	vst.idx.msk $0xffff, v63;
	v2 =	vmul.f32 $8.000000000e+00, v49;
	v50 =	vld [tilespmem:s0+$0xFFFFFEE0]  }
0x225: {  	v51 =	vadd.s32 v13, v38;
	[tilespmem:v3+s17+$0x0] =	vst.idx.msk $0xffff, v47;
	v52 =	vld [tilespmem:s0+$0xFFFFFF20];
	v53 =	vmul.f32 $8.000000000e+00, v60  }
0x226: {  	v54 =	vadd.s32 v14, v37;
	v55 =	vld [tilespmem:s0+$0xFFFFFF60];
	[tilespmem:v9+s17+$0x0] =	vst.idx.msk $0xffff, v2;
	v3 =	vmul.f32 $8.000000000e+00, v8  }
0x227: {  	v56 =	vadd.s32 v15, v36;
	v57 =	vld [tilespmem:s0+$0xFFFFFFA0];
	v2 =	vmul.f32 $8.000000000e+00, v62;
	[tilespmem:v45+s17+$0x0] =	vst.idx.msk $0xffff, v53  }
0x228: {  	v58 =	vadd.s32 v16, v40;
	v10 =	vld [tilespmem:s0+$0xFFFFFE30];
	[tilespmem:v44+s17+$0x0] =	vst.idx.msk $0xffff, v3;
	v3 =	vmul.f32 $8.000000000e+00, v46  }
0x229: {  	v59 =	vadd.s32 v17, v39;
	[tilespmem:v48+s17+$0x0] =	vst.idx.msk $0xffff, v2;
	v2 =	vmul.f32 $8.000000000e+00, v50;
	v7 =	vld [tilespmem:s0+$0xFFFFFFF0]  }
0x22a: {  	v62 =	vadd.s32 v19, v35;
	v60 =	vld [tilespmem:s0+$0xFFFFFE70];
	[tilespmem:v51+s17+$0x0] =	vst.idx.msk $0xffff, v3;
	v3 =	vmul.f32 $8.000000000e+00, v52  }
0x22b: {  	v61 =	vadd.s32 v18, v41;
	[tilespmem:v54+s17+$0x0] =	vst.idx.msk $0xffff, v2;
	v2 =	vmul.f32 $8.000000000e+00, v55;
	v63 =	vld [tilespmem:s0+$0xFFFFFEB0]  }
0x22c: {  	v18 =	vadd.s32 v20, v34;
	v19 =	vld [tilespmem:s0+$0xFFFFFEF0];
	[tilespmem:v56+s17+$0x0] =	vst.idx.msk $0xffff, v3;
	v3 =	vmul.f32 $8.000000000e+00, v57  }
0x22d: {  	v20 =	vadd.s32 v21, v38;
	[tilespmem:v58+s17+$0x0] =	vst.idx.msk $0xffff, v2;
	v42 =	vmul.f32 $8.000000000e+00, v10;
	v21 =	vld [tilespmem:s0+$0xFFFFFF30]  }
0x22e: {  	v43 =	vadd.s32 v22, v37;
	v44 =	vld [tilespmem:s0+$0xFFFFFF70];
	v2 =	vmul.f32 $8.000000000e+00, v7;
	[tilespmem:v59+s17+$0x0] =	vst.idx.msk $0xffff, v3  }
0x22f: {  	v45 =	vadd.s32 v23, v36;
	v3 =	vmul.f32 $8.000000000e+00, v60;
	[tilespmem:v62+s17+$0x0] =	vst.idx.msk $0xffff, v42;
	v46 =	vld [tilespmem:s0+$0xFFFFFFB0]  }
0x230: {  	v47 =	vadd.s32 v24, v40;
	v12 =	vld [tilespmem:s0+$0xFFFFFE40];
	[tilespmem:v61+s17+$0x0] =	vst.idx.msk $0xffff, v2;
	v2 =	vmul.f32 $8.000000000e+00, v63  }
0x231: {  	v48 =	vadd.s32 v25, v39;
	[tilespmem:v18+s17+$0x0] =	vst.idx.msk $0xffff, v3;
	v3 =	vmul.f32 $8.000000000e+00, v19;
	v5 =	vld [tilespmem:s0+$0x0]  }
0x232: {  	v51 =	vadd.s32 v27, v35;
	v49 =	vld [tilespmem:s0+$0xFFFFFE80];
	[tilespmem:v20+s17+$0x0] =	vst.idx.msk $0xffff, v2;
	v2 =	vmul.f32 $8.000000000e+00, v21  }
0x233: {  	v50 =	vadd.s32 v26, v41;
	[tilespmem:v43+s17+$0x0] =	vst.idx.msk $0xffff, v3;
	v3 =	vmul.f32 $8.000000000e+00, v44;
	v52 =	vld [tilespmem:s0+$0xFFFFFEC0]  }
0x234: {  	v53 =	vadd.s32 v28, v34;
	v54 =	vld [tilespmem:s0+$0xFFFFFF00];
	[tilespmem:v45+s17+$0x0] =	vst.idx.msk $0xffff, v2;
	v2 =	vmul.f32 $8.000000000e+00, v46  }
0x235: {  	v55 =	vadd.s32 v29, v38;
	[tilespmem:v47+s17+$0x0] =	vst.idx.msk $0xffff, v3;
	v57 =	vmul.f32 $8.000000000e+00, v12;
	v56 =	vld [tilespmem:s0+$0xFFFFFF40]  }
0x236: {  	v58 =	vadd.s32 v30, v37;
	v59 =	vld [tilespmem:s0+$0xFFFFFF80];
	v3 =	vmul.f32 $8.000000000e+00, v5;
	[tilespmem:v48+s17+$0x0] =	vst.idx.msk $0xffff, v2  }
0x237: {  	v60 =	vadd.s32 v31, v36;
	v2 =	vmul.f32 $8.000000000e+00, v49;
	[tilespmem:v51+s17+$0x0] =	vst.idx.msk $0xffff, v57;
	v61 =	vld [tilespmem:s0+$0xFFFFFFC0]  }
0x238: {  	v62 =	vadd.s32 v32, v40;
	[tilespmem:v50+s17+$0x0] =	vst.idx.msk $0xffff, v3;
	v3 =	vmul.f32 $8.000000000e+00, v52  }
0x239: {  	v63 =	vadd.s32 v33, v39;
	[tilespmem:v53+s17+$0x0] =	vst.idx.msk $0xffff, v2;
	v2 =	vmul.f32 $8.000000000e+00, v54  }
0x23a: {  	[tilespmem:v55+s17+$0x0] =	vst.idx.msk $0xffff, v3;
	v3 =	vmul.f32 $8.000000000e+00, v56  }
0x23b: {  	[tilespmem:v58+s17+$0x0] =	vst.idx.msk $0xffff, v2;
	v2 =	vmul.f32 $8.000000000e+00, v59  }
0x23c: {  	[tilespmem:v60+s17+$0x0] =	vst.idx.msk $0xffff, v3;
	v3 =	vmul.f32 $8.000000000e+00, v61  }
0x23d: {  	[tilespmem:v62+s17+$0x0] =	vst.idx.msk $0xffff, v2  }
0x23e: {  	[tilespmem:v63+s17+$0x0] =	vst.idx.msk $0xffff, v3  }
0x23f: {  	p0 =	seq.s32 s29, $0x31;
	_ =	swait.ge [sflag:s22], $0x2000  }
0x240: {  	s1 =	simm.s32 @!p0 $0x80;
	[sflag:s22] =	ssyncset.done $0x0  }
0x241: {  	s10 =	simm.s32 @!p0 $0x6400;
	s0 =	sadd.s32 @!p0 $0x200, s30;
	[sflag:s22] =	ssyncadd.s32 $0xFFFFE000  }
0x242: {  	[tilespmem:s10], [sflag:$0x1] =	stream.indirect.gather @!p0 [hbm4b:s3+s1], $0x40, s0, s1, $0xb8;
	[tilespmem:$0x16C00] =	vst v63  }
0x243: {  	s15 =	simm.s32 $0x12800;
	s1 =	sadd.s32 s31, s7  }
0x244: {  	[hbm4b:s1+s2] =	stream.linear.scatter [tilespmem:s15], [sflag:$0x7], $0x80, $0x38;
	[tilespmem:$0x16C00] =	vst v63  }
0x245: {  	s10 =	simm.s32 $0x12888;
	s11 =	sadd.s32 $0x10, s1  }
0x246: {  	[hbm4b:s11+s2] =	stream.linear.scatter [tilespmem:s10], [sflag:$0x7], $0x80, $0x38;
	[tilespmem:$0x16C00] =	vst v63  }
0x247: {  	s14 =	simm.s32 $0x12910;
	s15 =	sadd.s32 $0x20, s1  }
0x248: {  	[hbm4b:s15+s2] =	stream.linear.scatter [tilespmem:s14], [sflag:$0x7], $0x80, $0x38;
	[tilespmem:$0x16C00] =	vst v63  }
0x249: {  	s10 =	simm.s32 $0x12998;
	s11 =	sadd.s32 $0x30, s1  }
0x24a: {  	[hbm4b:s11+s2] =	stream.linear.scatter [tilespmem:s10], [sflag:$0x7], $0x80, $0x38;
	[tilespmem:$0x16C00] =	vst v63  }
0x24b: {  	s14 =	simm.s32 $0x12A20;
	s15 =	sadd.s32 $0x40, s1  }
0x24c: {  	[hbm4b:s15+s2] =	stream.linear.scatter [tilespmem:s14], [sflag:$0x7], $0x80, $0x38;
	[tilespmem:$0x16C00] =	vst v63  }
0x24d: {  	s0 =	simm.s32 $0x440;
	s10 =	simm.s32 $0x12AA8;
	s11 =	sadd.s32 $0x50, s1  }
0x24e: {  	[hbm4b:s11+s2] =	stream.linear.scatter [tilespmem:s10], [sflag:$0x7], $0x80, $0x38;
	[tilespmem:$0x16C00] =	vst v63  }
0x24f: {  	s14 =	simm.s32 $0x12B30;
	s15 =	sadd.s32 $0x60, s1;
	s10 =	simm.s32 $0x2200  }
0x250: {  	[hbm4b:s15+s2] =	stream.linear.scatter [tilespmem:s14], [sflag:$0x7], $0x80, $0x38;
	[tilespmem:$0x16C00] =	vst v63  }
0x251: {  	s11 =	simm.s32 $0x12BB8;
	s14 =	sadd.s32 $0x70, s1;
	s1 =	sadd.s32 $0x4000, s1  }
.LBB2_13:
0x252: {  	[hbm4b:s14+s2] =	stream.linear.scatter [tilespmem:s11], [sflag:$0x7], $0x80, $0x38;
	[tilespmem:$0x16C00] =	vst v63  }
0x253: {  	s11 =	smov.u32 s0;
	s0 =	smov.u32 s10  }
0x254: {  	s15 =	sadd.s32 $0x1100, s10;
	s0 =	sshra.s32 s0, $0x2;
	s14 =	sadd.s32 $0x12800, s11  }
0x255: {  	[hbm4b:s1+s2] =	stream.linear.scatter [tilespmem:s14], [sflag:$0x7], $0x80, $0x38;
	[tilespmem:$0x16C00] =	vst v63  }
0x256: {  	p1 =	sne.s32 s10, $0x7700;
	s10 =	sadd.s32 $0x12888, s11;
	s14 =	sadd.s32 $0x10, s1  }
0x257: {  	[hbm4b:s14+s2] =	stream.linear.scatter [tilespmem:s10], [sflag:$0x7], $0x80, $0x38;
	[tilespmem:$0x16C00] =	vst v63  }
0x258: {  	s10 =	sadd.s32 $0x12910, s11;
	s14 =	sadd.s32 $0x20, s1  }
0x259: {  	[hbm4b:s14+s2] =	stream.linear.scatter [tilespmem:s10], [sflag:$0x7], $0x80, $0x38;
	[tilespmem:$0x16C00] =	vst v63  }
0x25a: {  	s10 =	sadd.s32 $0x12998, s11;
	s14 =	sadd.s32 $0x30, s1  }
0x25b: {  	[hbm4b:s14+s2] =	stream.linear.scatter [tilespmem:s10], [sflag:$0x7], $0x80, $0x38;
	[tilespmem:$0x16C00] =	vst v63  }
0x25c: {  	s10 =	sadd.s32 $0x12A20, s11;
	s14 =	sadd.s32 $0x40, s1  }
0x25d: {  	[hbm4b:s14+s2] =	stream.linear.scatter [tilespmem:s10], [sflag:$0x7], $0x80, $0x38;
	[tilespmem:$0x16C00] =	vst v63  }
.Ltmp5:
0x25e: {  	s10 =	sadd.s32 $0x12AA8, s11;
	s14 =	sadd.s32 $0x50, s1;
	(pc) =	sbr.rel @p1 .LBB2_13-.Ltmp5, $4  }
0x25f: {  	[hbm4b:s14+s2] =	stream.linear.scatter [tilespmem:s10], [sflag:$0x7], $0x80, $0x38;
	[tilespmem:$0x16C00] =	vst v63  }
0x260: {  	s10 =	sadd.s32 $0x12B30, s11;
	s14 =	sadd.s32 $0x60, s1;
	s11 =	sadd.s32 $0x12BB8, s11  }
0x261: {  	[hbm4b:s14+s2] =	stream.linear.scatter [tilespmem:s10], [sflag:$0x7], $0x80, $0x38;
	[tilespmem:$0x16C00] =	vst v63  }
0x262: {  	s14 =	sadd.s32 $0x70, s1;
	s1 =	sadd.s32 $0x4000, s1;
	s10 =	smov.u32 s15  }
0x263: {  	[hbm4b:s14+s2] =	stream.linear.scatter [tilespmem:s11], [sflag:$0x7], $0x80, $0x38;
	[tilespmem:$0x16C00] =	vst v63  }
0x264: {  	s10 =	sadd.s32 $0x12800, s0  }
0x265: {  	[hbm4b:s1+s2] =	stream.linear.scatter [tilespmem:s10], [sflag:$0x7], $0x80, $0x38;
	[tilespmem:$0x16C00] =	vst v63  }
0x266: {  	s14 =	sadd.s32 $0x12888, s0;
	s15 =	sadd.s32 $0x10, s1  }
0x267: {  	[hbm4b:s15+s2] =	stream.linear.scatter [tilespmem:s14], [sflag:$0x7], $0x80, $0x38;
	[tilespmem:$0x16C00] =	vst v63  }
0x268: {  	s14 =	sadd.s32 $0x12910, s0;
	s15 =	sadd.s32 $0x20, s1  }
0x269: {  	[hbm4b:s15+s2] =	stream.linear.scatter [tilespmem:s14], [sflag:$0x7], $0x80, $0x38;
	[tilespmem:$0x16C00] =	vst v63  }
0x26a: {  	s14 =	sadd.s32 $0x12998, s0;
	s15 =	sadd.s32 $0x30, s1  }
0x26b: {  	[hbm4b:s15+s2] =	stream.linear.scatter [tilespmem:s14], [sflag:$0x7], $0x80, $0x38;
	[tilespmem:$0x16C00] =	vst v63  }
0x26c: {  	s11 =	simm.s32 $0x2;
	s14 =	sadd.s32 $0x12A20, s0;
	s15 =	sadd.s32 $0x40, s1  }
0x26d: {  	[hbm4b:s15+s2] =	stream.linear.scatter [tilespmem:s14], [sflag:$0x7], $0x80, $0x38;
	[tilespmem:$0x16C00] =	vst v63  }
0x26e: {  	v10 =	vmov s11;
	s11 =	simm.s32 $0x6;
	s14 =	sadd.s32 $0x12AA8, s0;
	s15 =	sadd.s32 $0x50, s1  }
0x26f: {  	[hbm4b:s15+s2] =	stream.linear.scatter [tilespmem:s14], [sflag:$0x7], $0x80, $0x38;
	[tilespmem:$0x16C00] =	vst v63  }
0x270: {  	s10 =	simm.s32 $0x1;
	s14 =	sadd.s32 $0x12B30, s0;
	s15 =	sadd.s32 $0x60, s1  }
0x271: {  	v7 =	vadd.s32 $0x6600, v0;
	v6 =	vadd.s32 $0x6601, v0;
	[hbm4b:s15+s2] =	stream.linear.scatter [tilespmem:s14], [sflag:$0x7], $0x80, $0x38;
	[tilespmem:$0x16C00] =	vst v63  }
0x272: {  	v5 =	vadd.s32 $0x6602, v0;
	v4 =	vadd.s32 $0x6603, v0;
	v9 =	vmov s10;
	s10 =	simm.s32 $0x5;
	s14 =	sadd.s32 $0x12BB8, s0;
	s15 =	sadd.s32 $0x70, s1  }
0x273: {  	v2 =	vadd.s32 $0x6604, v0;
	v14 =	vmov s11;
	v10 =	vshrl.u32 v10, $0x3;
	[hbm4b:s15+s2] =	stream.linear.scatter [tilespmem:s14], [sflag:$0x7], $0x80, $0x38;
	[tilespmem:$0x16C00] =	vst v63  }
0x274: {  	v14 =	vshrl.u32 v14, $0x3;
	v10 =	vshll.u32 v10, v1;
	v13 =	vmov s10;
	s14 =	simm.s32 $0x3  }
0x275: {  	v9 =	vshrl.u32 v9, $0x3;
	v31 =	vbroadcast v10, $0x0;
	v11 =	vmov s14;
	s14 =	simm.s32 $0x7  }
0x276: {  	v13 =	vshrl.u32 v13, $0x3;
	v9 =	vshll.u32 v9, v1;
	s1 =	simm.s32 $0x0;
	_ =	swait.ge [sflag:s23], $0x2000;
	v15 =	vmov s14  }
0x277: {  	v30 =	vbroadcast v9, $0x0;
	v3 =	vmov s1;
	[sflag:s23] =	ssyncset.done $0x0;
	v15 =	vshrl.u32 v15, $0x3  }
0x278: {  	v10 =	vshll.u32 v13, v1;
	s0 =	simm.s32 $0xC5F0;
	v8 =	vshrl.u32 v3, $0x3;
	s15 =	simm.s32 $0x4;
	[sflag:s23] =	ssyncadd.s32 $0xFFFFE000;
	v15 =	vshll.u32 v15, v1  }
0x279: {  	v12 =	vmov s15;
	v8 =	vshll.u32 v8, v1;
	v16 =	vld [tilespmem:s0+$0xFFFFFFD0];
	v29 =	vbroadcast v15, $0x0  }
0x27a: {  	v12 =	vshrl.u32 v12, $0x3;
	v28 =	vbroadcast v8, $0x0;
	v8 =	vadd.s32 $0x6607, v0;
	v15 =	vld [tilespmem:s0+$0xFFFFFE10]  }
0x27b: {  	v11 =	vshrl.u32 v11, $0x3;
	v9 =	vshll.u32 v12, v1;
	v17 =	vld [tilespmem:s0+$0xFFFFFE50];
	v12 =	vadd.s32 v8, v29  }
0x27c: {  	v34 =	vbroadcast v10, $0x0;
	v11 =	vshll.u32 v11, v1;
	v18 =	vadd.s32 v7, v28;
	v19 =	vld [tilespmem:s0+$0xFFFFFE90]  }
0x27d: {  	v13 =	vadd.s32 v6, v30;
	v20 =	vld [tilespmem:s0+$0xFFFFFED0];
	v32 =	vbroadcast v11, $0x0;
	v11 =	vshll.u32 v14, v1  }
0x27e: {  	v14 =	vadd.s32 v5, v31;
	v21 =	vld [tilespmem:s0+$0xFFFFFF10];
	v33 =	vbroadcast v9, $0x0;
	v9 =	vmul.f32 $8.000000000e+00, v16  }
0x27f: {  	v3 =	vadd.s32 $0x6605, v0;
	v22 =	vld [tilespmem:s0+$0xFFFFFF50];
	v16 =	vadd.s32 v4, v32;
	v15 =	vmul.f32 $8.000000000e+00, v15  }
0x280: {  	v23 =	vld [tilespmem:s0+$0xFFFFFF90];
	v35 =	vbroadcast v11, $0x0;
	v10 =	vmul.f32 $8.000000000e+00, v17;
	v17 =	vadd.s32 v2, v33;
	[tilespmem:v12+s17+$0x0] =	vst.idx.msk $0xffff, v9  }
0x281: {  	[tilespmem:v18+s17+$0x0] =	vst.idx.msk $0xffff, v15;
	v12 =	vmul.f32 $8.000000000e+00, v19;
	v15 =	vadd.s32 v3, v34;
	v9 =	vadd.s32 $0x6606, v0;
	v18 =	vld [tilespmem:s0+$0xFFFFFFE0]  }
0x282: {  	[tilespmem:v13+s17+$0x0] =	vst.idx.msk $0xffff, v10;
	v13 =	vmul.f32 $8.000000000e+00, v20;
	v10 =	vadd.s32 $0x6E87, v0;
	v19 =	vld [tilespmem:s0+$0xFFFFFE20];
	v20 =	vadd.s32 v9, v35  }
0x283: {  	v11 =	vadd.s32 $0x6E80, v0;
	v24 =	vld [tilespmem:s0+$0xFFFFFE60];
	[tilespmem:v14+s17+$0x0] =	vst.idx.msk $0xffff, v12;
	v14 =	vmul.f32 $8.000000000e+00, v21;
	v21 =	vadd.s32 v10, v29  }
0x284: {  	v25 =	vadd.s32 v11, v28;
	v12 =	vadd.s32 $0x6E81, v0;
	[tilespmem:v16+s17+$0x0] =	vst.idx.msk $0xffff, v13;
	v16 =	vmul.f32 $8.000000000e+00, v22;
	v26 =	vld [tilespmem:s0+$0xFFFFFEA0]  }
0x285: {  	v13 =	vadd.s32 $0x6E82, v0;
	v22 =	vadd.s32 v12, v30;
	v27 =	vld [tilespmem:s0+$0xFFFFFEE0];
	[tilespmem:v17+s17+$0x0] =	vst.idx.msk $0xffff, v14;
	v17 =	vmul.f32 $8.000000000e+00, v23  }
0x286: {  	v23 =	vadd.s32 v13, v31;
	v14 =	vadd.s32 $0x6E83, v0;
	v36 =	vld [tilespmem:s0+$0xFFFFFF20];
	[tilespmem:v15+s17+$0x0] =	vst.idx.msk $0xffff, v16;
	v18 =	vmul.f32 $8.000000000e+00, v18  }
0x287: {  	v37 =	vadd.s32 v14, v32;
	v15 =	vadd.s32 $0x6E84, v0;
	v19 =	vmul.f32 $8.000000000e+00, v19;
	v38 =	vld [tilespmem:s0+$0xFFFFFF60];
	[tilespmem:v20+s17+$0x0] =	vst.idx.msk $0xffff, v17  }
0x288: {  	v16 =	vadd.s32 $0x6E85, v0;
	v20 =	vmul.f32 $8.000000000e+00, v24;
	v24 =	vadd.s32 v15, v33;
	v39 =	vld [tilespmem:s0+$0xFFFFFFA0];
	[tilespmem:v21+s17+$0x0] =	vst.idx.msk $0xffff, v18  }
0x289: {  	v17 =	vadd.s32 $0x6E86, v0;
	[tilespmem:v25+s17+$0x0] =	vst.idx.msk $0xffff, v19;
	v21 =	vmul.f32 $8.000000000e+00, v26;
	v25 =	vadd.s32 v16, v34;
	v26 =	vld [tilespmem:s0+$0xFFFFFFF0]  }
0x28a: {  	[tilespmem:v22+s17+$0x0] =	vst.idx.msk $0xffff, v20;
	v22 =	vmul.f32 $8.000000000e+00, v27;
	v27 =	vadd.s32 v17, v35;
	v18 =	vadd.s32 $0x7707, v0;
	v40 =	vld [tilespmem:s0+$0xFFFFFE30]  }
0x28b: {  	v19 =	vadd.s32 $0x7700, v0;
	v41 =	vld [tilespmem:s0+$0xFFFFFE70];
	v55 =	vadd.s32 v18, v29;
	[tilespmem:v23+s17+$0x0] =	vst.idx.msk $0xffff, v21;
	v23 =	vmul.f32 $8.000000000e+00, v36  }
0x28c: {  	v20 =	vadd.s32 $0x7701, v0;
	v42 =	vadd.s32 v19, v28;
	[tilespmem:v37+s17+$0x0] =	vst.idx.msk $0xffff, v22;
	v43 =	vld [tilespmem:s0+$0xFFFFFEB0];
	v56 =	vmul.f32 $8.000000000e+00, v38  }
0x28d: {  	v57 =	vadd.s32 v20, v30;
	v21 =	vadd.s32 $0x7702, v0;
	v44 =	vld [tilespmem:s0+$0xFFFFFEF0];
	[tilespmem:v24+s17+$0x0] =	vst.idx.msk $0xffff, v23;
	v24 =	vmul.f32 $8.000000000e+00, v39  }
0x28e: {  	v22 =	vadd.s32 $0x7703, v0;
	v58 =	vadd.s32 v21, v31;
	v45 =	vld [tilespmem:s0+$0xFFFFFF30];
	[tilespmem:v25+s17+$0x0] =	vst.idx.msk $0xffff, v56;
	v25 =	vmul.f32 $8.000000000e+00, v26  }
0x28f: {  	v59 =	vadd.s32 v22, v32;
	v23 =	vadd.s32 $0x7704, v0;
	v26 =	vmul.f32 $8.000000000e+00, v40;
	v60 =	vld [tilespmem:s0+$0xFFFFFF70];
	[tilespmem:v27+s17+$0x0] =	vst.idx.msk $0xffff, v24  }
0x290: {  	v61 =	vadd.s32 v23, v33;
	v27 =	vmul.f32 $8.000000000e+00, v41;
	v24 =	vadd.s32 $0x7705, v0;
	v46 =	vld [tilespmem:s0+$0xFFFFFFB0];
	[tilespmem:v55+s17+$0x0] =	vst.idx.msk $0xffff, v25  }
0x291: {  	v63 =	vadd.s32 v24, v34;
	[tilespmem:v42+s17+$0x0] =	vst.idx.msk $0xffff, v26;
	v62 =	vmul.f32 $8.000000000e+00, v43;
	v25 =	vadd.s32 $0x7706, v0;
	v52 =	vld [tilespmem:s0+$0x0]  }
0x292: {  	[tilespmem:v57+s17+$0x0] =	vst.idx.msk $0xffff, v27;
	v53 =	vmul.f32 $8.000000000e+00, v44;
	v26 =	vadd.s32 $0x7F87, v0;
	v47 =	vld [tilespmem:s0+$0xFFFFFE40];
	v54 =	vadd.s32 v25, v35  }
0x293: {  	v27 =	vadd.s32 $0x7F80, v0;
	v48 =	vld [tilespmem:s0+$0xFFFFFE80];
	v39 =	vadd.s32 v26, v29;
	[tilespmem:v58+s17+$0x0] =	vst.idx.msk $0xffff, v62;
	v55 =	vmul.f32 $8.000000000e+00, v45  }
0x294: {  	v56 =	vadd.s32 v27, v28;
	v28 =	vadd.s32 $0x7F81, v0;
	[tilespmem:v59+s17+$0x0] =	vst.idx.msk $0xffff, v53;
	v49 =	vld [tilespmem:s0+$0xFFFFFEC0];
	v57 =	vmul.f32 $8.000000000e+00, v60  }
0x295: {  	v29 =	vadd.s32 $0x7F82, v0;
	v38 =	vadd.s32 v28, v30;
	v40 =	vld [tilespmem:s0+$0xFFFFFF00];
	[tilespmem:v61+s17+$0x0] =	vst.idx.msk $0xffff, v55;
	v58 =	vmul.f32 $8.000000000e+00, v46  }
0x296: {  	v59 =	vadd.s32 v29, v31;
	v30 =	vadd.s32 $0x7F83, v0;
	v60 =	vld [tilespmem:s0+$0xFFFFFF40];
	[tilespmem:v63+s17+$0x0] =	vst.idx.msk $0xffff, v57;
	v61 =	vmul.f32 $8.000000000e+00, v52  }
0x297: {  	v31 =	vadd.s32 $0x7F84, v0;
	v63 =	vadd.s32 v30, v32;
	v62 =	vmul.f32 $8.000000000e+00, v47;
	v52 =	vld [tilespmem:s0+$0xFFFFFF80];
	[tilespmem:v54+s17+$0x0] =	vst.idx.msk $0xffff, v58  }
0x298: {  	v32 =	vadd.s32 $0x7F85, v0;
	v53 =	vmul.f32 $8.000000000e+00, v48;
	v54 =	vadd.s32 v31, v33;
	v55 =	vld [tilespmem:s0+$0xFFFFFFC0];
	[tilespmem:v39+s17+$0x0] =	vst.idx.msk $0xffff, v61  }
0x299: {  	v57 =	vadd.s32 v32, v34;
	v33 =	vadd.s32 $0x7F86, v0;
	[tilespmem:v56+s17+$0x0] =	vst.idx.msk $0xffff, v62;
	v56 =	vmul.f32 $8.000000000e+00, v49  }
0x29a: {  	v35 =	vadd.s32 v33, v35;
	[tilespmem:v38+s17+$0x0] =	vst.idx.msk $0xffff, v53;
	v58 =	vmul.f32 $8.000000000e+00, v40  }
0x29b: {  	s14 =	simm.s32 $0xB;
	[tilespmem:v59+s17+$0x0] =	vst.idx.msk $0xffff, v56;
	v59 =	vmul.f32 $8.000000000e+00, v60  }
0x29c: {  	s10 =	simm.s32 $0x9;
	s15 =	simm.s32 $0x8;
	v37 =	vmov s14;
	[tilespmem:v63+s17+$0x0] =	vst.idx.msk $0xffff, v58;
	v60 =	vmul.f32 $8.000000000e+00, v52  }
0x29d: {  	s11 =	simm.s32 $0xA;
	v34 =	vmov s10;
	v61 =	vmov s15;
	s15 =	simm.s32 $0xC;
	[tilespmem:v54+s17+$0x0] =	vst.idx.msk $0xffff, v59;
	v62 =	vmul.f32 $8.000000000e+00, v55  }
0x29e: {  	s14 =	simm.s32 $0xD;
	v38 =	vmov s11;
	v36 =	vmov s15;
	s15 =	simm.s32 $0xE;
	v63 =	vshrl.u32 v61, $0x3;
	[tilespmem:v57+s17+$0x0] =	vst.idx.msk $0xffff, v60  }
0x29f: {  	s1 =	simm.s32 $0x10;
	s10 =	simm.s32 $0xF;
	v40 =	vmov s14;
	v39 =	vmov s15;
	[tilespmem:v35+s17+$0x0] =	vst.idx.msk $0xffff, v62;
	v35 =	vshll.u32 v63, v1  }
.LBB2_15:
0x2a0: {  	p1 =	slt.u32 s1, $0x78;
	v41 =	vshrl.u32 v34, $0x3;
	v38 =	vshrl.u32 v38, $0x3;
	v34 =	vmov s10  }
0x2a1: {  	v37 =	vshrl.u32 v37, $0x3;
	v36 =	vshrl.u32 v36, $0x3;
	v34 =	vshrl.u32 v34, $0x3  }
0x2a2: {  	v42 =	vshrl.u32 v40, $0x3;
	v43 =	vshrl.u32 v39, $0x3;
	s0 =	sadd.s32 $0x200, s0;
	v39 =	vshll.u32 v34, v1  }
0x2a3: {  	v34 =	vbroadcast v35, $0x0;
	v35 =	vshll.u32 v41, v1;
	v41 =	vld [tilespmem:s0+$0xFFFFFFD0];
	v39 =	vbroadcast v39, $0x0  }
0x2a4: {  	v38 =	vshll.u32 v38, v1;
	v37 =	vshll.u32 v37, v1;
	v44 =	vld [tilespmem:s0+$0xFFFFFE10]  }
0x2a5: {  	v46 =	vshll.u32 v36, v1;
	v35 =	vbroadcast v35, $0x0;
	v45 =	vld [tilespmem:s0+$0xFFFFFE50];
	v47 =	vadd.s32 v8, v39  }
0x2a6: {  	v40 =	vbroadcast v38, $0x0;
	v38 =	vshll.u32 v42, v1;
	v48 =	vadd.s32 v7, v34;
	v49 =	vld [tilespmem:s0+$0xFFFFFE90]  }
0x2a7: {  	v43 =	vshll.u32 v43, v1;
	v36 =	vbroadcast v37, $0x0;
	v42 =	vadd.s32 v6, v35;
	v50 =	vld [tilespmem:s0+$0xFFFFFED0]  }
0x2a8: {  	v37 =	vbroadcast v46, $0x0;
	v51 =	vadd.s32 v5, v40;
	v52 =	vld [tilespmem:s0+$0xFFFFFF10];
	v46 =	vmul.f32 $8.000000000e+00, v41  }
0x2a9: {  	v38 =	vbroadcast v38, $0x0;
	v53 =	vadd.s32 v4, v36;
	v44 =	vmul.f32 $8.000000000e+00, v44;
	v54 =	vld [tilespmem:s0+$0xFFFFFF50]  }
0x2aa: {  	v55 =	vadd.s32 v2, v37;
	v41 =	vbroadcast v43, $0x0;
	v45 =	vmul.f32 $8.000000000e+00, v45;
	v56 =	vld [tilespmem:s0+$0xFFFFFF90];
	[tilespmem:v47+s17+$0x0] =	vst.idx.msk $0xffff, v46  }
0x2ab: {  	[tilespmem:v48+s17+$0x0] =	vst.idx.msk $0xffff, v44;
	v43 =	vmul.f32 $8.000000000e+00, v49;
	v44 =	vadd.s32 v3, v38;
	v46 =	vld [tilespmem:s0+$0xFFFFFFE0]  }
0x2ac: {  	v47 =	vld [tilespmem:s0+$0xFFFFFE20];
	[tilespmem:v42+s17+$0x0] =	vst.idx.msk $0xffff, v45;
	v42 =	vmul.f32 $8.000000000e+00, v50;
	v45 =	vadd.s32 v9, v41  }
0x2ad: {  	v49 =	vadd.s32 v10, v39;
	v48 =	vld [tilespmem:s0+$0xFFFFFE60];
	[tilespmem:v51+s17+$0x0] =	vst.idx.msk $0xffff, v43;
	v43 =	vmul.f32 $8.000000000e+00, v52  }
0x2ae: {  	v50 =	vadd.s32 v11, v34;
	v51 =	vld [tilespmem:s0+$0xFFFFFEA0];
	[tilespmem:v53+s17+$0x0] =	vst.idx.msk $0xffff, v42;
	v42 =	vmul.f32 $8.000000000e+00, v54  }
0x2af: {  	v52 =	vadd.s32 v12, v35;
	v53 =	vld [tilespmem:s0+$0xFFFFFEE0];
	[tilespmem:v55+s17+$0x0] =	vst.idx.msk $0xffff, v43;
	v43 =	vmul.f32 $8.000000000e+00, v56  }
0x2b0: {  	v54 =	vadd.s32 v13, v40;
	v55 =	vld [tilespmem:s0+$0xFFFFFF20];
	[tilespmem:v44+s17+$0x0] =	vst.idx.msk $0xffff, v42;
	v42 =	vmul.f32 $8.000000000e+00, v46  }
0x2b1: {  	v46 =	vadd.s32 v14, v36;
	v44 =	vmul.f32 $8.000000000e+00, v47;
	v47 =	vld [tilespmem:s0+$0xFFFFFF60];
	[tilespmem:v45+s17+$0x0] =	vst.idx.msk $0xffff, v43  }
0x2b2: {  	v45 =	vadd.s32 v15, v37;
	v43 =	vmul.f32 $8.000000000e+00, v48;
	v48 =	vld [tilespmem:s0+$0xFFFFFFA0];
	[tilespmem:v49+s17+$0x0] =	vst.idx.msk $0xffff, v42  }
0x2b3: {  	[tilespmem:v50+s17+$0x0] =	vst.idx.msk $0xffff, v44;
	v42 =	vmul.f32 $8.000000000e+00, v51;
	v44 =	vadd.s32 v16, v38;
	v49 =	vld [tilespmem:s0+$0xFFFFFFF0]  }
0x2b4: {  	v51 =	vadd.s32 v17, v41;
	v50 =	vld [tilespmem:s0+$0xFFFFFE30];
	[tilespmem:v52+s17+$0x0] =	vst.idx.msk $0xffff, v43;
	v43 =	vmul.f32 $8.000000000e+00, v53  }
0x2b5: {  	v53 =	vadd.s32 v18, v39;
	v52 =	vld [tilespmem:s0+$0xFFFFFE70];
	[tilespmem:v54+s17+$0x0] =	vst.idx.msk $0xffff, v42;
	v42 =	vmul.f32 $8.000000000e+00, v55  }
0x2b6: {  	v54 =	vadd.s32 v19, v34;
	v55 =	vld [tilespmem:s0+$0xFFFFFEB0];
	[tilespmem:v46+s17+$0x0] =	vst.idx.msk $0xffff, v43;
	v43 =	vmul.f32 $8.000000000e+00, v47  }
0x2b7: {  	v46 =	vadd.s32 v20, v35;
	v47 =	vld [tilespmem:s0+$0xFFFFFEF0];
	[tilespmem:v45+s17+$0x0] =	vst.idx.msk $0xffff, v42;
	v42 =	vmul.f32 $8.000000000e+00, v48  }
0x2b8: {  	v45 =	vadd.s32 v21, v40;
	v48 =	vld [tilespmem:s0+$0xFFFFFF30];
	[tilespmem:v44+s17+$0x0] =	vst.idx.msk $0xffff, v43;
	v43 =	vmul.f32 $8.000000000e+00, v49  }
0x2b9: {  	v49 =	vadd.s32 v22, v36;
	v44 =	vmul.f32 $8.000000000e+00, v50;
	v50 =	vld [tilespmem:s0+$0xFFFFFF70];
	[tilespmem:v51+s17+$0x0] =	vst.idx.msk $0xffff, v42  }
0x2ba: {  	v51 =	vadd.s32 v23, v37;
	v42 =	vmul.f32 $8.000000000e+00, v52;
	v52 =	vld [tilespmem:s0+$0xFFFFFFB0];
	[tilespmem:v53+s17+$0x0] =	vst.idx.msk $0xffff, v43  }
0x2bb: {  	[tilespmem:v54+s17+$0x0] =	vst.idx.msk $0xffff, v44;
	v43 =	vmul.f32 $8.000000000e+00, v55;
	v44 =	vadd.s32 v24, v38;
	v53 =	vld [tilespmem:s0+$0x0]  }
0x2bc: {  	v54 =	vld [tilespmem:s0+$0xFFFFFE40];
	[tilespmem:v46+s17+$0x0] =	vst.idx.msk $0xffff, v42;
	v42 =	vmul.f32 $8.000000000e+00, v47;
	v46 =	vadd.s32 v25, v41  }
0x2bd: {  	v39 =	vadd.s32 v26, v39;
	v47 =	vld [tilespmem:s0+$0xFFFFFE80];
	[tilespmem:v45+s17+$0x0] =	vst.idx.msk $0xffff, v43;
	v43 =	vmul.f32 $8.000000000e+00, v48  }
0x2be: {  	v34 =	vadd.s32 v27, v34;
	v45 =	vld [tilespmem:s0+$0xFFFFFEC0];
	[tilespmem:v49+s17+$0x0] =	vst.idx.msk $0xffff, v42;
	v42 =	vmul.f32 $8.000000000e+00, v50  }
0x2bf: {  	v35 =	vadd.s32 v28, v35;
	v48 =	vld [tilespmem:s0+$0xFFFFFF00];
	[tilespmem:v51+s17+$0x0] =	vst.idx.msk $0xffff, v43;
	v43 =	vmul.f32 $8.000000000e+00, v52  }
0x2c0: {  	v40 =	vadd.s32 v29, v40;
	v49 =	vld [tilespmem:s0+$0xFFFFFF40];
	[tilespmem:v44+s17+$0x0] =	vst.idx.msk $0xffff, v42;
	v42 =	vmul.f32 $8.000000000e+00, v53  }
0x2c1: {  	v36 =	vadd.s32 v30, v36;
	v44 =	vmul.f32 $8.000000000e+00, v54;
	v50 =	vld [tilespmem:s0+$0xFFFFFF80];
	[tilespmem:v46+s17+$0x0] =	vst.idx.msk $0xffff, v43  }
0x2c2: {  	v37 =	vadd.s32 v31, v37;
	v43 =	vmul.f32 $8.000000000e+00, v47;
	v46 =	vld [tilespmem:s0+$0xFFFFFFC0];
	[tilespmem:v39+s17+$0x0] =	vst.idx.msk $0xffff, v42  }
0x2c3: {  	v38 =	vadd.s32 v32, v38;
	[tilespmem:v34+s17+$0x0] =	vst.idx.msk $0xffff, v44;
	v34 =	vmul.f32 $8.000000000e+00, v45  }
0x2c4: {  	v39 =	vadd.s32 v33, v41;
	[tilespmem:v35+s17+$0x0] =	vst.idx.msk $0xffff, v43;
	v35 =	vmul.f32 $8.000000000e+00, v48  }
0x2c5: {  	[tilespmem:v40+s17+$0x0] =	vst.idx.msk $0xffff, v34;
	v34 =	vmul.f32 $8.000000000e+00, v49  }
.Ltmp6:
0x2c6: {  	[tilespmem:v36+s17+$0x0] =	vst.idx.msk $0xffff, v35;
	v35 =	vmul.f32 $8.000000000e+00, v50;
	(pc) =	sbr.rel @p1 .LBB2_15-.Ltmp6, $4  }
0x2c7: {  	s10 =	sadd.s32 $0x1, s1;
	v36 =	vmov s1;
	[tilespmem:v37+s17+$0x0] =	vst.idx.msk $0xffff, v34;
	v40 =	vmul.f32 $8.000000000e+00, v46  }
0x2c8: {  	s11 =	sadd.s32 $0x3, s1;
	s14 =	sadd.s32 $0x4, s1;
	v41 =	vshrl.u32 v36, $0x3;
	v34 =	vmov s10;
	s10 =	sadd.s32 $0x2, s1;
	[tilespmem:v38+s17+$0x0] =	vst.idx.msk $0xffff, v35  }
0x2c9: {  	v37 =	vmov s11;
	v36 =	vmov s14;
	s11 =	sadd.s32 $0x6, s1;
	v38 =	vmov s10;
	s10 =	sadd.s32 $0x5, s1;
	[tilespmem:v39+s17+$0x0] =	vst.idx.msk $0xffff, v40  }
0x2ca: {  	v35 =	vshll.u32 v41, v1;
	v40 =	vmov s10;
	v39 =	vmov s11;
	s10 =	sadd.s32 $0x7, s1;
	s1 =	sadd.s32 $0x8, s1  }
0x2cb: {  	v34 =	vshrl.u32 v34, $0x3;
	v41 =	vmov s10  }
0x2cc: {  	v38 =	vshrl.u32 v38, $0x3;
	v37 =	vshrl.u32 v37, $0x3;
	v36 =	vshrl.u32 v36, $0x3  }
0x2cd: {  	v40 =	vshrl.u32 v40, $0x3;
	s0 =	sadd.s32 $0x200, s0;
	v39 =	vshrl.u32 v39, $0x3;
	v41 =	vshrl.u32 v41, $0x3  }
0x2ce: {  	v35 =	vbroadcast v35, $0x0;
	v34 =	vshll.u32 v34, v1;
	v43 =	vld [tilespmem:s0+$0xFFFFFE10];
	v41 =	vshll.u32 v41, v1  }
0x2cf: {  	v42 =	vld [tilespmem:s0+$0xFFFFFFD0];
	v38 =	vshll.u32 v38, v1;
	v37 =	vshll.u32 v37, v1;
	v41 =	vbroadcast v41, $0x0  }
0x2d0: {  	v44 =	vld [tilespmem:s0+$0xFFFFFE50];
	v36 =	vshll.u32 v36, v1;
	v34 =	vbroadcast v34, $0x0;
	v7 =	vadd.s32 v7, v35  }
0x2d1: {  	v45 =	vld [tilespmem:s0+$0xFFFFFE90];
	v40 =	vshll.u32 v40, v1;
	v38 =	vbroadcast v38, $0x0;
	v8 =	vadd.s32 v8, v41  }
0x2d2: {  	v46 =	vld [tilespmem:s0+$0xFFFFFED0];
	v39 =	vshll.u32 v39, v1;
	v37 =	vbroadcast v37, $0x0;
	v6 =	vadd.s32 v6, v34  }
0x2d3: {  	v47 =	vld [tilespmem:s0+$0xFFFFFF10];
	v36 =	vbroadcast v36, $0x0;
	v5 =	vadd.s32 v5, v38;
	v43 =	vmul.f32 $8.000000000e+00, v43  }
0x2d4: {  	v48 =	vld [tilespmem:s0+$0xFFFFFF50];
	v40 =	vbroadcast v40, $0x0;
	v4 =	vadd.s32 v4, v37;
	v42 =	vmul.f32 $8.000000000e+00, v42  }
0x2d5: {  	v49 =	vld [tilespmem:s0+$0xFFFFFF90];
	v39 =	vbroadcast v39, $0x0;
	v2 =	vadd.s32 v2, v36;
	v44 =	vmul.f32 $8.000000000e+00, v44;
	[tilespmem:v7+s17+$0x0] =	vst.idx.msk $0xffff, v43  }
0x2d6: {  	v3 =	vadd.s32 v3, v40;
	v59 =	vmul.f32 $8.000000000e+00, v45;
	v60 =	vld [tilespmem:s0+$0xFFFFFE20];
	[tilespmem:v8+s17+$0x0] =	vst.idx.msk $0xffff, v42  }
0x2d7: {  	v9 =	vadd.s32 v9, v39;
	v61 =	vmul.f32 $8.000000000e+00, v46;
	[tilespmem:v6+s17+$0x0] =	vst.idx.msk $0xffff, v44;
	v8 =	vld [tilespmem:s0+$0xFFFFFFE0]  }
0x2d8: {  	v63 =	vmul.f32 $8.000000000e+00, v47;
	v45 =	vadd.s32 v11, v35;
	[tilespmem:v5+s17+$0x0] =	vst.idx.msk $0xffff, v59;
	v62 =	vld [tilespmem:s0+$0xFFFFFE60]  }
0x2d9: {  	v47 =	vmul.f32 $8.000000000e+00, v48;
	v44 =	vadd.s32 v10, v41;
	[tilespmem:v4+s17+$0x0] =	vst.idx.msk $0xffff, v61;
	v46 =	vld [tilespmem:s0+$0xFFFFFEA0]  }
0x2da: {  	v48 =	vadd.s32 v12, v34;
	[tilespmem:v2+s17+$0x0] =	vst.idx.msk $0xffff, v63;
	v2 =	vmul.f32 $8.000000000e+00, v49;
	v50 =	vld [tilespmem:s0+$0xFFFFFEE0]  }
0x2db: {  	v51 =	vadd.s32 v13, v38;
	[tilespmem:v3+s17+$0x0] =	vst.idx.msk $0xffff, v47;
	v52 =	vld [tilespmem:s0+$0xFFFFFF20];
	v53 =	vmul.f32 $8.000000000e+00, v60  }
0x2dc: {  	v54 =	vadd.s32 v14, v37;
	v55 =	vld [tilespmem:s0+$0xFFFFFF60];
	[tilespmem:v9+s17+$0x0] =	vst.idx.msk $0xffff, v2;
	v3 =	vmul.f32 $8.000000000e+00, v8  }
0x2dd: {  	v56 =	vadd.s32 v15, v36;
	v57 =	vld [tilespmem:s0+$0xFFFFFFA0];
	v2 =	vmul.f32 $8.000000000e+00, v62;
	[tilespmem:v45+s17+$0x0] =	vst.idx.msk $0xffff, v53  }
0x2de: {  	v58 =	vadd.s32 v16, v40;
	v10 =	vld [tilespmem:s0+$0xFFFFFE30];
	[tilespmem:v44+s17+$0x0] =	vst.idx.msk $0xffff, v3;
	v3 =	vmul.f32 $8.000000000e+00, v46  }
0x2df: {  	v59 =	vadd.s32 v17, v39;
	[tilespmem:v48+s17+$0x0] =	vst.idx.msk $0xffff, v2;
	v2 =	vmul.f32 $8.000000000e+00, v50;
	v7 =	vld [tilespmem:s0+$0xFFFFFFF0]  }
0x2e0: {  	v62 =	vadd.s32 v19, v35;
	v60 =	vld [tilespmem:s0+$0xFFFFFE70];
	[tilespmem:v51+s17+$0x0] =	vst.idx.msk $0xffff, v3;
	v3 =	vmul.f32 $8.000000000e+00, v52  }
0x2e1: {  	v61 =	vadd.s32 v18, v41;
	[tilespmem:v54+s17+$0x0] =	vst.idx.msk $0xffff, v2;
	v2 =	vmul.f32 $8.000000000e+00, v55;
	v63 =	vld [tilespmem:s0+$0xFFFFFEB0]  }
0x2e2: {  	v18 =	vadd.s32 v20, v34;
	v19 =	vld [tilespmem:s0+$0xFFFFFEF0];
	[tilespmem:v56+s17+$0x0] =	vst.idx.msk $0xffff, v3;
	v3 =	vmul.f32 $8.000000000e+00, v57  }
0x2e3: {  	v20 =	vadd.s32 v21, v38;
	[tilespmem:v58+s17+$0x0] =	vst.idx.msk $0xffff, v2;
	v42 =	vmul.f32 $8.000000000e+00, v10;
	v21 =	vld [tilespmem:s0+$0xFFFFFF30]  }
0x2e4: {  	v43 =	vadd.s32 v22, v37;
	v44 =	vld [tilespmem:s0+$0xFFFFFF70];
	v2 =	vmul.f32 $8.000000000e+00, v7;
	[tilespmem:v59+s17+$0x0] =	vst.idx.msk $0xffff, v3  }
0x2e5: {  	v45 =	vadd.s32 v23, v36;
	v3 =	vmul.f32 $8.000000000e+00, v60;
	[tilespmem:v62+s17+$0x0] =	vst.idx.msk $0xffff, v42;
	v46 =	vld [tilespmem:s0+$0xFFFFFFB0]  }
0x2e6: {  	v47 =	vadd.s32 v24, v40;
	v12 =	vld [tilespmem:s0+$0xFFFFFE40];
	[tilespmem:v61+s17+$0x0] =	vst.idx.msk $0xffff, v2;
	v2 =	vmul.f32 $8.000000000e+00, v63  }
0x2e7: {  	v48 =	vadd.s32 v25, v39;
	[tilespmem:v18+s17+$0x0] =	vst.idx.msk $0xffff, v3;
	v3 =	vmul.f32 $8.000000000e+00, v19;
	v5 =	vld [tilespmem:s0+$0x0]  }
0x2e8: {  	v51 =	vadd.s32 v27, v35;
	v49 =	vld [tilespmem:s0+$0xFFFFFE80];
	[tilespmem:v20+s17+$0x0] =	vst.idx.msk $0xffff, v2;
	v2 =	vmul.f32 $8.000000000e+00, v21  }
0x2e9: {  	v50 =	vadd.s32 v26, v41;
	[tilespmem:v43+s17+$0x0] =	vst.idx.msk $0xffff, v3;
	v3 =	vmul.f32 $8.000000000e+00, v44;
	v52 =	vld [tilespmem:s0+$0xFFFFFEC0]  }
0x2ea: {  	v53 =	vadd.s32 v28, v34;
	v54 =	vld [tilespmem:s0+$0xFFFFFF00];
	[tilespmem:v45+s17+$0x0] =	vst.idx.msk $0xffff, v2;
	v2 =	vmul.f32 $8.000000000e+00, v46  }
0x2eb: {  	v55 =	vadd.s32 v29, v38;
	[tilespmem:v47+s17+$0x0] =	vst.idx.msk $0xffff, v3;
	v57 =	vmul.f32 $8.000000000e+00, v12;
	v56 =	vld [tilespmem:s0+$0xFFFFFF40]  }
0x2ec: {  	v58 =	vadd.s32 v30, v37;
	v59 =	vld [tilespmem:s0+$0xFFFFFF80];
	v3 =	vmul.f32 $8.000000000e+00, v5;
	[tilespmem:v48+s17+$0x0] =	vst.idx.msk $0xffff, v2  }
0x2ed: {  	v60 =	vadd.s32 v31, v36;
	v2 =	vmul.f32 $8.000000000e+00, v49;
	[tilespmem:v51+s17+$0x0] =	vst.idx.msk $0xffff, v57;
	v61 =	vld [tilespmem:s0+$0xFFFFFFC0]  }
0x2ee: {  	v62 =	vadd.s32 v32, v40;
	[tilespmem:v50+s17+$0x0] =	vst.idx.msk $0xffff, v3;
	v3 =	vmul.f32 $8.000000000e+00, v52  }
0x2ef: {  	v63 =	vadd.s32 v33, v39;
	[tilespmem:v53+s17+$0x0] =	vst.idx.msk $0xffff, v2;
	v2 =	vmul.f32 $8.000000000e+00, v54  }
0x2f0: {  	[tilespmem:v55+s17+$0x0] =	vst.idx.msk $0xffff, v3;
	v3 =	vmul.f32 $8.000000000e+00, v56  }
0x2f1: {  	[tilespmem:v58+s17+$0x0] =	vst.idx.msk $0xffff, v2;
	v2 =	vmul.f32 $8.000000000e+00, v59  }
0x2f2: {  	[tilespmem:v60+s17+$0x0] =	vst.idx.msk $0xffff, v3;
	v3 =	vmul.f32 $8.000000000e+00, v61  }
0x2f3: {  	[tilespmem:v62+s17+$0x0] =	vst.idx.msk $0xffff, v2  }
0x2f4: {  	[tilespmem:v63+s17+$0x0] =	vst.idx.msk $0xffff, v3  }
0x2f5: {  	_ =	swait.ge [sflag:s24], $0x2000  }
0x2f6: {  	s1 =	simm.s32 @!p0 $0x80;
	[sflag:s24] =	ssyncset.done $0x0  }
0x2f7: {  	s10 =	simm.s32 @!p0 $0x8400;
	s0 =	sadd.s32 @!p0 $0x280, s30;
	[sflag:s24] =	ssyncadd.s32 $0xFFFFE000  }
0x2f8: {  	[tilespmem:s10], [sflag:$0x2] =	stream.indirect.gather @!p0 [hbm4b:s3+s1], $0x40, s0, s1, $0xb8;
	[tilespmem:$0x16C00] =	vst v63  }
0x2f9: {  	s1 =	sadd.s32 s31, s8;
	s31 =	simm.s32 $0x14A00  }
0x2fa: {  	[hbm4b:s1+s2] =	stream.linear.scatter [tilespmem:s31], [sflag:$0x8], $0x80, $0x38;
	[tilespmem:$0x16C00] =	vst v63  }
0x2fb: {  	s10 =	simm.s32 $0x14A88;
	s11 =	sadd.s32 $0x10, s1  }
0x2fc: {  	[hbm4b:s11+s2] =	stream.linear.scatter [tilespmem:s10], [sflag:$0x8], $0x80, $0x38;
	[tilespmem:$0x16C00] =	vst v63  }
0x2fd: {  	s14 =	simm.s32 $0x14B10;
	s30 =	simm.s32 $0x14B98;
	s15 =	sadd.s32 $0x20, s1  }
0x2fe: {  	[hbm4b:s15+s2] =	stream.linear.scatter [tilespmem:s14], [sflag:$0x8], $0x80, $0x38;
	[tilespmem:$0x16C00] =	vst v63  }
0x2ff: {  	s0 =	simm.s32 $0x440;
	s31 =	sadd.s32 $0x30, s1;
	s10 =	simm.s32 $0x14C20  }
0x300: {  	[hbm4b:s31+s2] =	stream.linear.scatter [tilespmem:s30], [sflag:$0x8], $0x80, $0x38;
	[tilespmem:$0x16C00] =	vst v63  }
0x301: {  	s11 =	sadd.s32 $0x40, s1;
	s14 =	simm.s32 $0x14CA8;
	s15 =	sadd.s32 $0x50, s1  }
0x302: {  	[hbm4b:s11+s2] =	stream.linear.scatter [tilespmem:s10], [sflag:$0x8], $0x80, $0x38;
	[tilespmem:$0x16C00] =	vst v63  }
0x303: {  	s30 =	simm.s32 $0x14D30;
	s31 =	sadd.s32 $0x60, s1;
	s10 =	simm.s32 $0x2200  }
0x304: {  	[hbm4b:s15+s2] =	stream.linear.scatter [tilespmem:s14], [sflag:$0x8], $0x80, $0x38;
	[tilespmem:$0x16C00] =	vst v63  }
0x305: {  	s11 =	simm.s32 $0x14DB8;
	s14 =	sadd.s32 $0x70, s1;
	s1 =	sadd.s32 $0x4000, s1  }
0x306: {  	[hbm4b:s31+s2] =	stream.linear.scatter [tilespmem:s30], [sflag:$0x8], $0x80, $0x38;
	[tilespmem:$0x16C00] =	vst v63  }
.LBB2_17:
0x307: {  	[hbm4b:s14+s2] =	stream.linear.scatter [tilespmem:s11], [sflag:$0x8], $0x80, $0x38;
	[tilespmem:$0x16C00] =	vst v63  }
0x308: {  	s11 =	smov.u32 s0;
	s0 =	smov.u32 s10  }
0x309: {  	s15 =	sadd.s32 $0x1100, s10;
	s0 =	sshra.s32 s0, $0x2;
	s14 =	sadd.s32 $0x14A00, s11  }
0x30a: {  	[hbm4b:s1+s2] =	stream.linear.scatter [tilespmem:s14], [sflag:$0x8], $0x80, $0x38;
	[tilespmem:$0x16C00] =	vst v63  }
0x30b: {  	p0 =	sne.s32 s10, $0x7700;
	s10 =	sadd.s32 $0x14A88, s11;
	s14 =	sadd.s32 $0x10, s1  }
0x30c: {  	[hbm4b:s14+s2] =	stream.linear.scatter [tilespmem:s10], [sflag:$0x8], $0x80, $0x38;
	[tilespmem:$0x16C00] =	vst v63  }
0x30d: {  	s10 =	sadd.s32 $0x14B10, s11;
	s14 =	sadd.s32 $0x20, s1  }
0x30e: {  	[hbm4b:s14+s2] =	stream.linear.scatter [tilespmem:s10], [sflag:$0x8], $0x80, $0x38;
	[tilespmem:$0x16C00] =	vst v63  }
0x30f: {  	s10 =	sadd.s32 $0x14B98, s11;
	s14 =	sadd.s32 $0x30, s1  }
0x310: {  	[hbm4b:s14+s2] =	stream.linear.scatter [tilespmem:s10], [sflag:$0x8], $0x80, $0x38;
	[tilespmem:$0x16C00] =	vst v63  }
0x311: {  	s10 =	sadd.s32 $0x14C20, s11;
	s14 =	sadd.s32 $0x40, s1  }
0x312: {  	[hbm4b:s14+s2] =	stream.linear.scatter [tilespmem:s10], [sflag:$0x8], $0x80, $0x38;
	[tilespmem:$0x16C00] =	vst v63  }
.Ltmp7:
0x313: {  	s10 =	sadd.s32 $0x14CA8, s11;
	s14 =	sadd.s32 $0x50, s1;
	(pc) =	sbr.rel @p0 .LBB2_17-.Ltmp7, $4  }
0x314: {  	[hbm4b:s14+s2] =	stream.linear.scatter [tilespmem:s10], [sflag:$0x8], $0x80, $0x38;
	[tilespmem:$0x16C00] =	vst v63  }
0x315: {  	s10 =	sadd.s32 $0x14D30, s11;
	s14 =	sadd.s32 $0x60, s1;
	s11 =	sadd.s32 $0x14DB8, s11  }
0x316: {  	[hbm4b:s14+s2] =	stream.linear.scatter [tilespmem:s10], [sflag:$0x8], $0x80, $0x38;
	[tilespmem:$0x16C00] =	vst v63  }
0x317: {  	s14 =	sadd.s32 $0x70, s1;
	s1 =	sadd.s32 $0x4000, s1;
	s10 =	smov.u32 s15  }
0x318: {  	v49 =	vld [tilespmem:$0x1FD50]  }
0x319: {  	v50 =	vld [tilespmem:$0x1FD60]  }
0x31a: {  	v51 =	vld [tilespmem:$0x1FD70]  }
0x31b: {  	v52 =	vld [tilespmem:$0x1FD80]  }
0x31c: {  	v53 =	vld [tilespmem:$0x1FD90]  }
0x31d: {  	v54 =	vld [tilespmem:$0x1FDA0]  }
0x31e: {  	v48 =	vld [tilespmem:$0x1FDB0]  }
0x31f: {  	v38 =	vld [tilespmem:$0x1FDC0]  }
0x320: {  	v41 =	vld [tilespmem:$0x1FDD0]  }
0x321: {  	[hbm4b:s14+s2] =	stream.linear.scatter [tilespmem:s11], [sflag:$0x8], $0x80, $0x38;
	v42 =	vld [tilespmem:$0x1FDE0]  }
0x322: {  	s10 =	sadd.s32 $0x14A00, s0;
	v45 =	vld [tilespmem:$0x1FDF0]  }
0x323: {  	v46 =	vld [tilespmem:$0x1FE00];
	[hbm4b:s1+s2] =	stream.linear.scatter [tilespmem:s10], [sflag:$0x8], $0x80, $0x38  }
0x324: {  	s30 =	sadd.s32 $0x14A88, s0;
	s31 =	sadd.s32 $0x10, s1;
	v47 =	vld [tilespmem:$0x1FE10]  }
0x325: {  	v37 =	vld [tilespmem:$0x1FE20];
	[hbm4b:s31+s2] =	stream.linear.scatter [tilespmem:s30], [sflag:$0x8], $0x80, $0x38  }
0x326: {  	s14 =	sadd.s32 $0x14B10, s0;
	s15 =	sadd.s32 $0x20, s1;
	v40 =	vld [tilespmem:$0x1FE30]  }
0x327: {  	v44 =	vld [tilespmem:$0x1FE40];
	[hbm4b:s15+s2] =	stream.linear.scatter [tilespmem:s14], [sflag:$0x8], $0x80, $0x38  }
0x328: {  	v36 =	vld [tilespmem:$0x1FE50];
	s30 =	sadd.s32 $0x14B98, s0;
	s31 =	sadd.s32 $0x30, s1  }
0x329: {  	v39 =	vld [tilespmem:$0x1FE60];
	[hbm4b:s31+s2] =	stream.linear.scatter [tilespmem:s30], [sflag:$0x8], $0x80, $0x38  }
0x32a: {  	s29 =	sadd.s32 $0x1, s29;
	v43 =	vld [tilespmem:$0x1FE70];
	s14 =	sadd.s32 $0x14C20, s0;
	s15 =	sadd.s32 $0x40, s1  }
0x32b: {  	v55 =	vld [tilespmem:$0x1FE80];
	[hbm4b:s15+s2] =	stream.linear.scatter [tilespmem:s14], [sflag:$0x8], $0x80, $0x38  }
0x32c: {  	v56 =	vld [tilespmem:$0x1FE90];
	p0 =	sne.s32 s29, $0x32;
	s30 =	sadd.s32 $0x14CA8, s0;
	s31 =	sadd.s32 $0x50, s1  }
0x32d: {  	v58 =	vld [tilespmem:$0x1FEA0];
	[hbm4b:s31+s2] =	stream.linear.scatter [tilespmem:s30], [sflag:$0x8], $0x80, $0x38  }
.Ltmp8:
0x32e: {  	v59 =	vld [tilespmem:$0x1FEB0];
	(pc) =	sbr.rel @p0 .LBB2_2-.Ltmp8, $4  }
0x32f: {  	v61 =	vld [tilespmem:$0x1FEC0];
	s14 =	sadd.s32 $0x14D30, s0;
	s15 =	sadd.s32 $0x60, s1  }
0x330: {  	v62 =	vld [tilespmem:$0x1FED0];
	[hbm4b:s15+s2] =	stream.linear.scatter [tilespmem:s14], [sflag:$0x8], $0x80, $0x38  }
0x331: {  	v63 =	vld [tilespmem:$0x1FEE0];
	s30 =	sadd.s32 $0x14DB8, s0;
	s31 =	sadd.s32 $0x70, s1  }
0x332: {  	v60 =	vld [tilespmem:$0x1FFF0];
	[hbm4b:s31+s2] =	stream.linear.scatter [tilespmem:s30], [sflag:$0x8], $0x80, $0x38  }
0x333: {  	s28 =	sadd.s32 $0x1, s28  }
0x334: {  	_ =	swait.ge [sflag:s25], $0x2000;
	p0 =	sne.s32 s28, s9  }
.Ltmp9:
0x335: {  	[sflag:s25] =	ssyncset.done $0x0;
	(pc) =	sbr.rel @p0 .LBB2_1-.Ltmp9, $4  }
0x336: {  	[sflag:s25] =	ssyncadd.s32 $0xFFFFE000  }
0x337: {  	_ =	swait.ge [sflag:s26], $0x2000  }
0x338: {  	[sflag:s26] =	ssyncset.done $0x0  }
0x339: {  	[sflag:s26] =	ssyncadd.s32 $0xFFFFE000  }
0x33a: {  	_ =	sfence.sel $0x180000  }
0x33b: {  	[bflag:$0x0] =	sbarrier.arrive $0xFFFF  }
0x33c: {  	_ =	strace $0x90000047  }
0x33d: {  	s0 =	stileid.u32;
	[bflag:$0x2] =	sbarrier.arrive $0xFFFF  }
0x33e: {  	p0 =	sne.s32 s0, $0x0;
	s0 =	rddreg [dreg:$0x2]  }
0x33f: {  	s0 =	sadd.s32 @!p0 $0x100000, s0  }
0x340: {  	[sflag:s0] =	ssyncadd.tile.s32 @!p0 $0x1;
	_ =	shalt  }
.Lfunc_end2:
_tile_overlayer_lowered:
.L_overlay_start_2:
0x341: {  	(tag) =	ssettag $0x2  }
0x342: {  	s0 =	rddreg [dreg:$0x0];
	s2 =	stileid.u32  }
0x343: {  	s1 =	rddreg [dreg:$0x1];
	p0 =	sne.s32 s2, $0x0  }
0x344: {  	s3 =	rddreg [dreg:$0x2];
	[bflag:$0x3] =	sbarrier.arrive $0xFFFF;
	s2 =	simm.s32 @!p0 $0x1C09  }
0x345: {  	[timem:s3], [sflag:s2] =	dma.local @!p0 [hbm:s0], s1  }
0x346: {  	s0 =	simm.s32 @!p0 $0x9  }
0x347: {  	_ =	swait.ge @!p0 [sflag:s0], s1  }
0x348: {  	s1 =	ssub.s32 @!p0 $0x0, s1;
	[sflag:s0] =	ssyncset.done @!p0 $0x0  }
0x349: {  	[sflag:s0] =	ssyncadd.s32 @!p0 s1  }
0x34a: {  	[bflag:$0x3] =	sbarrier.arrive $0xFFFF  }
0x34b: {  	_ =	shalt  }

</sc_bundles>
